<compile_context>
chip_gen: v7x
topology: tpu7x:2x2x1
jax: 0.10.2.dev20260603
libtpu: 0.0.44.dev20260713+nightly
codegen_flags: <defaults>
</compile_context>

<pallas_src>
import functools

import jax
import jax.numpy as jnp
from jax import lax
from jax.experimental import pallas as pl
from jax.experimental.pallas import tpu as pltpu
from jax.experimental.pallas import tpu_sc as plsc

NUM_CORES = 2
NUM_SUBCORES = 16
NW = NUM_CORES * NUM_SUBCORES
CHUNK = 128
DP = 128
V = 1000000
NFULL = V // DP
TAIL = V - NFULL * DP


def _relayout(tabT, tail128):
    D = tabT.shape[0]
    mesh = plsc.VectorSubcoreMesh(core_axis_name="c", subcore_axis_name="s")

    @functools.partial(
        pl.kernel,
        out_type=jax.ShapeDtypeStruct((V, DP), jnp.float32),
        mesh=mesh,
        scratch_types=[
            pltpu.VMEM((DP, DP), jnp.float32),
            pltpu.VMEM((DP, DP), jnp.float32),
            pltpu.VMEM((DP, DP + 1), jnp.float32),
            pltpu.VMEM((DP, DP + 1), jnp.float32),
            pltpu.SemaphoreType.DMA,
            pltpu.SemaphoreType.DMA,
            pltpu.SemaphoreType.DMA,
            pltpu.SemaphoreType.DMA,
        ],
        compiler_params=pltpu.CompilerParams(needs_layout_passes=False),
    )
    def k(tabT_hbm, tail_hbm, tabp_hbm, in0, in1, out0, out1, si0, si1, so0, so1):
        wid = lax.axis_index("s") * NUM_CORES + lax.axis_index("c")
        lanes = lax.iota(jnp.int32, 16)
        i_vecs = [p * 16 + lanes for p in range(8)]
        ins = (in0, in1)
        outs = (out0, out1)
        sis = (si0, si1)
        sos = (so0, so1)

        nb = jnp.where(wid < 2, 246, 244)
        lo = wid * 244 + jnp.minimum(wid, 2) * 2

        def in_cp(tt, b):
            return pltpu.make_async_copy(
                tabT_hbm.at[:, pl.ds((lo + tt) * DP, DP)],
                ins[b].at[pl.ds(0, D)],
                sis[b],
            )

        def out_cp(tt, b):
            return pltpu.make_async_copy(
                outs[b].at[:, pl.ds(0, DP)],
                tabp_hbm.at[pl.ds((lo + tt) * DP, DP)],
                sos[b],
            )

        in_cp(0, 0).start()

        @pl.loop(0, nb, step=2)
        def block_loop(t):
            for b in range(2):
                tt = t + b

                @pl.when(tt + 1 < nb)
                def _():
                    in_cp(tt + 1, 1 - b).start()

                in_cp(tt, b).wait()

                @pl.when(tt >= 2)
                def _():
                    out_cp(tt - 2, b).wait()

                @plsc.parallel_loop(0, D, unroll=10)
                def d_loop(d):
                    d_vec = jnp.full((16,), d, jnp.int32)
                    for p in range(8):
                        vals = ins[b][d, pl.ds(p * 16, 16)]
                        plsc.store_scatter(outs[b], [i_vecs[p], d_vec], vals)

                out_cp(tt, b).start()

        out_cp(nb - 2, 0).wait()
        out_cp(nb - 1, 1).wait()

        @pl.when(wid == 0)
        def tail():
            pltpu.sync_copy(tail_hbm, in0.at[pl.ds(0, TAIL)])
            pltpu.sync_copy(
                in0.at[pl.ds(0, TAIL)], tabp_hbm.at[pl.ds(NFULL * DP, TAIL)]
            )

    return k(tabT, tail128)


def _gather(idx3d, tabp):
    _, chunks_per_w, _ = idx3d.shape
    B = NW * chunks_per_w * CHUNK
    per_w = B // NW
    mesh = plsc.VectorSubcoreMesh(core_axis_name="c", subcore_axis_name="s")

    @functools.partial(
        pl.kernel,
        out_type=jax.ShapeDtypeStruct((B, DP), jnp.float32),
        mesh=mesh,
        scratch_types=[
            pltpu.VMEM((chunks_per_w, CHUNK), jnp.int32),
            pltpu.VMEM((CHUNK, DP), jnp.float32),
            pltpu.VMEM((CHUNK, DP), jnp.float32),
            pltpu.SemaphoreType.DMA,
            pltpu.SemaphoreType.DMA,
        ],
    )
    def k(idx_hbm, tab_hbm, out_hbm, idx_v, rows0, rows1, sem0, sem1):
        wid = lax.axis_index("s") * NUM_CORES + lax.axis_index("c")
        pltpu.sync_copy(idx_hbm.at[wid], idx_v)
        obase = wid * per_w
        bufs = (rows0, rows1)
        sems = (sem0, sem1)

        pltpu.async_copy(tab_hbm.at[idx_v.at[0]], rows0, sem0)

        @pl.loop(0, chunks_per_w, step=2)
        def chunk_loop(j):
            for b in range(2):
                jj = j + b

                @pl.when(jj + 1 < chunks_per_w)
                def _():
                    pltpu.async_copy(
                        tab_hbm.at[idx_v.at[jj + 1]], bufs[1 - b], sems[1 - b]
                    )

                pltpu.make_async_copy(
                    tab_hbm.at[idx_v.at[jj]], bufs[b], sems[b]
                ).wait()
                pltpu.sync_copy(
                    bufs[b], out_hbm.at[pl.ds(obase + jj * CHUNK, CHUNK)]
                )

    return k(idx3d, tabp)


def kernel(x, table):
    B = x.size
    D = table.shape[1]
    idx3d = x.reshape(NW, B // (NW * CHUNK), CHUNK).astype(jnp.int32)
    tail128 = jnp.pad(table[NFULL * DP :], ((0, 0), (0, DP - D)))
    tabp = _relayout(table.T, tail128)
    out = _gather(idx3d, tabp)
    return out[:, :D].reshape(x.shape + (D,))

# --- scband reference (transcript-rebuilt; emitter-appended) ---
"""Pipeline reference for scband-embedding-model-88828513616297 (READ-ONLY COPY).

The authoritative reference and input builder live on the scoring server;
editing this copy changes nothing except your own understanding.
"""

import jax, jax.numpy as jnp
import numpy as np

NUM_PLAYERS = 1000000
EMBED_DIM = 100

def setup_inputs(seed: int = 0) -> dict:
    key = jax.random.key(seed)
    k_idx, k_tab = jax.random.split(key)
    x = jax.random.randint(k_idx, (4096, 50), 0, NUM_PLAYERS, dtype=jnp.int64 if jax.config.jax_enable_x64 else jnp.int32)
    table = jax.random.normal(k_tab, (NUM_PLAYERS, EMBED_DIM), dtype=jnp.float32)
    return {"x": x, "table": table}

def reference(x, table):
    # nn.Embedding forward: gather rows of the table by index
    return jnp.take(table, x, axis=0)

if __name__ == "__main__":
    import jax
    _d = setup_inputs()
    print(jax.jit(kernel)(*tuple(_d.values())))

</pallas_src>

<mosaic_0001>
#map = affine_map<(d0, d1) -> (0, 0)>
module attributes {stable_mosaic.version = 14 : i64} {
  func.func @k(%arg0: i32, %arg1: i32, %arg2: memref<100x1000000xf32, #tpu.memory_space<hbm>>, %arg3: memref<64x128xf32, #tpu.memory_space<hbm>>, %arg4: memref<1000000x128xf32, #tpu.memory_space<hbm>>, %arg5: memref<128x128xf32, #tpu.memory_space<vmem>>, %arg6: memref<128x128xf32, #tpu.memory_space<vmem>>, %arg7: memref<128x129xf32, #tpu.memory_space<vmem>>, %arg8: memref<128x129xf32, #tpu.memory_space<vmem>>, %arg9: memref<!tpu.dma_semaphore, #tpu.memory_space<semaphore_mem>>, %arg10: memref<!tpu.dma_semaphore, #tpu.memory_space<semaphore_mem>>, %arg11: memref<!tpu.dma_semaphore, #tpu.memory_space<semaphore_mem>>, %arg12: memref<!tpu.dma_semaphore, #tpu.memory_space<semaphore_mem>>) attributes {dimension_semantics = [#tpu.dimension_semantics<core_parallel>, #tpu.dimension_semantics<subcore_parallel>], iteration_bounds = array<i64: 2, 16>, scalar_prefetch = 0 : i64, scratch_operands = 8 : i64, tpu.core_type = #tpu.core_type<sc_vector_subcore>, window_params = [{transform_indices = #map}, {transform_indices = #map}, {transform_indices = #map}]} {
    %mul3A = arith.constant 2 : i32
    %mul3A_0 = arith.muli %arg1, %mul3A : i32
    %add3A = arith.addi %mul3A_0, %arg0 : i32
    %iota3A = tpu.iota {dimensions = array<i32: 0>} : vector<16xi32>
    %add3A_1 = arith.constant 0 : i32
    %add3A_2 = vector.broadcast %add3A_1 : i32 to vector<16xi32>
    %add3A_3 = arith.addi %add3A_2, %iota3A : vector<16xi32>
    %add3A_4 = arith.constant 16 : i32
    %add3A_5 = vector.broadcast %add3A_4 : i32 to vector<16xi32>
    %add3A_6 = arith.addi %add3A_5, %iota3A : vector<16xi32>
    %add3A_7 = arith.constant 32 : i32
    %add3A_8 = vector.broadcast %add3A_7 : i32 to vector<16xi32>
    %add3A_9 = arith.addi %add3A_8, %iota3A : vector<16xi32>
    %add3A_10 = arith.constant 48 : i32
    %add3A_11 = vector.broadcast %add3A_10 : i32 to vector<16xi32>
    %add3A_12 = arith.addi %add3A_11, %iota3A : vector<16xi32>
    %add3A_13 = arith.constant 64 : i32
    %add3A_14 = vector.broadcast %add3A_13 : i32 to vector<16xi32>
    %add3A_15 = arith.addi %add3A_14, %iota3A : vector<16xi32>
    %add3A_16 = arith.constant 80 : i32
    %add3A_17 = vector.broadcast %add3A_16 : i32 to vector<16xi32>
    %add3A_18 = arith.addi %add3A_17, %iota3A : vector<16xi32>
    %add3A_19 = arith.constant 96 : i32
    %add3A_20 = vector.broadcast %add3A_19 : i32 to vector<16xi32>
    %add3A_21 = arith.addi %add3A_20, %iota3A : vector<16xi32>
    %add3A_22 = arith.constant 112 : i32
    %add3A_23 = vector.broadcast %add3A_22 : i32 to vector<16xi32>
    %add3A_24 = arith.addi %add3A_23, %iota3A : vector<16xi32>
    %lt3A = arith.constant 2 : i32
    %lt3A_25 = arith.cmpi slt, %add3A, %lt3A : i32
    %jit3A = arith.constant 246 : i32
    %jit3A_26 = arith.constant 244 : i32
    %select_n3A = arith.select %lt3A_25, %jit3A, %jit3A_26 : i32
    %mul3A_27 = arith.constant 244 : i32
    %mul3A_28 = arith.muli %add3A, %mul3A_27 : i32
    %min3A = arith.constant 2 : i32
    %min3A_29 = arith.minsi %add3A, %min3A : i32
    %mul3A_30 = arith.constant 2 : i32
    %mul3A_31 = arith.muli %min3A_29, %mul3A_30 : i32
    %add3A_32 = arith.addi %mul3A_28, %mul3A_31 : i32
    %add3A_33 = arith.constant 0 : i32
    %add3A_34 = arith.addi %add3A_32, %add3A_33 : i32
    %mul3A_35 = arith.constant 128 : i32
    %mul3A_36 = arith.muli %add3A_34, %mul3A_35 : i32
    %dma_start3A = arith.constant 0 : i32
    %dma_start3A_37 = arith.constant 0 : i32
    %dma_start3A_38 = tpu.memref_slice %arg5[%dma_start3A, %dma_start3A_37] : memref<128x128xf32, #tpu.memory_space<vmem>> -> memref<100x128xf32, #tpu.memory_space<vmem>>
    %dma_start3A_39 = arith.constant 0 : i32
    %dma_start3A_40 = tpu.memref_slice %arg2[%dma_start3A_39, %mul3A_36] : memref<100x1000000xf32, #tpu.memory_space<hbm>> -> memref<100x128xf32, #tpu.memory_space<hbm>>
    %dma_start3A_41 = arith.constant 0 : i32
    %dma_start3A_42 = arith.constant 0 : i32
    %dma_start3A_43 = tpu.memref_slice %arg5[%dma_start3A_41, %dma_start3A_42] : memref<128x128xf32, #tpu.memory_space<vmem>> -> memref<100x128xf32, #tpu.memory_space<vmem>>
    %dma_start3A_44 = arith.constant 0 : i32
    %dma_start3A_45 = tpu.memref_slice %arg2[%dma_start3A_44, %mul3A_36] : memref<100x1000000xf32, #tpu.memory_space<hbm>> -> memref<100x128xf32, #tpu.memory_space<hbm>>
    tpu.enqueue_dma source(%dma_start3A_45 : memref<100x128xf32, #tpu.memory_space<hbm>>) target(%dma_start3A_43 : memref<100x128xf32, #tpu.memory_space<vmem>>) target_semaphore(%arg9 : memref<!tpu.dma_semaphore, #tpu.memory_space<semaphore_mem>>)
    %sub3A = arith.constant 0 : i32
    %sub3A_46 = arith.subi %select_n3A, %sub3A : i32
    %sub3A_47 = arith.constant 2 : i32
    %sub3A_48 = arith.constant 1 : i32
    %sub3A_49 = arith.subi %sub3A_47, %sub3A_48 : i32
    %add3A_50 = arith.addi %sub3A_46, %sub3A_49 : i32
    %div3A = arith.constant 2 : i32
    %div3A_51 = arith.divsi %add3A_50, %div3A : i32
    %while3A = arith.constant 2 : i32
    %while3A_52 = arith.constant 0 : i32
    %while3A_53 = arith.constant 0 : i32
    %while3A_54 = arith.subi %div3A_51, %while3A_53 : i32
    %while3A_55 = arith.addi %while3A_53, %while3A_54 : i32
    %while3A_56 = arith.constant 1 : i32
    %while3A_57 = arith.divsi %while3A_54, %while3A_56 : i32
    %while3A_58 = arith.muli %while3A_57, %while3A_56 : i32
    %while3A_59 = arith.addi %while3A_53, %while3A_58 : i32
    %while3A_60 = arith.constant 1 : i32
    scf.for %while3A_93 = %while3A_53 to %while3A_59 step %while3A_60  : i32 {
      %mul3A_94 = arith.muli %while3A_93, %while3A : i32
      %add3A_95 = arith.addi %while3A_52, %mul3A_94 : i32
      %add3A_96 = arith.constant 0 : i32
      %add3A_97 = arith.addi %add3A_95, %add3A_96 : i32
      %add3A_98 = arith.constant 1 : i32
      %add3A_99 = arith.addi %add3A_97, %add3A_98 : i32
      %lt3A_100 = arith.cmpi slt, %add3A_99, %select_n3A : i32
      %convert_element_type3A_101 = arith.extui %lt3A_100 : i1 to i32
      %cond3A_102 = arith.constant 0 : i32
      %cond3A_103 = arith.cmpi ne, %convert_element_type3A_101, %cond3A_102 : i32
      scf.if %cond3A_103 {
        %add3A_178 = arith.constant 1 : i32
        %add3A_179 = arith.addi %add3A_97, %add3A_178 : i32
        %add3A_180 = arith.addi %add3A_32, %add3A_179 : i32
        %mul3A_181 = arith.constant 128 : i32
        %mul3A_182 = arith.muli %add3A_180, %mul3A_181 : i32
        %dma_start3A_183 = arith.constant 0 : i32
        %dma_start3A_184 = arith.constant 0 : i32
        %dma_start3A_185 = tpu.memref_slice %arg6[%dma_start3A_183, %dma_start3A_184] : memref<128x128xf32, #tpu.memory_space<vmem>> -> memref<100x128xf32, #tpu.memory_space<vmem>>
        %dma_start3A_186 = arith.constant 0 : i32
        %dma_start3A_187 = tpu.memref_slice %arg2[%dma_start3A_186, %mul3A_182] : memref<100x1000000xf32, #tpu.memory_space<hbm>> -> memref<100x128xf32, #tpu.memory_space<hbm>>
        %dma_start3A_188 = arith.constant 0 : i32
        %dma_start3A_189 = arith.constant 0 : i32
        %dma_start3A_190 = tpu.memref_slice %arg6[%dma_start3A_188, %dma_start3A_189] : memref<128x128xf32, #tpu.memory_space<vmem>> -> memref<100x128xf32, #tpu.memory_space<vmem>>
        %dma_start3A_191 = arith.constant 0 : i32
        %dma_start3A_192 = tpu.memref_slice %arg2[%dma_start3A_191, %mul3A_182] : memref<100x1000000xf32, #tpu.memory_space<hbm>> -> memref<100x128xf32, #tpu.memory_space<hbm>>
        tpu.enqueue_dma source(%dma_start3A_192 : memref<100x128xf32, #tpu.memory_space<hbm>>) target(%dma_start3A_190 : memref<100x128xf32, #tpu.memory_space<vmem>>) target_semaphore(%arg10 : memref<!tpu.dma_semaphore, #tpu.memory_space<semaphore_mem>>)
      } else {
      }
      %add3A_104 = arith.addi %add3A_32, %add3A_97 : i32
      %mul3A_105 = arith.constant 128 : i32
      %mul3A_106 = arith.muli %add3A_104, %mul3A_105 : i32
      %dma_wait3A_107 = arith.constant 0 : i32
      %dma_wait3A_108 = arith.constant 0 : i32
      %dma_wait3A_109 = tpu.memref_slice %arg5[%dma_wait3A_107, %dma_wait3A_108] : memref<128x128xf32, #tpu.memory_space<vmem>> -> memref<100x128xf32, #tpu.memory_space<vmem>>
      %dma_wait3A_110 = arith.constant 0 : i32
      %dma_wait3A_111 = tpu.memref_slice %arg2[%dma_wait3A_110, %mul3A_106] : memref<100x1000000xf32, #tpu.memory_space<hbm>> -> memref<100x128xf32, #tpu.memory_space<hbm>>
      %dma_wait3A_112 = arith.constant 0 : i32
      %dma_wait3A_113 = arith.constant 0 : i32
      %dma_wait3A_114 = tpu.memref_slice %arg5[%dma_wait3A_112, %dma_wait3A_113] : memref<128x128xf32, #tpu.memory_space<vmem>> -> memref<100x128xf32, #tpu.memory_space<vmem>>
      %dma_wait3A_115 = arith.constant 0 : i32
      %dma_wait3A_116 = tpu.memref_slice %arg2[%dma_wait3A_115, %mul3A_106] : memref<100x1000000xf32, #tpu.memory_space<hbm>> -> memref<100x128xf32, #tpu.memory_space<hbm>>
      tpu.wait_dma2 semaphore(%arg9 : memref<!tpu.dma_semaphore, #tpu.memory_space<semaphore_mem>>) src(%dma_wait3A_116 : memref<100x128xf32, #tpu.memory_space<hbm>>) dst(%dma_wait3A_114 : memref<100x128xf32, #tpu.memory_space<vmem>>)
      %ge3A = arith.constant 2 : i32
      %ge3A_117 = arith.cmpi sge, %add3A_97, %ge3A : i32
      %convert_element_type3A_118 = arith.extui %ge3A_117 : i1 to i32
      %cond3A_119 = arith.constant 0 : i32
      %cond3A_120 = arith.cmpi ne, %convert_element_type3A_118, %cond3A_119 : i32
      scf.if %cond3A_120 {
        %sub3A_178 = arith.constant 2 : i32
        %sub3A_179 = arith.subi %add3A_97, %sub3A_178 : i32
        %add3A_180 = arith.addi %add3A_32, %sub3A_179 : i32
        %mul3A_181 = arith.constant 128 : i32
        %mul3A_182 = arith.muli %add3A_180, %mul3A_181 : i32
        %dma_wait3A_183 = arith.constant 0 : i32
        %dma_wait3A_184 = arith.constant 0 : i32
        %dma_wait3A_185 = tpu.memref_slice %arg7[%dma_wait3A_183, %dma_wait3A_184] : memref<128x129xf32, #tpu.memory_space<vmem>> -> memref<128x128xf32, #tpu.memory_space<vmem>>
        %dma_wait3A_186 = arith.constant 0 : i32
        %dma_wait3A_187 = tpu.memref_slice %arg4[%mul3A_182, %dma_wait3A_186] : memref<1000000x128xf32, #tpu.memory_space<hbm>> -> memref<128x128xf32, #tpu.memory_space<hbm>>
        %dma_wait3A_188 = arith.constant 0 : i32
        %dma_wait3A_189 = tpu.memref_slice %arg4[%mul3A_182, %dma_wait3A_188] : memref<1000000x128xf32, #tpu.memory_space<hbm>> -> memref<128x128xf32, #tpu.memory_space<hbm>>
        %dma_wait3A_190 = arith.constant 0 : i32
        %dma_wait3A_191 = arith.constant 0 : i32
        %dma_wait3A_192 = tpu.memref_slice %arg7[%dma_wait3A_190, %dma_wait3A_191] : memref<128x129xf32, #tpu.memory_space<vmem>> -> memref<128x128xf32, #tpu.memory_space<vmem>>
        tpu.wait_dma2 semaphore(%arg11 : memref<!tpu.dma_semaphore, #tpu.memory_space<semaphore_mem>>) src(%dma_wait3A_192 : memref<128x128xf32, #tpu.memory_space<vmem>>) dst(%dma_wait3A_189 : memref<128x128xf32, #tpu.memory_space<hbm>>)
      } else {
      }
      %parallel_loop3A = arith.constant 0 : i32
      %parallel_loop3A_121 = arith.constant 100 : i32
      %parallel_loop3A_122 = arith.constant 1 : i32
      scf.for %parallel_loop3A_178 = %parallel_loop3A to %parallel_loop3A_121 step %parallel_loop3A_122  : i32 {
        %parallel_loop3A_179 = vector.broadcast %parallel_loop3A_178 : i32 to vector<16xi32>
        %parallel_loop3A_180 = arith.index_cast %parallel_loop3A_178 : i32 to index
        %parallel_loop3A_181 = arith.constant 0 : index
        %parallel_loop3A_182 = tpu.vector_load %arg5[%parallel_loop3A_180, %parallel_loop3A_181] {strides = array<i32>} : memref<128x128xf32, #tpu.memory_space<vmem>>, vector<16xf32>,
        tpu.vector_store_idx %arg7[%add3A_3, %parallel_loop3A_179], %parallel_loop3A_182 : memref<128x129xf32, #tpu.memory_space<vmem>>[vector<16xi32>, vector<16xi32>], vector<16xf32>,
        %parallel_loop3A_183 = arith.index_cast %parallel_loop3A_178 : i32 to index
        %parallel_loop3A_184 = arith.constant 16 : index
        %parallel_loop3A_185 = tpu.vector_load %arg5[%parallel_loop3A_183, %parallel_loop3A_184] {strides = array<i32>} : memref<128x128xf32, #tpu.memory_space<vmem>>, vector<16xf32>,
        tpu.vector_store_idx %arg7[%add3A_6, %parallel_loop3A_179], %parallel_loop3A_185 : memref<128x129xf32, #tpu.memory_space<vmem>>[vector<16xi32>, vector<16xi32>], vector<16xf32>,
        %parallel_loop3A_186 = arith.index_cast %parallel_loop3A_178 : i32 to index
        %parallel_loop3A_187 = arith.constant 32 : index
        %parallel_loop3A_188 = tpu.vector_load %arg5[%parallel_loop3A_186, %parallel_loop3A_187] {strides = array<i32>} : memref<128x128xf32, #tpu.memory_space<vmem>>, vector<16xf32>,
        tpu.vector_store_idx %arg7[%add3A_9, %parallel_loop3A_179], %parallel_loop3A_188 : memref<128x129xf32, #tpu.memory_space<vmem>>[vector<16xi32>, vector<16xi32>], vector<16xf32>,
        %parallel_loop3A_189 = arith.index_cast %parallel_loop3A_178 : i32 to index
        %parallel_loop3A_190 = arith.constant 48 : index
        %parallel_loop3A_191 = tpu.vector_load %arg5[%parallel_loop3A_189, %parallel_loop3A_190] {strides = array<i32>} : memref<128x128xf32, #tpu.memory_space<vmem>>, vector<16xf32>,
        tpu.vector_store_idx %arg7[%add3A_12, %parallel_loop3A_179], %parallel_loop3A_191 : memref<128x129xf32, #tpu.memory_space<vmem>>[vector<16xi32>, vector<16xi32>], vector<16xf32>,
        %parallel_loop3A_192 = arith.index_cast %parallel_loop3A_178 : i32 to index
        %parallel_loop3A_193 = arith.constant 64 : index
        %parallel_loop3A_194 = tpu.vector_load %arg5[%parallel_loop3A_192, %parallel_loop3A_193] {strides = array<i32>} : memref<128x128xf32, #tpu.memory_space<vmem>>, vector<16xf32>,
        tpu.vector_store_idx %arg7[%add3A_15, %parallel_loop3A_179], %parallel_loop3A_194 : memref<128x129xf32, #tpu.memory_space<vmem>>[vector<16xi32>, vector<16xi32>], vector<16xf32>,
        %parallel_loop3A_195 = arith.index_cast %parallel_loop3A_178 : i32 to index
        %parallel_loop3A_196 = arith.constant 80 : index
        %parallel_loop3A_197 = tpu.vector_load %arg5[%parallel_loop3A_195, %parallel_loop3A_196] {strides = array<i32>} : memref<128x128xf32, #tpu.memory_space<vmem>>, vector<16xf32>,
        tpu.vector_store_idx %arg7[%add3A_18, %parallel_loop3A_179], %parallel_loop3A_197 : memref<128x129xf32, #tpu.memory_space<vmem>>[vector<16xi32>, vector<16xi32>], vector<16xf32>,
        %parallel_loop3A_198 = arith.index_cast %parallel_loop3A_178 : i32 to index
        %parallel_loop3A_199 = arith.constant 96 : index
        %parallel_loop3A_200 = tpu.vector_load %arg5[%parallel_loop3A_198, %parallel_loop3A_199] {strides = array<i32>} : memref<128x128xf32, #tpu.memory_space<vmem>>, vector<16xf32>,
        tpu.vector_store_idx %arg7[%add3A_21, %parallel_loop3A_179], %parallel_loop3A_200 : memref<128x129xf32, #tpu.memory_space<vmem>>[vector<16xi32>, vector<16xi32>], vector<16xf32>,
        %parallel_loop3A_201 = arith.index_cast %parallel_loop3A_178 : i32 to index
        %parallel_loop3A_202 = arith.constant 112 : index
        %parallel_loop3A_203 = tpu.vector_load %arg5[%parallel_loop3A_201, %parallel_loop3A_202] {strides = array<i32>} : memref<128x128xf32, #tpu.memory_space<vmem>>, vector<16xf32>,
        tpu.vector_store_idx %arg7[%add3A_24, %parallel_loop3A_179], %parallel_loop3A_203 : memref<128x129xf32, #tpu.memory_space<vmem>>[vector<16xi32>, vector<16xi32>], vector<16xf32>,
      } {sc.loop_unroll_factor = 10 : i64, sc.parallel_access}
      %add3A_123 = arith.addi %add3A_32, %add3A_97 : i32
      %mul3A_124 = arith.constant 128 : i32
      %mul3A_125 = arith.muli %add3A_123, %mul3A_124 : i32
      %dma_start3A_126 = arith.constant 0 : i32
      %dma_start3A_127 = arith.constant 0 : i32
      %dma_start3A_128 = tpu.memref_slice %arg7[%dma_start3A_126, %dma_start3A_127] : memref<128x129xf32, #tpu.memory_space<vmem>> -> memref<128x128xf32, #tpu.memory_space<vmem>>
      %dma_start3A_129 = arith.constant 0 : i32
      %dma_start3A_130 = tpu.memref_slice %arg4[%mul3A_125, %dma_start3A_129] : memref<1000000x128xf32, #tpu.memory_space<hbm>> -> memref<128x128xf32, #tpu.memory_space<hbm>>
      %dma_start3A_131 = arith.constant 0 : i32
      %dma_start3A_132 = tpu.memref_slice %arg4[%mul3A_125, %dma_start3A_131] : memref<1000000x128xf32, #tpu.memory_space<hbm>> -> memref<128x128xf32, #tpu.memory_space<hbm>>
      %dma_start3A_133 = arith.constant 0 : i32
      %dma_start3A_134 = arith.constant 0 : i32
      %dma_start3A_135 = tpu.memref_slice %arg7[%dma_start3A_133, %dma_start3A_134] : memref<128x129xf32, #tpu.memory_space<vmem>> -> memref<128x128xf32, #tpu.memory_space<vmem>>
      tpu.enqueue_dma source(%dma_start3A_135 : memref<128x128xf32, #tpu.memory_space<vmem>>) target(%dma_start3A_132 : memref<128x128xf32, #tpu.memory_space<hbm>>) target_semaphore(%arg11 : memref<!tpu.dma_semaphore, #tpu.memory_space<semaphore_mem>>)
      %add3A_136 = arith.constant 1 : i32
      %add3A_137 = arith.addi %add3A_95, %add3A_136 : i32
      %add3A_138 = arith.constant 1 : i32
      %add3A_139 = arith.addi %add3A_137, %add3A_138 : i32
      %lt3A_140 = arith.cmpi slt, %add3A_139, %select_n3A : i32
      %convert_element_type3A_141 = arith.extui %lt3A_140 : i1 to i32
      %cond3A_142 = arith.constant 0 : i32
      %cond3A_143 = arith.cmpi ne, %convert_element_type3A_141, %cond3A_142 : i32
      scf.if %cond3A_143 {
        %add3A_178 = arith.constant 1 : i32
        %add3A_179 = arith.addi %add3A_137, %add3A_178 : i32
        %add3A_180 = arith.addi %add3A_32, %add3A_179 : i32
        %mul3A_181 = arith.constant 128 : i32
        %mul3A_182 = arith.muli %add3A_180, %mul3A_181 : i32
        %dma_start3A_183 = arith.constant 0 : i32
        %dma_start3A_184 = arith.constant 0 : i32
        %dma_start3A_185 = tpu.memref_slice %arg5[%dma_start3A_183, %dma_start3A_184] : memref<128x128xf32, #tpu.memory_space<vmem>> -> memref<100x128xf32, #tpu.memory_space<vmem>>
        %dma_start3A_186 = arith.constant 0 : i32
        %dma_start3A_187 = tpu.memref_slice %arg2[%dma_start3A_186, %mul3A_182] : memref<100x1000000xf32, #tpu.memory_space<hbm>> -> memref<100x128xf32, #tpu.memory_space<hbm>>
        %dma_start3A_188 = arith.constant 0 : i32
        %dma_start3A_189 = arith.constant 0 : i32
        %dma_start3A_190 = tpu.memref_slice %arg5[%dma_start3A_188, %dma_start3A_189] : memref<128x128xf32, #tpu.memory_space<vmem>> -> memref<100x128xf32, #tpu.memory_space<vmem>>
        %dma_start3A_191 = arith.constant 0 : i32
        %dma_start3A_192 = tpu.memref_slice %arg2[%dma_start3A_191, %mul3A_182] : memref<100x1000000xf32, #tpu.memory_space<hbm>> -> memref<100x128xf32, #tpu.memory_space<hbm>>
        tpu.enqueue_dma source(%dma_start3A_192 : memref<100x128xf32, #tpu.memory_space<hbm>>) target(%dma_start3A_190 : memref<100x128xf32, #tpu.memory_space<vmem>>) target_semaphore(%arg9 : memref<!tpu.dma_semaphore, #tpu.memory_space<semaphore_mem>>)
      } else {
      }
      %add3A_144 = arith.addi %add3A_32, %add3A_137 : i32
      %mul3A_145 = arith.constant 128 : i32
      %mul3A_146 = arith.muli %add3A_144, %mul3A_145 : i32
      %dma_wait3A_147 = arith.constant 0 : i32
      %dma_wait3A_148 = arith.constant 0 : i32
      %dma_wait3A_149 = tpu.memref_slice %arg6[%dma_wait3A_147, %dma_wait3A_148] : memref<128x128xf32, #tpu.memory_space<vmem>> -> memref<100x128xf32, #tpu.memory_space<vmem>>
      %dma_wait3A_150 = arith.constant 0 : i32
      %dma_wait3A_151 = tpu.memref_slice %arg2[%dma_wait3A_150, %mul3A_146] : memref<100x1000000xf32, #tpu.memory_space<hbm>> -> memref<100x128xf32, #tpu.memory_space<hbm>>
      %dma_wait3A_152 = arith.constant 0 : i32
      %dma_wait3A_153 = arith.constant 0 : i32
      %dma_wait3A_154 = tpu.memref_slice %arg6[%dma_wait3A_152, %dma_wait3A_153] : memref<128x128xf32, #tpu.memory_space<vmem>> -> memref<100x128xf32, #tpu.memory_space<vmem>>
      %dma_wait3A_155 = arith.constant 0 : i32
      %dma_wait3A_156 = tpu.memref_slice %arg2[%dma_wait3A_155, %mul3A_146] : memref<100x1000000xf32, #tpu.memory_space<hbm>> -> memref<100x128xf32, #tpu.memory_space<hbm>>
      tpu.wait_dma2 semaphore(%arg10 : memref<!tpu.dma_semaphore, #tpu.memory_space<semaphore_mem>>) src(%dma_wait3A_156 : memref<100x128xf32, #tpu.memory_space<hbm>>) dst(%dma_wait3A_154 : memref<100x128xf32, #tpu.memory_space<vmem>>)
      %ge3A_157 = arith.constant 2 : i32
      %ge3A_158 = arith.cmpi sge, %add3A_137, %ge3A_157 : i32
      %convert_element_type3A_159 = arith.extui %ge3A_158 : i1 to i32
      %cond3A_160 = arith.constant 0 : i32
      %cond3A_161 = arith.cmpi ne, %convert_element_type3A_159, %cond3A_160 : i32
      scf.if %cond3A_161 {
        %sub3A_178 = arith.constant 2 : i32
        %sub3A_179 = arith.subi %add3A_137, %sub3A_178 : i32
        %add3A_180 = arith.addi %add3A_32, %sub3A_179 : i32
        %mul3A_181 = arith.constant 128 : i32
        %mul3A_182 = arith.muli %add3A_180, %mul3A_181 : i32
        %dma_wait3A_183 = arith.constant 0 : i32
        %dma_wait3A_184 = arith.constant 0 : i32
        %dma_wait3A_185 = tpu.memref_slice %arg8[%dma_wait3A_183, %dma_wait3A_184] : memref<128x129xf32, #tpu.memory_space<vmem>> -> memref<128x128xf32, #tpu.memory_space<vmem>>
        %dma_wait3A_186 = arith.constant 0 : i32
        %dma_wait3A_187 = tpu.memref_slice %arg4[%mul3A_182, %dma_wait3A_186] : memref<1000000x128xf32, #tpu.memory_space<hbm>> -> memref<128x128xf32, #tpu.memory_space<hbm>>
        %dma_wait3A_188 = arith.constant 0 : i32
        %dma_wait3A_189 = tpu.memref_slice %arg4[%mul3A_182, %dma_wait3A_188] : memref<1000000x128xf32, #tpu.memory_space<hbm>> -> memref<128x128xf32, #tpu.memory_space<hbm>>
        %dma_wait3A_190 = arith.constant 0 : i32
        %dma_wait3A_191 = arith.constant 0 : i32
        %dma_wait3A_192 = tpu.memref_slice %arg8[%dma_wait3A_190, %dma_wait3A_191] : memref<128x129xf32, #tpu.memory_space<vmem>> -> memref<128x128xf32, #tpu.memory_space<vmem>>
        tpu.wait_dma2 semaphore(%arg12 : memref<!tpu.dma_semaphore, #tpu.memory_space<semaphore_mem>>) src(%dma_wait3A_192 : memref<128x128xf32, #tpu.memory_space<vmem>>) dst(%dma_wait3A_189 : memref<128x128xf32, #tpu.memory_space<hbm>>)
      } else {
      }
      %parallel_loop3A_162 = arith.constant 0 : i32
      %parallel_loop3A_163 = arith.constant 100 : i32
      %parallel_loop3A_164 = arith.constant 1 : i32
      scf.for %parallel_loop3A_178 = %parallel_loop3A_162 to %parallel_loop3A_163 step %parallel_loop3A_164  : i32 {
        %parallel_loop3A_179 = vector.broadcast %parallel_loop3A_178 : i32 to vector<16xi32>
        %parallel_loop3A_180 = arith.index_cast %parallel_loop3A_178 : i32 to index
        %parallel_loop3A_181 = arith.constant 0 : index
        %parallel_loop3A_182 = tpu.vector_load %arg6[%parallel_loop3A_180, %parallel_loop3A_181] {strides = array<i32>} : memref<128x128xf32, #tpu.memory_space<vmem>>, vector<16xf32>,
        tpu.vector_store_idx %arg8[%add3A_3, %parallel_loop3A_179], %parallel_loop3A_182 : memref<128x129xf32, #tpu.memory_space<vmem>>[vector<16xi32>, vector<16xi32>], vector<16xf32>,
        %parallel_loop3A_183 = arith.index_cast %parallel_loop3A_178 : i32 to index
        %parallel_loop3A_184 = arith.constant 16 : index
        %parallel_loop3A_185 = tpu.vector_load %arg6[%parallel_loop3A_183, %parallel_loop3A_184] {strides = array<i32>} : memref<128x128xf32, #tpu.memory_space<vmem>>, vector<16xf32>,
        tpu.vector_store_idx %arg8[%add3A_6, %parallel_loop3A_179], %parallel_loop3A_185 : memref<128x129xf32, #tpu.memory_space<vmem>>[vector<16xi32>, vector<16xi32>], vector<16xf32>,
        %parallel_loop3A_186 = arith.index_cast %parallel_loop3A_178 : i32 to index
        %parallel_loop3A_187 = arith.constant 32 : index
        %parallel_loop3A_188 = tpu.vector_load %arg6[%parallel_loop3A_186, %parallel_loop3A_187] {strides = array<i32>} : memref<128x128xf32, #tpu.memory_space<vmem>>, vector<16xf32>,
        tpu.vector_store_idx %arg8[%add3A_9, %parallel_loop3A_179], %parallel_loop3A_188 : memref<128x129xf32, #tpu.memory_space<vmem>>[vector<16xi32>, vector<16xi32>], vector<16xf32>,
        %parallel_loop3A_189 = arith.index_cast %parallel_loop3A_178 : i32 to index
        %parallel_loop3A_190 = arith.constant 48 : index
        %parallel_loop3A_191 = tpu.vector_load %arg6[%parallel_loop3A_189, %parallel_loop3A_190] {strides = array<i32>} : memref<128x128xf32, #tpu.memory_space<vmem>>, vector<16xf32>,
        tpu.vector_store_idx %arg8[%add3A_12, %parallel_loop3A_179], %parallel_loop3A_191 : memref<128x129xf32, #tpu.memory_space<vmem>>[vector<16xi32>, vector<16xi32>], vector<16xf32>,
        %parallel_loop3A_192 = arith.index_cast %parallel_loop3A_178 : i32 to index
        %parallel_loop3A_193 = arith.constant 64 : index
        %parallel_loop3A_194 = tpu.vector_load %arg6[%parallel_loop3A_192, %parallel_loop3A_193] {strides = array<i32>} : memref<128x128xf32, #tpu.memory_space<vmem>>, vector<16xf32>,
        tpu.vector_store_idx %arg8[%add3A_15, %parallel_loop3A_179], %parallel_loop3A_194 : memref<128x129xf32, #tpu.memory_space<vmem>>[vector<16xi32>, vector<16xi32>], vector<16xf32>,
        %parallel_loop3A_195 = arith.index_cast %parallel_loop3A_178 : i32 to index
        %parallel_loop3A_196 = arith.constant 80 : index
        %parallel_loop3A_197 = tpu.vector_load %arg6[%parallel_loop3A_195, %parallel_loop3A_196] {strides = array<i32>} : memref<128x128xf32, #tpu.memory_space<vmem>>, vector<16xf32>,
        tpu.vector_store_idx %arg8[%add3A_18, %parallel_loop3A_179], %parallel_loop3A_197 : memref<128x129xf32, #tpu.memory_space<vmem>>[vector<16xi32>, vector<16xi32>], vector<16xf32>,
        %parallel_loop3A_198 = arith.index_cast %parallel_loop3A_178 : i32 to index
        %parallel_loop3A_199 = arith.constant 96 : index
        %parallel_loop3A_200 = tpu.vector_load %arg6[%parallel_loop3A_198, %parallel_loop3A_199] {strides = array<i32>} : memref<128x128xf32, #tpu.memory_space<vmem>>, vector<16xf32>,
        tpu.vector_store_idx %arg8[%add3A_21, %parallel_loop3A_179], %parallel_loop3A_200 : memref<128x129xf32, #tpu.memory_space<vmem>>[vector<16xi32>, vector<16xi32>], vector<16xf32>,
        %parallel_loop3A_201 = arith.index_cast %parallel_loop3A_178 : i32 to index
        %parallel_loop3A_202 = arith.constant 112 : index
        %parallel_loop3A_203 = tpu.vector_load %arg6[%parallel_loop3A_201, %parallel_loop3A_202] {strides = array<i32>} : memref<128x128xf32, #tpu.memory_space<vmem>>, vector<16xf32>,
        tpu.vector_store_idx %arg8[%add3A_24, %parallel_loop3A_179], %parallel_loop3A_203 : memref<128x129xf32, #tpu.memory_space<vmem>>[vector<16xi32>, vector<16xi32>], vector<16xf32>,
      } {sc.loop_unroll_factor = 10 : i64, sc.parallel_access}
      %add3A_165 = arith.addi %add3A_32, %add3A_137 : i32
      %mul3A_166 = arith.constant 128 : i32
      %mul3A_167 = arith.muli %add3A_165, %mul3A_166 : i32
      %dma_start3A_168 = arith.constant 0 : i32
      %dma_start3A_169 = arith.constant 0 : i32
      %dma_start3A_170 = tpu.memref_slice %arg8[%dma_start3A_168, %dma_start3A_169] : memref<128x129xf32, #tpu.memory_space<vmem>> -> memref<128x128xf32, #tpu.memory_space<vmem>>
      %dma_start3A_171 = arith.constant 0 : i32
      %dma_start3A_172 = tpu.memref_slice %arg4[%mul3A_167, %dma_start3A_171] : memref<1000000x128xf32, #tpu.memory_space<hbm>> -> memref<128x128xf32, #tpu.memory_space<hbm>>
      %dma_start3A_173 = arith.constant 0 : i32
      %dma_start3A_174 = tpu.memref_slice %arg4[%mul3A_167, %dma_start3A_173] : memref<1000000x128xf32, #tpu.memory_space<hbm>> -> memref<128x128xf32, #tpu.memory_space<hbm>>
      %dma_start3A_175 = arith.constant 0 : i32
      %dma_start3A_176 = arith.constant 0 : i32
      %dma_start3A_177 = tpu.memref_slice %arg8[%dma_start3A_175, %dma_start3A_176] : memref<128x129xf32, #tpu.memory_space<vmem>> -> memref<128x128xf32, #tpu.memory_space<vmem>>
      tpu.enqueue_dma source(%dma_start3A_177 : memref<128x128xf32, #tpu.memory_space<vmem>>) target(%dma_start3A_174 : memref<128x128xf32, #tpu.memory_space<hbm>>) target_semaphore(%arg12 : memref<!tpu.dma_semaphore, #tpu.memory_space<semaphore_mem>>)
    }
    %while3A_61 = arith.constant 1 : i32
    scf.for %while3A_93 = %while3A_59 to %while3A_55 step %while3A_61  : i32 {
      %mul3A_94 = arith.muli %while3A_93, %while3A : i32
      %add3A_95 = arith.addi %while3A_52, %mul3A_94 : i32
      %add3A_96 = arith.constant 0 : i32
      %add3A_97 = arith.addi %add3A_95, %add3A_96 : i32
      %add3A_98 = arith.constant 1 : i32
      %add3A_99 = arith.addi %add3A_97, %add3A_98 : i32
      %lt3A_100 = arith.cmpi slt, %add3A_99, %select_n3A : i32
      %convert_element_type3A_101 = arith.extui %lt3A_100 : i1 to i32
      %cond3A_102 = arith.constant 0 : i32
      %cond3A_103 = arith.cmpi ne, %convert_element_type3A_101, %cond3A_102 : i32
      scf.if %cond3A_103 {
        %add3A_178 = arith.constant 1 : i32
        %add3A_179 = arith.addi %add3A_97, %add3A_178 : i32
        %add3A_180 = arith.addi %add3A_32, %add3A_179 : i32
        %mul3A_181 = arith.constant 128 : i32
        %mul3A_182 = arith.muli %add3A_180, %mul3A_181 : i32
        %dma_start3A_183 = arith.constant 0 : i32
        %dma_start3A_184 = arith.constant 0 : i32
        %dma_start3A_185 = tpu.memref_slice %arg6[%dma_start3A_183, %dma_start3A_184] : memref<128x128xf32, #tpu.memory_space<vmem>> -> memref<100x128xf32, #tpu.memory_space<vmem>>
        %dma_start3A_186 = arith.constant 0 : i32
        %dma_start3A_187 = tpu.memref_slice %arg2[%dma_start3A_186, %mul3A_182] : memref<100x1000000xf32, #tpu.memory_space<hbm>> -> memref<100x128xf32, #tpu.memory_space<hbm>>
        %dma_start3A_188 = arith.constant 0 : i32
        %dma_start3A_189 = arith.constant 0 : i32
        %dma_start3A_190 = tpu.memref_slice %arg6[%dma_start3A_188, %dma_start3A_189] : memref<128x128xf32, #tpu.memory_space<vmem>> -> memref<100x128xf32, #tpu.memory_space<vmem>>
        %dma_start3A_191 = arith.constant 0 : i32
        %dma_start3A_192 = tpu.memref_slice %arg2[%dma_start3A_191, %mul3A_182] : memref<100x1000000xf32, #tpu.memory_space<hbm>> -> memref<100x128xf32, #tpu.memory_space<hbm>>
        tpu.enqueue_dma source(%dma_start3A_192 : memref<100x128xf32, #tpu.memory_space<hbm>>) target(%dma_start3A_190 : memref<100x128xf32, #tpu.memory_space<vmem>>) target_semaphore(%arg10 : memref<!tpu.dma_semaphore, #tpu.memory_space<semaphore_mem>>)
      } else {
      }
      %add3A_104 = arith.addi %add3A_32, %add3A_97 : i32
      %mul3A_105 = arith.constant 128 : i32
      %mul3A_106 = arith.muli %add3A_104, %mul3A_105 : i32
      %dma_wait3A_107 = arith.constant 0 : i32
      %dma_wait3A_108 = arith.constant 0 : i32
      %dma_wait3A_109 = tpu.memref_slice %arg5[%dma_wait3A_107, %dma_wait3A_108] : memref<128x128xf32, #tpu.memory_space<vmem>> -> memref<100x128xf32, #tpu.memory_space<vmem>>
      %dma_wait3A_110 = arith.constant 0 : i32
      %dma_wait3A_111 = tpu.memref_slice %arg2[%dma_wait3A_110, %mul3A_106] : memref<100x1000000xf32, #tpu.memory_space<hbm>> -> memref<100x128xf32, #tpu.memory_space<hbm>>
      %dma_wait3A_112 = arith.constant 0 : i32
      %dma_wait3A_113 = arith.constant 0 : i32
      %dma_wait3A_114 = tpu.memref_slice %arg5[%dma_wait3A_112, %dma_wait3A_113] : memref<128x128xf32, #tpu.memory_space<vmem>> -> memref<100x128xf32, #tpu.memory_space<vmem>>
      %dma_wait3A_115 = arith.constant 0 : i32
      %dma_wait3A_116 = tpu.memref_slice %arg2[%dma_wait3A_115, %mul3A_106] : memref<100x1000000xf32, #tpu.memory_space<hbm>> -> memref<100x128xf32, #tpu.memory_space<hbm>>
      tpu.wait_dma2 semaphore(%arg9 : memref<!tpu.dma_semaphore, #tpu.memory_space<semaphore_mem>>) src(%dma_wait3A_116 : memref<100x128xf32, #tpu.memory_space<hbm>>) dst(%dma_wait3A_114 : memref<100x128xf32, #tpu.memory_space<vmem>>)
      %ge3A = arith.constant 2 : i32
      %ge3A_117 = arith.cmpi sge, %add3A_97, %ge3A : i32
      %convert_element_type3A_118 = arith.extui %ge3A_117 : i1 to i32
      %cond3A_119 = arith.constant 0 : i32
      %cond3A_120 = arith.cmpi ne, %convert_element_type3A_118, %cond3A_119 : i32
      scf.if %cond3A_120 {
        %sub3A_178 = arith.constant 2 : i32
        %sub3A_179 = arith.subi %add3A_97, %sub3A_178 : i32
        %add3A_180 = arith.addi %add3A_32, %sub3A_179 : i32
        %mul3A_181 = arith.constant 128 : i32
        %mul3A_182 = arith.muli %add3A_180, %mul3A_181 : i32
        %dma_wait3A_183 = arith.constant 0 : i32
        %dma_wait3A_184 = arith.constant 0 : i32
        %dma_wait3A_185 = tpu.memref_slice %arg7[%dma_wait3A_183, %dma_wait3A_184] : memref<128x129xf32, #tpu.memory_space<vmem>> -> memref<128x128xf32, #tpu.memory_space<vmem>>
        %dma_wait3A_186 = arith.constant 0 : i32
        %dma_wait3A_187 = tpu.memref_slice %arg4[%mul3A_182, %dma_wait3A_186] : memref<1000000x128xf32, #tpu.memory_space<hbm>> -> memref<128x128xf32, #tpu.memory_space<hbm>>
        %dma_wait3A_188 = arith.constant 0 : i32
        %dma_wait3A_189 = tpu.memref_slice %arg4[%mul3A_182, %dma_wait3A_188] : memref<1000000x128xf32, #tpu.memory_space<hbm>> -> memref<128x128xf32, #tpu.memory_space<hbm>>
        %dma_wait3A_190 = arith.constant 0 : i32
        %dma_wait3A_191 = arith.constant 0 : i32
        %dma_wait3A_192 = tpu.memref_slice %arg7[%dma_wait3A_190, %dma_wait3A_191] : memref<128x129xf32, #tpu.memory_space<vmem>> -> memref<128x128xf32, #tpu.memory_space<vmem>>
        tpu.wait_dma2 semaphore(%arg11 : memref<!tpu.dma_semaphore, #tpu.memory_space<semaphore_mem>>) src(%dma_wait3A_192 : memref<128x128xf32, #tpu.memory_space<vmem>>) dst(%dma_wait3A_189 : memref<128x128xf32, #tpu.memory_space<hbm>>)
      } else {
      }
      %parallel_loop3A = arith.constant 0 : i32
      %parallel_loop3A_121 = arith.constant 100 : i32
      %parallel_loop3A_122 = arith.constant 1 : i32
      scf.for %parallel_loop3A_178 = %parallel_loop3A to %parallel_loop3A_121 step %parallel_loop3A_122  : i32 {
        %parallel_loop3A_179 = vector.broadcast %parallel_loop3A_178 : i32 to vector<16xi32>
        %parallel_loop3A_180 = arith.index_cast %parallel_loop3A_178 : i32 to index
        %parallel_loop3A_181 = arith.constant 0 : index
        %parallel_loop3A_182 = tpu.vector_load %arg5[%parallel_loop3A_180, %parallel_loop3A_181] {strides = array<i32>} : memref<128x128xf32, #tpu.memory_space<vmem>>, vector<16xf32>,
        tpu.vector_store_idx %arg7[%add3A_3, %parallel_loop3A_179], %parallel_loop3A_182 : memref<128x129xf32, #tpu.memory_space<vmem>>[vector<16xi32>, vector<16xi32>], vector<16xf32>,
        %parallel_loop3A_183 = arith.index_cast %parallel_loop3A_178 : i32 to index
        %parallel_loop3A_184 = arith.constant 16 : index
        %parallel_loop3A_185 = tpu.vector_load %arg5[%parallel_loop3A_183, %parallel_loop3A_184] {strides = array<i32>} : memref<128x128xf32, #tpu.memory_space<vmem>>, vector<16xf32>,
        tpu.vector_store_idx %arg7[%add3A_6, %parallel_loop3A_179], %parallel_loop3A_185 : memref<128x129xf32, #tpu.memory_space<vmem>>[vector<16xi32>, vector<16xi32>], vector<16xf32>,
        %parallel_loop3A_186 = arith.index_cast %parallel_loop3A_178 : i32 to index
        %parallel_loop3A_187 = arith.constant 32 : index
        %parallel_loop3A_188 = tpu.vector_load %arg5[%parallel_loop3A_186, %parallel_loop3A_187] {strides = array<i32>} : memref<128x128xf32, #tpu.memory_space<vmem>>, vector<16xf32>,
        tpu.vector_store_idx %arg7[%add3A_9, %parallel_loop3A_179], %parallel_loop3A_188 : memref<128x129xf32, #tpu.memory_space<vmem>>[vector<16xi32>, vector<16xi32>], vector<16xf32>,
        %parallel_loop3A_189 = arith.index_cast %parallel_loop3A_178 : i32 to index
        %parallel_loop3A_190 = arith.constant 48 : index
        %parallel_loop3A_191 = tpu.vector_load %arg5[%parallel_loop3A_189, %parallel_loop3A_190] {strides = array<i32>} : memref<128x128xf32, #tpu.memory_space<vmem>>, vector<16xf32>,
        tpu.vector_store_idx %arg7[%add3A_12, %parallel_loop3A_179], %parallel_loop3A_191 : memref<128x129xf32, #tpu.memory_space<vmem>>[vector<16xi32>, vector<16xi32>], vector<16xf32>,
        %parallel_loop3A_192 = arith.index_cast %parallel_loop3A_178 : i32 to index
        %parallel_loop3A_193 = arith.constant 64 : index
        %parallel_loop3A_194 = tpu.vector_load %arg5[%parallel_loop3A_192, %parallel_loop3A_193] {strides = array<i32>} : memref<128x128xf32, #tpu.memory_space<vmem>>, vector<16xf32>,
        tpu.vector_store_idx %arg7[%add3A_15, %parallel_loop3A_179], %parallel_loop3A_194 : memref<128x129xf32, #tpu.memory_space<vmem>>[vector<16xi32>, vector<16xi32>], vector<16xf32>,
        %parallel_loop3A_195 = arith.index_cast %parallel_loop3A_178 : i32 to index
        %parallel_loop3A_196 = arith.constant 80 : index
        %parallel_loop3A_197 = tpu.vector_load %arg5[%parallel_loop3A_195, %parallel_loop3A_196] {strides = array<i32>} : memref<128x128xf32, #tpu.memory_space<vmem>>, vector<16xf32>,
        tpu.vector_store_idx %arg7[%add3A_18, %parallel_loop3A_179], %parallel_loop3A_197 : memref<128x129xf32, #tpu.memory_space<vmem>>[vector<16xi32>, vector<16xi32>], vector<16xf32>,
        %parallel_loop3A_198 = arith.index_cast %parallel_loop3A_178 : i32 to index
        %parallel_loop3A_199 = arith.constant 96 : index
        %parallel_loop3A_200 = tpu.vector_load %arg5[%parallel_loop3A_198, %parallel_loop3A_199] {strides = array<i32>} : memref<128x128xf32, #tpu.memory_space<vmem>>, vector<16xf32>,
        tpu.vector_store_idx %arg7[%add3A_21, %parallel_loop3A_179], %parallel_loop3A_200 : memref<128x129xf32, #tpu.memory_space<vmem>>[vector<16xi32>, vector<16xi32>], vector<16xf32>,
        %parallel_loop3A_201 = arith.index_cast %parallel_loop3A_178 : i32 to index
        %parallel_loop3A_202 = arith.constant 112 : index
        %parallel_loop3A_203 = tpu.vector_load %arg5[%parallel_loop3A_201, %parallel_loop3A_202] {strides = array<i32>} : memref<128x128xf32, #tpu.memory_space<vmem>>, vector<16xf32>,
        tpu.vector_store_idx %arg7[%add3A_24, %parallel_loop3A_179], %parallel_loop3A_203 : memref<128x129xf32, #tpu.memory_space<vmem>>[vector<16xi32>, vector<16xi32>], vector<16xf32>,
      } {sc.loop_unroll_factor = 10 : i64, sc.parallel_access}
      %add3A_123 = arith.addi %add3A_32, %add3A_97 : i32
      %mul3A_124 = arith.constant 128 : i32
      %mul3A_125 = arith.muli %add3A_123, %mul3A_124 : i32
      %dma_start3A_126 = arith.constant 0 : i32
      %dma_start3A_127 = arith.constant 0 : i32
      %dma_start3A_128 = tpu.memref_slice %arg7[%dma_start3A_126, %dma_start3A_127] : memref<128x129xf32, #tpu.memory_space<vmem>> -> memref<128x128xf32, #tpu.memory_space<vmem>>
      %dma_start3A_129 = arith.constant 0 : i32
      %dma_start3A_130 = tpu.memref_slice %arg4[%mul3A_125, %dma_start3A_129] : memref<1000000x128xf32, #tpu.memory_space<hbm>> -> memref<128x128xf32, #tpu.memory_space<hbm>>
      %dma_start3A_131 = arith.constant 0 : i32
      %dma_start3A_132 = tpu.memref_slice %arg4[%mul3A_125, %dma_start3A_131] : memref<1000000x128xf32, #tpu.memory_space<hbm>> -> memref<128x128xf32, #tpu.memory_space<hbm>>
      %dma_start3A_133 = arith.constant 0 : i32
      %dma_start3A_134 = arith.constant 0 : i32
      %dma_start3A_135 = tpu.memref_slice %arg7[%dma_start3A_133, %dma_start3A_134] : memref<128x129xf32, #tpu.memory_space<vmem>> -> memref<128x128xf32, #tpu.memory_space<vmem>>
      tpu.enqueue_dma source(%dma_start3A_135 : memref<128x128xf32, #tpu.memory_space<vmem>>) target(%dma_start3A_132 : memref<128x128xf32, #tpu.memory_space<hbm>>) target_semaphore(%arg11 : memref<!tpu.dma_semaphore, #tpu.memory_space<semaphore_mem>>)
      %add3A_136 = arith.constant 1 : i32
      %add3A_137 = arith.addi %add3A_95, %add3A_136 : i32
      %add3A_138 = arith.constant 1 : i32
      %add3A_139 = arith.addi %add3A_137, %add3A_138 : i32
      %lt3A_140 = arith.cmpi slt, %add3A_139, %select_n3A : i32
      %convert_element_type3A_141 = arith.extui %lt3A_140 : i1 to i32
      %cond3A_142 = arith.constant 0 : i32
      %cond3A_143 = arith.cmpi ne, %convert_element_type3A_141, %cond3A_142 : i32
      scf.if %cond3A_143 {
        %add3A_178 = arith.constant 1 : i32
        %add3A_179 = arith.addi %add3A_137, %add3A_178 : i32
        %add3A_180 = arith.addi %add3A_32, %add3A_179 : i32
        %mul3A_181 = arith.constant 128 : i32
        %mul3A_182 = arith.muli %add3A_180, %mul3A_181 : i32
        %dma_start3A_183 = arith.constant 0 : i32
        %dma_start3A_184 = arith.constant 0 : i32
        %dma_start3A_185 = tpu.memref_slice %arg5[%dma_start3A_183, %dma_start3A_184] : memref<128x128xf32, #tpu.memory_space<vmem>> -> memref<100x128xf32, #tpu.memory_space<vmem>>
        %dma_start3A_186 = arith.constant 0 : i32
        %dma_start3A_187 = tpu.memref_slice %arg2[%dma_start3A_186, %mul3A_182] : memref<100x1000000xf32, #tpu.memory_space<hbm>> -> memref<100x128xf32, #tpu.memory_space<hbm>>
        %dma_start3A_188 = arith.constant 0 : i32
        %dma_start3A_189 = arith.constant 0 : i32
        %dma_start3A_190 = tpu.memref_slice %arg5[%dma_start3A_188, %dma_start3A_189] : memref<128x128xf32, #tpu.memory_space<vmem>> -> memref<100x128xf32, #tpu.memory_space<vmem>>
        %dma_start3A_191 = arith.constant 0 : i32
        %dma_start3A_192 = tpu.memref_slice %arg2[%dma_start3A_191, %mul3A_182] : memref<100x1000000xf32, #tpu.memory_space<hbm>> -> memref<100x128xf32, #tpu.memory_space<hbm>>
        tpu.enqueue_dma source(%dma_start3A_192 : memref<100x128xf32, #tpu.memory_space<hbm>>) target(%dma_start3A_190 : memref<100x128xf32, #tpu.memory_space<vmem>>) target_semaphore(%arg9 : memref<!tpu.dma_semaphore, #tpu.memory_space<semaphore_mem>>)
      } else {
      }
      %add3A_144 = arith.addi %add3A_32, %add3A_137 : i32
      %mul3A_145 = arith.constant 128 : i32
      %mul3A_146 = arith.muli %add3A_144, %mul3A_145 : i32
      %dma_wait3A_147 = arith.constant 0 : i32
      %dma_wait3A_148 = arith.constant 0 : i32
      %dma_wait3A_149 = tpu.memref_slice %arg6[%dma_wait3A_147, %dma_wait3A_148] : memref<128x128xf32, #tpu.memory_space<vmem>> -> memref<100x128xf32, #tpu.memory_space<vmem>>
      %dma_wait3A_150 = arith.constant 0 : i32
      %dma_wait3A_151 = tpu.memref_slice %arg2[%dma_wait3A_150, %mul3A_146] : memref<100x1000000xf32, #tpu.memory_space<hbm>> -> memref<100x128xf32, #tpu.memory_space<hbm>>
      %dma_wait3A_152 = arith.constant 0 : i32
      %dma_wait3A_153 = arith.constant 0 : i32
      %dma_wait3A_154 = tpu.memref_slice %arg6[%dma_wait3A_152, %dma_wait3A_153] : memref<128x128xf32, #tpu.memory_space<vmem>> -> memref<100x128xf32, #tpu.memory_space<vmem>>
      %dma_wait3A_155 = arith.constant 0 : i32
      %dma_wait3A_156 = tpu.memref_slice %arg2[%dma_wait3A_155, %mul3A_146] : memref<100x1000000xf32, #tpu.memory_space<hbm>> -> memref<100x128xf32, #tpu.memory_space<hbm>>
      tpu.wait_dma2 semaphore(%arg10 : memref<!tpu.dma_semaphore, #tpu.memory_space<semaphore_mem>>) src(%dma_wait3A_156 : memref<100x128xf32, #tpu.memory_space<hbm>>) dst(%dma_wait3A_154 : memref<100x128xf32, #tpu.memory_space<vmem>>)
      %ge3A_157 = arith.constant 2 : i32
      %ge3A_158 = arith.cmpi sge, %add3A_137, %ge3A_157 : i32
      %convert_element_type3A_159 = arith.extui %ge3A_158 : i1 to i32
      %cond3A_160 = arith.constant 0 : i32
      %cond3A_161 = arith.cmpi ne, %convert_element_type3A_159, %cond3A_160 : i32
      scf.if %cond3A_161 {
        %sub3A_178 = arith.constant 2 : i32
        %sub3A_179 = arith.subi %add3A_137, %sub3A_178 : i32
        %add3A_180 = arith.addi %add3A_32, %sub3A_179 : i32
        %mul3A_181 = arith.constant 128 : i32
        %mul3A_182 = arith.muli %add3A_180, %mul3A_181 : i32
        %dma_wait3A_183 = arith.constant 0 : i32
        %dma_wait3A_184 = arith.constant 0 : i32
        %dma_wait3A_185 = tpu.memref_slice %arg8[%dma_wait3A_183, %dma_wait3A_184] : memref<128x129xf32, #tpu.memory_space<vmem>> -> memref<128x128xf32, #tpu.memory_space<vmem>>
        %dma_wait3A_186 = arith.constant 0 : i32
        %dma_wait3A_187 = tpu.memref_slice %arg4[%mul3A_182, %dma_wait3A_186] : memref<1000000x128xf32, #tpu.memory_space<hbm>> -> memref<128x128xf32, #tpu.memory_space<hbm>>
        %dma_wait3A_188 = arith.constant 0 : i32
        %dma_wait3A_189 = tpu.memref_slice %arg4[%mul3A_182, %dma_wait3A_188] : memref<1000000x128xf32, #tpu.memory_space<hbm>> -> memref<128x128xf32, #tpu.memory_space<hbm>>
        %dma_wait3A_190 = arith.constant 0 : i32
        %dma_wait3A_191 = arith.constant 0 : i32
        %dma_wait3A_192 = tpu.memref_slice %arg8[%dma_wait3A_190, %dma_wait3A_191] : memref<128x129xf32, #tpu.memory_space<vmem>> -> memref<128x128xf32, #tpu.memory_space<vmem>>
        tpu.wait_dma2 semaphore(%arg12 : memref<!tpu.dma_semaphore, #tpu.memory_space<semaphore_mem>>) src(%dma_wait3A_192 : memref<128x128xf32, #tpu.memory_space<vmem>>) dst(%dma_wait3A_189 : memref<128x128xf32, #tpu.memory_space<hbm>>)
      } else {
      }
      %parallel_loop3A_162 = arith.constant 0 : i32
      %parallel_loop3A_163 = arith.constant 100 : i32
      %parallel_loop3A_164 = arith.constant 1 : i32
      scf.for %parallel_loop3A_178 = %parallel_loop3A_162 to %parallel_loop3A_163 step %parallel_loop3A_164  : i32 {
        %parallel_loop3A_179 = vector.broadcast %parallel_loop3A_178 : i32 to vector<16xi32>
        %parallel_loop3A_180 = arith.index_cast %parallel_loop3A_178 : i32 to index
        %parallel_loop3A_181 = arith.constant 0 : index
        %parallel_loop3A_182 = tpu.vector_load %arg6[%parallel_loop3A_180, %parallel_loop3A_181] {strides = array<i32>} : memref<128x128xf32, #tpu.memory_space<vmem>>, vector<16xf32>,
        tpu.vector_store_idx %arg8[%add3A_3, %parallel_loop3A_179], %parallel_loop3A_182 : memref<128x129xf32, #tpu.memory_space<vmem>>[vector<16xi32>, vector<16xi32>], vector<16xf32>,
        %parallel_loop3A_183 = arith.index_cast %parallel_loop3A_178 : i32 to index
        %parallel_loop3A_184 = arith.constant 16 : index
        %parallel_loop3A_185 = tpu.vector_load %arg6[%parallel_loop3A_183, %parallel_loop3A_184] {strides = array<i32>} : memref<128x128xf32, #tpu.memory_space<vmem>>, vector<16xf32>,
        tpu.vector_store_idx %arg8[%add3A_6, %parallel_loop3A_179], %parallel_loop3A_185 : memref<128x129xf32, #tpu.memory_space<vmem>>[vector<16xi32>, vector<16xi32>], vector<16xf32>,
        %parallel_loop3A_186 = arith.index_cast %parallel_loop3A_178 : i32 to index
        %parallel_loop3A_187 = arith.constant 32 : index
        %parallel_loop3A_188 = tpu.vector_load %arg6[%parallel_loop3A_186, %parallel_loop3A_187] {strides = array<i32>} : memref<128x128xf32, #tpu.memory_space<vmem>>, vector<16xf32>,
        tpu.vector_store_idx %arg8[%add3A_9, %parallel_loop3A_179], %parallel_loop3A_188 : memref<128x129xf32, #tpu.memory_space<vmem>>[vector<16xi32>, vector<16xi32>], vector<16xf32>,
        %parallel_loop3A_189 = arith.index_cast %parallel_loop3A_178 : i32 to index
        %parallel_loop3A_190 = arith.constant 48 : index
        %parallel_loop3A_191 = tpu.vector_load %arg6[%parallel_loop3A_189, %parallel_loop3A_190] {strides = array<i32>} : memref<128x128xf32, #tpu.memory_space<vmem>>, vector<16xf32>,
        tpu.vector_store_idx %arg8[%add3A_12, %parallel_loop3A_179], %parallel_loop3A_191 : memref<128x129xf32, #tpu.memory_space<vmem>>[vector<16xi32>, vector<16xi32>], vector<16xf32>,
        %parallel_loop3A_192 = arith.index_cast %parallel_loop3A_178 : i32 to index
        %parallel_loop3A_193 = arith.constant 64 : index
        %parallel_loop3A_194 = tpu.vector_load %arg6[%parallel_loop3A_192, %parallel_loop3A_193] {strides = array<i32>} : memref<128x128xf32, #tpu.memory_space<vmem>>, vector<16xf32>,
        tpu.vector_store_idx %arg8[%add3A_15, %parallel_loop3A_179], %parallel_loop3A_194 : memref<128x129xf32, #tpu.memory_space<vmem>>[vector<16xi32>, vector<16xi32>], vector<16xf32>,
        %parallel_loop3A_195 = arith.index_cast %parallel_loop3A_178 : i32 to index
        %parallel_loop3A_196 = arith.constant 80 : index
        %parallel_loop3A_197 = tpu.vector_load %arg6[%parallel_loop3A_195, %parallel_loop3A_196] {strides = array<i32>} : memref<128x128xf32, #tpu.memory_space<vmem>>, vector<16xf32>,
        tpu.vector_store_idx %arg8[%add3A_18, %parallel_loop3A_179], %parallel_loop3A_197 : memref<128x129xf32, #tpu.memory_space<vmem>>[vector<16xi32>, vector<16xi32>], vector<16xf32>,
        %parallel_loop3A_198 = arith.index_cast %parallel_loop3A_178 : i32 to index
        %parallel_loop3A_199 = arith.constant 96 : index
        %parallel_loop3A_200 = tpu.vector_load %arg6[%parallel_loop3A_198, %parallel_loop3A_199] {strides = array<i32>} : memref<128x128xf32, #tpu.memory_space<vmem>>, vector<16xf32>,
        tpu.vector_store_idx %arg8[%add3A_21, %parallel_loop3A_179], %parallel_loop3A_200 : memref<128x129xf32, #tpu.memory_space<vmem>>[vector<16xi32>, vector<16xi32>], vector<16xf32>,
        %parallel_loop3A_201 = arith.index_cast %parallel_loop3A_178 : i32 to index
        %parallel_loop3A_202 = arith.constant 112 : index
        %parallel_loop3A_203 = tpu.vector_load %arg6[%parallel_loop3A_201, %parallel_loop3A_202] {strides = array<i32>} : memref<128x128xf32, #tpu.memory_space<vmem>>, vector<16xf32>,
        tpu.vector_store_idx %arg8[%add3A_24, %parallel_loop3A_179], %parallel_loop3A_203 : memref<128x129xf32, #tpu.memory_space<vmem>>[vector<16xi32>, vector<16xi32>], vector<16xf32>,
      } {sc.loop_unroll_factor = 10 : i64, sc.parallel_access}
      %add3A_165 = arith.addi %add3A_32, %add3A_137 : i32
      %mul3A_166 = arith.constant 128 : i32
      %mul3A_167 = arith.muli %add3A_165, %mul3A_166 : i32
      %dma_start3A_168 = arith.constant 0 : i32
      %dma_start3A_169 = arith.constant 0 : i32
      %dma_start3A_170 = tpu.memref_slice %arg8[%dma_start3A_168, %dma_start3A_169] : memref<128x129xf32, #tpu.memory_space<vmem>> -> memref<128x128xf32, #tpu.memory_space<vmem>>
      %dma_start3A_171 = arith.constant 0 : i32
      %dma_start3A_172 = tpu.memref_slice %arg4[%mul3A_167, %dma_start3A_171] : memref<1000000x128xf32, #tpu.memory_space<hbm>> -> memref<128x128xf32, #tpu.memory_space<hbm>>
      %dma_start3A_173 = arith.constant 0 : i32
      %dma_start3A_174 = tpu.memref_slice %arg4[%mul3A_167, %dma_start3A_173] : memref<1000000x128xf32, #tpu.memory_space<hbm>> -> memref<128x128xf32, #tpu.memory_space<hbm>>
      %dma_start3A_175 = arith.constant 0 : i32
      %dma_start3A_176 = arith.constant 0 : i32
      %dma_start3A_177 = tpu.memref_slice %arg8[%dma_start3A_175, %dma_start3A_176] : memref<128x129xf32, #tpu.memory_space<vmem>> -> memref<128x128xf32, #tpu.memory_space<vmem>>
      tpu.enqueue_dma source(%dma_start3A_177 : memref<128x128xf32, #tpu.memory_space<vmem>>) target(%dma_start3A_174 : memref<128x128xf32, #tpu.memory_space<hbm>>) target_semaphore(%arg12 : memref<!tpu.dma_semaphore, #tpu.memory_space<semaphore_mem>>)
    }
    %sub3A_62 = arith.constant 2 : i32
    %sub3A_63 = arith.subi %select_n3A, %sub3A_62 : i32
    %add3A_64 = arith.addi %add3A_32, %sub3A_63 : i32
    %mul3A_65 = arith.constant 128 : i32
    %mul3A_66 = arith.muli %add3A_64, %mul3A_65 : i32
    %dma_wait3A = arith.constant 0 : i32
    %dma_wait3A_67 = arith.constant 0 : i32
    %dma_wait3A_68 = tpu.memref_slice %arg7[%dma_wait3A, %dma_wait3A_67] : memref<128x129xf32, #tpu.memory_space<vmem>> -> memref<128x128xf32, #tpu.memory_space<vmem>>
    %dma_wait3A_69 = arith.constant 0 : i32
    %dma_wait3A_70 = tpu.memref_slice %arg4[%mul3A_66, %dma_wait3A_69] : memref<1000000x128xf32, #tpu.memory_space<hbm>> -> memref<128x128xf32, #tpu.memory_space<hbm>>
    %dma_wait3A_71 = arith.constant 0 : i32
    %dma_wait3A_72 = tpu.memref_slice %arg4[%mul3A_66, %dma_wait3A_71] : memref<1000000x128xf32, #tpu.memory_space<hbm>> -> memref<128x128xf32, #tpu.memory_space<hbm>>
    %dma_wait3A_73 = arith.constant 0 : i32
    %dma_wait3A_74 = arith.constant 0 : i32
    %dma_wait3A_75 = tpu.memref_slice %arg7[%dma_wait3A_73, %dma_wait3A_74] : memref<128x129xf32, #tpu.memory_space<vmem>> -> memref<128x128xf32, #tpu.memory_space<vmem>>
    tpu.wait_dma2 semaphore(%arg11 : memref<!tpu.dma_semaphore, #tpu.memory_space<semaphore_mem>>) src(%dma_wait3A_75 : memref<128x128xf32, #tpu.memory_space<vmem>>) dst(%dma_wait3A_72 : memref<128x128xf32, #tpu.memory_space<hbm>>)
    %sub3A_76 = arith.constant 1 : i32
    %sub3A_77 = arith.subi %select_n3A, %sub3A_76 : i32
    %add3A_78 = arith.addi %add3A_32, %sub3A_77 : i32
    %mul3A_79 = arith.constant 128 : i32
    %mul3A_80 = arith.muli %add3A_78, %mul3A_79 : i32
    %dma_wait3A_81 = arith.constant 0 : i32
    %dma_wait3A_82 = arith.constant 0 : i32
    %dma_wait3A_83 = tpu.memref_slice %arg8[%dma_wait3A_81, %dma_wait3A_82] : memref<128x129xf32, #tpu.memory_space<vmem>> -> memref<128x128xf32, #tpu.memory_space<vmem>>
    %dma_wait3A_84 = arith.constant 0 : i32
    %dma_wait3A_85 = tpu.memref_slice %arg4[%mul3A_80, %dma_wait3A_84] : memref<1000000x128xf32, #tpu.memory_space<hbm>> -> memref<128x128xf32, #tpu.memory_space<hbm>>
    %dma_wait3A_86 = arith.constant 0 : i32
    %dma_wait3A_87 = tpu.memref_slice %arg4[%mul3A_80, %dma_wait3A_86] : memref<1000000x128xf32, #tpu.memory_space<hbm>> -> memref<128x128xf32, #tpu.memory_space<hbm>>
    %dma_wait3A_88 = arith.constant 0 : i32
    %dma_wait3A_89 = arith.constant 0 : i32
    %dma_wait3A_90 = tpu.memref_slice %arg8[%dma_wait3A_88, %dma_wait3A_89] : memref<128x129xf32, #tpu.memory_space<vmem>> -> memref<128x128xf32, #tpu.memory_space<vmem>>
    tpu.wait_dma2 semaphore(%arg12 : memref<!tpu.dma_semaphore, #tpu.memory_space<semaphore_mem>>) src(%dma_wait3A_90 : memref<128x128xf32, #tpu.memory_space<vmem>>) dst(%dma_wait3A_87 : memref<128x128xf32, #tpu.memory_space<hbm>>)
    %eq3A = arith.constant 0 : i32
    %eq3A_91 = arith.cmpi eq, %add3A, %eq3A : i32
    %convert_element_type3A = arith.extui %eq3A_91 : i1 to i32
    %cond3A = arith.constant 0 : i32
    %cond3A_92 = arith.cmpi ne, %convert_element_type3A, %cond3A : i32
    scf.if %cond3A_92 {
      "tpu.region"() ({
        %run_scoped3A = tpu.sem_alloc : memref<!tpu.dma_semaphore, #tpu.memory_space<semaphore_mem>>
        %dma_start3A_93 = arith.constant 0 : i32
        %dma_start3A_94 = arith.constant 0 : i32
        %dma_start3A_95 = tpu.memref_slice %arg5[%dma_start3A_93, %dma_start3A_94] : memref<128x128xf32, #tpu.memory_space<vmem>> -> memref<64x128xf32, #tpu.memory_space<vmem>>
        %dma_start3A_96 = arith.constant 0 : i32
        %dma_start3A_97 = arith.constant 0 : i32
        %dma_start3A_98 = tpu.memref_slice %arg5[%dma_start3A_96, %dma_start3A_97] : memref<128x128xf32, #tpu.memory_space<vmem>> -> memref<64x128xf32, #tpu.memory_space<vmem>>
        tpu.enqueue_dma source(%arg3 : memref<64x128xf32, #tpu.memory_space<hbm>>) target(%dma_start3A_98 : memref<64x128xf32, #tpu.memory_space<vmem>>) target_semaphore(%run_scoped3A : memref<!tpu.dma_semaphore, #tpu.memory_space<semaphore_mem>>)
        %dma_wait3A_99 = arith.constant 0 : i32
        %dma_wait3A_100 = arith.constant 0 : i32
        %dma_wait3A_101 = tpu.memref_slice %arg5[%dma_wait3A_99, %dma_wait3A_100] : memref<128x128xf32, #tpu.memory_space<vmem>> -> memref<64x128xf32, #tpu.memory_space<vmem>>
        %dma_wait3A_102 = arith.constant 0 : i32
        %dma_wait3A_103 = arith.constant 0 : i32
        %dma_wait3A_104 = tpu.memref_slice %arg5[%dma_wait3A_102, %dma_wait3A_103] : memref<128x128xf32, #tpu.memory_space<vmem>> -> memref<64x128xf32, #tpu.memory_space<vmem>>
        tpu.wait_dma2 semaphore(%run_scoped3A : memref<!tpu.dma_semaphore, #tpu.memory_space<semaphore_mem>>) src(%arg3 : memref<64x128xf32, #tpu.memory_space<hbm>>) dst(%dma_wait3A_104 : memref<64x128xf32, #tpu.memory_space<vmem>>)
        tpu.yield
      }) : () -> ()
      "tpu.region"() ({
        %run_scoped3A = tpu.sem_alloc : memref<!tpu.dma_semaphore, #tpu.memory_space<semaphore_mem>>
        %dma_start3A_93 = arith.constant 0 : i32
        %dma_start3A_94 = arith.constant 0 : i32
        %dma_start3A_95 = tpu.memref_slice %arg5[%dma_start3A_93, %dma_start3A_94] : memref<128x128xf32, #tpu.memory_space<vmem>> -> memref<64x128xf32, #tpu.memory_space<vmem>>
        %dma_start3A_96 = arith.constant 999936 : i32
        %dma_start3A_97 = arith.constant 0 : i32
        %dma_start3A_98 = tpu.memref_slice %arg4[%dma_start3A_96, %dma_start3A_97] : memref<1000000x128xf32, #tpu.memory_space<hbm>> -> memref<64x128xf32, #tpu.memory_space<hbm>>
        %dma_start3A_99 = arith.constant 999936 : i32
        %dma_start3A_100 = arith.constant 0 : i32
        %dma_start3A_101 = tpu.memref_slice %arg4[%dma_start3A_99, %dma_start3A_100] : memref<1000000x128xf32, #tpu.memory_space<hbm>> -> memref<64x128xf32, #tpu.memory_space<hbm>>
        %dma_start3A_102 = arith.constant 0 : i32
        %dma_start3A_103 = arith.constant 0 : i32
        %dma_start3A_104 = tpu.memref_slice %arg5[%dma_start3A_102, %dma_start3A_103] : memref<128x128xf32, #tpu.memory_space<vmem>> -> memref<64x128xf32, #tpu.memory_space<vmem>>
        tpu.enqueue_dma source(%dma_start3A_104 : memref<64x128xf32, #tpu.memory_space<vmem>>) target(%dma_start3A_101 : memref<64x128xf32, #tpu.memory_space<hbm>>) target_semaphore(%run_scoped3A : memref<!tpu.dma_semaphore, #tpu.memory_space<semaphore_mem>>)
        %dma_wait3A_105 = arith.constant 0 : i32
        %dma_wait3A_106 = arith.constant 0 : i32
        %dma_wait3A_107 = tpu.memref_slice %arg5[%dma_wait3A_105, %dma_wait3A_106] : memref<128x128xf32, #tpu.memory_space<vmem>> -> memref<64x128xf32, #tpu.memory_space<vmem>>
        %dma_wait3A_108 = arith.constant 999936 : i32
        %dma_wait3A_109 = arith.constant 0 : i32
        %dma_wait3A_110 = tpu.memref_slice %arg4[%dma_wait3A_108, %dma_wait3A_109] : memref<1000000x128xf32, #tpu.memory_space<hbm>> -> memref<64x128xf32, #tpu.memory_space<hbm>>
        %dma_wait3A_111 = arith.constant 999936 : i32
        %dma_wait3A_112 = arith.constant 0 : i32
        %dma_wait3A_113 = tpu.memref_slice %arg4[%dma_wait3A_111, %dma_wait3A_112] : memref<1000000x128xf32, #tpu.memory_space<hbm>> -> memref<64x128xf32, #tpu.memory_space<hbm>>
        %dma_wait3A_114 = arith.constant 0 : i32
        %dma_wait3A_115 = arith.constant 0 : i32
        %dma_wait3A_116 = tpu.memref_slice %arg5[%dma_wait3A_114, %dma_wait3A_115] : memref<128x128xf32, #tpu.memory_space<vmem>> -> memref<64x128xf32, #tpu.memory_space<vmem>>
        tpu.wait_dma2 semaphore(%run_scoped3A : memref<!tpu.dma_semaphore, #tpu.memory_space<semaphore_mem>>) src(%dma_wait3A_116 : memref<64x128xf32, #tpu.memory_space<vmem>>) dst(%dma_wait3A_113 : memref<64x128xf32, #tpu.memory_space<hbm>>)
        tpu.yield
      }) : () -> ()
    } else {
    }
    return
  }
}

#map = affine_map<(d0, d1) -> (0, 0, 0)>
#map1 = affine_map<(d0, d1) -> (0, 0)>
module attributes {stable_mosaic.version = 14 : i64} {
  func.func @k(%arg0: i32, %arg1: i32, %arg2: memref<32x50x128xi32, #tpu.memory_space<hbm>>, %arg3: memref<1000000x128xf32, #tpu.memory_space<hbm>>, %arg4: memref<204800x128xf32, #tpu.memory_space<hbm>>, %arg5: memref<50x128xi32, #tpu.memory_space<vmem>>, %arg6: memref<128x128xf32, #tpu.memory_space<vmem>>, %arg7: memref<128x128xf32, #tpu.memory_space<vmem>>, %arg8: memref<!tpu.dma_semaphore, #tpu.memory_space<semaphore_mem>>, %arg9: memref<!tpu.dma_semaphore, #tpu.memory_space<semaphore_mem>>) attributes {dimension_semantics = [#tpu.dimension_semantics<core_parallel>, #tpu.dimension_semantics<subcore_parallel>], iteration_bounds = array<i64: 2, 16>, scalar_prefetch = 0 : i64, scratch_operands = 5 : i64, tpu.core_type = #tpu.core_type<sc_vector_subcore>, window_params = [{transform_indices = #map}, {transform_indices = #map1}, {transform_indices = #map1}]} {
    %mul3A = arith.constant 2 : i32
    %mul3A_0 = arith.muli %arg1, %mul3A : i32
    %add3A = arith.addi %mul3A_0, %arg0 : i32
    "tpu.region"() ({
      %run_scoped3A = tpu.sem_alloc : memref<!tpu.dma_semaphore, #tpu.memory_space<semaphore_mem>>
      %dma_start3A_13 = arith.constant 0 : i32
      %dma_start3A_14 = arith.constant 0 : i32
      %dma_start3A_15 = tpu.memref_slice %arg2[%add3A, %dma_start3A_13, %dma_start3A_14] : memref<32x50x128xi32, #tpu.memory_space<hbm>> -> memref<1x50x128xi32, #tpu.memory_space<hbm>>
      %dma_start3A_16 = tpu.memref_squeeze %dma_start3A_15 : memref<1x50x128xi32, #tpu.memory_space<hbm>> -> memref<50x128xi32, #tpu.memory_space<hbm>>
      %dma_start3A_17 = arith.constant 0 : i32
      %dma_start3A_18 = arith.constant 0 : i32
      %dma_start3A_19 = tpu.memref_slice %arg2[%add3A, %dma_start3A_17, %dma_start3A_18] : memref<32x50x128xi32, #tpu.memory_space<hbm>> -> memref<1x50x128xi32, #tpu.memory_space<hbm>>
      %dma_start3A_20 = tpu.memref_squeeze %dma_start3A_19 : memref<1x50x128xi32, #tpu.memory_space<hbm>> -> memref<50x128xi32, #tpu.memory_space<hbm>>
      tpu.enqueue_dma source(%dma_start3A_20 : memref<50x128xi32, #tpu.memory_space<hbm>>) target(%arg5 : memref<50x128xi32, #tpu.memory_space<vmem>>) target_semaphore(%run_scoped3A : memref<!tpu.dma_semaphore, #tpu.memory_space<semaphore_mem>>)
      %dma_wait3A = arith.constant 0 : i32
      %dma_wait3A_21 = arith.constant 0 : i32
      %dma_wait3A_22 = tpu.memref_slice %arg2[%add3A, %dma_wait3A, %dma_wait3A_21] : memref<32x50x128xi32, #tpu.memory_space<hbm>> -> memref<1x50x128xi32, #tpu.memory_space<hbm>>
      %dma_wait3A_23 = tpu.memref_squeeze %dma_wait3A_22 : memref<1x50x128xi32, #tpu.memory_space<hbm>> -> memref<50x128xi32, #tpu.memory_space<hbm>>
      %dma_wait3A_24 = arith.constant 0 : i32
      %dma_wait3A_25 = arith.constant 0 : i32
      %dma_wait3A_26 = tpu.memref_slice %arg2[%add3A, %dma_wait3A_24, %dma_wait3A_25] : memref<32x50x128xi32, #tpu.memory_space<hbm>> -> memref<1x50x128xi32, #tpu.memory_space<hbm>>
      %dma_wait3A_27 = tpu.memref_squeeze %dma_wait3A_26 : memref<1x50x128xi32, #tpu.memory_space<hbm>> -> memref<50x128xi32, #tpu.memory_space<hbm>>
      tpu.wait_dma2 semaphore(%run_scoped3A : memref<!tpu.dma_semaphore, #tpu.memory_space<semaphore_mem>>) src(%dma_wait3A_27 : memref<50x128xi32, #tpu.memory_space<hbm>>) dst(%arg5 : memref<50x128xi32, #tpu.memory_space<vmem>>)
      tpu.yield
    }) : () -> ()
    %mul3A_1 = arith.constant 6400 : i32
    %mul3A_2 = arith.muli %add3A, %mul3A_1 : i32
    %dma_start3A = arith.constant 0 : i32
    %dma_start3A_3 = arith.constant 0 : i32
    %dma_start3A_4 = tpu.memref_slice %arg5[%dma_start3A, %dma_start3A_3] : memref<50x128xi32, #tpu.memory_space<vmem>> -> memref<1x128xi32, #tpu.memory_space<vmem>>
    %dma_start3A_5 = tpu.memref_squeeze %dma_start3A_4 : memref<1x128xi32, #tpu.memory_space<vmem>> -> memref<128xi32, #tpu.memory_space<vmem>>
    %dma_start3A_6 = arith.constant 0 : i32
    %dma_start3A_7 = arith.constant 0 : i32
    %dma_start3A_8 = tpu.memref_slice %arg3[%dma_start3A_6, %dma_start3A_7] : memref<1000000x128xf32, #tpu.memory_space<hbm>> -> memref<1000000x128xf32, #tpu.memory_space<hbm>>
    tpu.enqueue_indirect_dma source(%dma_start3A_8 : memref<1000000x128xf32, #tpu.memory_space<hbm>>) target(%arg6 : memref<128x128xf32, #tpu.memory_space<vmem>>) offsets(%dma_start3A_5 : memref<128xi32, #tpu.memory_space<vmem>>) semaphore(%arg8 : memref<!tpu.dma_semaphore, #tpu.memory_space<semaphore_mem>>)
    %scan3A = arith.constant 0 : i32
    %scan3A_9 = arith.constant 25 : i32
    %scan3A_10 = arith.addi %scan3A, %scan3A_9 : i32
    %scan3A_11 = arith.constant 1 : i32
    scf.for %scan3A_13 = %scan3A to %scan3A_10 step %scan3A_11  : i32 {
      %mul3A_14 = arith.constant 2 : i32
      %mul3A_15 = arith.muli %scan3A_13, %mul3A_14 : i32
      %add3A_16 = arith.constant 0 : i32
      %add3A_17 = arith.addi %add3A_16, %mul3A_15 : i32
      %add3A_18 = arith.constant 0 : i32
      %add3A_19 = arith.addi %add3A_17, %add3A_18 : i32
      %add3A_20 = arith.constant 1 : i32
      %add3A_21 = arith.addi %add3A_19, %add3A_20 : i32
      %lt3A = arith.constant 50 : i32
      %lt3A_22 = arith.cmpi slt, %add3A_21, %lt3A : i32
      %convert_element_type3A = arith.extui %lt3A_22 : i1 to i32
      %cond3A = arith.constant 0 : i32
      %cond3A_23 = arith.cmpi ne, %convert_element_type3A, %cond3A : i32
      scf.if %cond3A_23 {
        %add3A_50 = arith.constant 1 : i32
        %add3A_51 = arith.addi %add3A_19, %add3A_50 : i32
        %dma_start3A_52 = arith.constant 0 : i32
        %dma_start3A_53 = tpu.memref_slice %arg5[%add3A_51, %dma_start3A_52] : memref<50x128xi32, #tpu.memory_space<vmem>> -> memref<1x128xi32, #tpu.memory_space<vmem>>
        %dma_start3A_54 = tpu.memref_squeeze %dma_start3A_53 : memref<1x128xi32, #tpu.memory_space<vmem>> -> memref<128xi32, #tpu.memory_space<vmem>>
        %dma_start3A_55 = arith.constant 0 : i32
        %dma_start3A_56 = arith.constant 0 : i32
        %dma_start3A_57 = tpu.memref_slice %arg3[%dma_start3A_55, %dma_start3A_56] : memref<1000000x128xf32, #tpu.memory_space<hbm>> -> memref<1000000x128xf32, #tpu.memory_space<hbm>>
        tpu.enqueue_indirect_dma source(%dma_start3A_57 : memref<1000000x128xf32, #tpu.memory_space<hbm>>) target(%arg7 : memref<128x128xf32, #tpu.memory_space<vmem>>) offsets(%dma_start3A_54 : memref<128xi32, #tpu.memory_space<vmem>>) semaphore(%arg9 : memref<!tpu.dma_semaphore, #tpu.memory_space<semaphore_mem>>)
      } else {
      }
      %dma_wait3A = arith.constant 0 : i32
      %dma_wait3A_24 = tpu.memref_slice %arg5[%add3A_19, %dma_wait3A] : memref<50x128xi32, #tpu.memory_space<vmem>> -> memref<1x128xi32, #tpu.memory_space<vmem>>
      %dma_wait3A_25 = tpu.memref_squeeze %dma_wait3A_24 : memref<1x128xi32, #tpu.memory_space<vmem>> -> memref<128xi32, #tpu.memory_space<vmem>>
      %dma_wait3A_26 = arith.constant 0 : i32
      %dma_wait3A_27 = arith.constant 0 : i32
      %dma_wait3A_28 = tpu.memref_slice %arg3[%dma_wait3A_26, %dma_wait3A_27] : memref<1000000x128xf32, #tpu.memory_space<hbm>> -> memref<1000000x128xf32, #tpu.memory_space<hbm>>
      tpu.wait_indirect_dma semaphore(%arg8 : memref<!tpu.dma_semaphore, #tpu.memory_space<semaphore_mem>>) src(%dma_wait3A_28 : memref<1000000x128xf32, #tpu.memory_space<hbm>>) dst(%arg6 : memref<128x128xf32, #tpu.memory_space<vmem>>)
      %mul3A_29 = arith.constant 128 : i32
      %mul3A_30 = arith.muli %add3A_19, %mul3A_29 : i32
      %add3A_31 = arith.addi %mul3A_2, %mul3A_30 : i32
      "tpu.region"() ({
        %run_scoped3A = tpu.sem_alloc : memref<!tpu.dma_semaphore, #tpu.memory_space<semaphore_mem>>
        %dma_start3A_50 = arith.constant 0 : i32
        %dma_start3A_51 = tpu.memref_slice %arg4[%add3A_31, %dma_start3A_50] : memref<204800x128xf32, #tpu.memory_space<hbm>> -> memref<128x128xf32, #tpu.memory_space<hbm>>
        %dma_start3A_52 = arith.constant 0 : i32
        %dma_start3A_53 = tpu.memref_slice %arg4[%add3A_31, %dma_start3A_52] : memref<204800x128xf32, #tpu.memory_space<hbm>> -> memref<128x128xf32, #tpu.memory_space<hbm>>
        tpu.enqueue_dma source(%arg6 : memref<128x128xf32, #tpu.memory_space<vmem>>) target(%dma_start3A_53 : memref<128x128xf32, #tpu.memory_space<hbm>>) target_semaphore(%run_scoped3A : memref<!tpu.dma_semaphore, #tpu.memory_space<semaphore_mem>>)
        %dma_wait3A_54 = arith.constant 0 : i32
        %dma_wait3A_55 = tpu.memref_slice %arg4[%add3A_31, %dma_wait3A_54] : memref<204800x128xf32, #tpu.memory_space<hbm>> -> memref<128x128xf32, #tpu.memory_space<hbm>>
        %dma_wait3A_56 = arith.constant 0 : i32
        %dma_wait3A_57 = tpu.memref_slice %arg4[%add3A_31, %dma_wait3A_56] : memref<204800x128xf32, #tpu.memory_space<hbm>> -> memref<128x128xf32, #tpu.memory_space<hbm>>
        tpu.wait_dma2 semaphore(%run_scoped3A : memref<!tpu.dma_semaphore, #tpu.memory_space<semaphore_mem>>) src(%arg6 : memref<128x128xf32, #tpu.memory_space<vmem>>) dst(%dma_wait3A_57 : memref<128x128xf32, #tpu.memory_space<hbm>>)
        tpu.yield
      }) : () -> ()
      %add3A_32 = arith.constant 1 : i32
      %add3A_33 = arith.addi %add3A_17, %add3A_32 : i32
      %add3A_34 = arith.constant 1 : i32
      %add3A_35 = arith.addi %add3A_33, %add3A_34 : i32
      %lt3A_36 = arith.constant 50 : i32
      %lt3A_37 = arith.cmpi slt, %add3A_35, %lt3A_36 : i32
      %convert_element_type3A_38 = arith.extui %lt3A_37 : i1 to i32
      %cond3A_39 = arith.constant 0 : i32
      %cond3A_40 = arith.cmpi ne, %convert_element_type3A_38, %cond3A_39 : i32
      scf.if %cond3A_40 {
        %add3A_50 = arith.constant 1 : i32
        %add3A_51 = arith.addi %add3A_33, %add3A_50 : i32
        %dma_start3A_52 = arith.constant 0 : i32
        %dma_start3A_53 = tpu.memref_slice %arg5[%add3A_51, %dma_start3A_52] : memref<50x128xi32, #tpu.memory_space<vmem>> -> memref<1x128xi32, #tpu.memory_space<vmem>>
        %dma_start3A_54 = tpu.memref_squeeze %dma_start3A_53 : memref<1x128xi32, #tpu.memory_space<vmem>> -> memref<128xi32, #tpu.memory_space<vmem>>
        %dma_start3A_55 = arith.constant 0 : i32
        %dma_start3A_56 = arith.constant 0 : i32
        %dma_start3A_57 = tpu.memref_slice %arg3[%dma_start3A_55, %dma_start3A_56] : memref<1000000x128xf32, #tpu.memory_space<hbm>> -> memref<1000000x128xf32, #tpu.memory_space<hbm>>
        tpu.enqueue_indirect_dma source(%dma_start3A_57 : memref<1000000x128xf32, #tpu.memory_space<hbm>>) target(%arg6 : memref<128x128xf32, #tpu.memory_space<vmem>>) offsets(%dma_start3A_54 : memref<128xi32, #tpu.memory_space<vmem>>) semaphore(%arg8 : memref<!tpu.dma_semaphore, #tpu.memory_space<semaphore_mem>>)
      } else {
      }
      %dma_wait3A_41 = arith.constant 0 : i32
      %dma_wait3A_42 = tpu.memref_slice %arg5[%add3A_33, %dma_wait3A_41] : memref<50x128xi32, #tpu.memory_space<vmem>> -> memref<1x128xi32, #tpu.memory_space<vmem>>
      %dma_wait3A_43 = tpu.memref_squeeze %dma_wait3A_42 : memref<1x128xi32, #tpu.memory_space<vmem>> -> memref<128xi32, #tpu.memory_space<vmem>>
      %dma_wait3A_44 = arith.constant 0 : i32
      %dma_wait3A_45 = arith.constant 0 : i32
      %dma_wait3A_46 = tpu.memref_slice %arg3[%dma_wait3A_44, %dma_wait3A_45] : memref<1000000x128xf32, #tpu.memory_space<hbm>> -> memref<1000000x128xf32, #tpu.memory_space<hbm>>
      tpu.wait_indirect_dma semaphore(%arg9 : memref<!tpu.dma_semaphore, #tpu.memory_space<semaphore_mem>>) src(%dma_wait3A_46 : memref<1000000x128xf32, #tpu.memory_space<hbm>>) dst(%arg7 : memref<128x128xf32, #tpu.memory_space<vmem>>)
      %mul3A_47 = arith.constant 128 : i32
      %mul3A_48 = arith.muli %add3A_33, %mul3A_47 : i32
      %add3A_49 = arith.addi %mul3A_2, %mul3A_48 : i32
      "tpu.region"() ({
        %run_scoped3A = tpu.sem_alloc : memref<!tpu.dma_semaphore, #tpu.memory_space<semaphore_mem>>
        %dma_start3A_50 = arith.constant 0 : i32
        %dma_start3A_51 = tpu.memref_slice %arg4[%add3A_49, %dma_start3A_50] : memref<204800x128xf32, #tpu.memory_space<hbm>> -> memref<128x128xf32, #tpu.memory_space<hbm>>
        %dma_start3A_52 = arith.constant 0 : i32
        %dma_start3A_53 = tpu.memref_slice %arg4[%add3A_49, %dma_start3A_52] : memref<204800x128xf32, #tpu.memory_space<hbm>> -> memref<128x128xf32, #tpu.memory_space<hbm>>
        tpu.enqueue_dma source(%arg7 : memref<128x128xf32, #tpu.memory_space<vmem>>) target(%dma_start3A_53 : memref<128x128xf32, #tpu.memory_space<hbm>>) target_semaphore(%run_scoped3A : memref<!tpu.dma_semaphore, #tpu.memory_space<semaphore_mem>>)
        %dma_wait3A_54 = arith.constant 0 : i32
        %dma_wait3A_55 = tpu.memref_slice %arg4[%add3A_49, %dma_wait3A_54] : memref<204800x128xf32, #tpu.memory_space<hbm>> -> memref<128x128xf32, #tpu.memory_space<hbm>>
        %dma_wait3A_56 = arith.constant 0 : i32
        %dma_wait3A_57 = tpu.memref_slice %arg4[%add3A_49, %dma_wait3A_56] : memref<204800x128xf32, #tpu.memory_space<hbm>> -> memref<128x128xf32, #tpu.memory_space<hbm>>
        tpu.wait_dma2 semaphore(%run_scoped3A : memref<!tpu.dma_semaphore, #tpu.memory_space<semaphore_mem>>) src(%arg7 : memref<128x128xf32, #tpu.memory_space<vmem>>) dst(%dma_wait3A_57 : memref<128x128xf32, #tpu.memory_space<hbm>>)
        tpu.yield
      }) : () -> ()
    }
    %scan3A_12 = arith.constant 25 : i32
    return
  }
}

</mosaic_0001>

<sc_bundles>
// kernel: kernel.4.cloned.1.call-start
scs
__scs_entry_jumppad:
0x0: {  	(pc) =	sbr.rel $0x88, $3  }
0x1: {  	(tag) =	ssettag $0x0;
	lr =	simm.s32 $0x1  }
0x2: {  	[smem:$0x3F9F] =	sst lr;
	_ =	strace $0xD0000000  }
0x3: {  	_ = 	snop  }
0x4: {  	_ = 	snop  }
0x5: {  	_ = 	snop  }
0x6: {  	_ = 	snop  }
0x7: {  	_ = 	snop  }
__scs_overlays_trampoline_lowered:
0x8: {  	[smem:$0x3FAE] =	sst s0  }
0x9: {  	[smem:$0x3FAF] =	sst s1  }
0xa: {  	[smem:$0x3FB0] =	sst s2  }
0xb: {  	[smem:$0x3FB1] =	sst s3  }
0xc: {  	[smem:$0x3FB2] =	sst s4  }
0xd: {  	[smem:$0x3FB3] =	sst s5  }
0xe: {  	[smem:$0x3FB4] =	sst s6  }
0xf: {  	[smem:$0x3FB5] =	sst s7  }
0x10: {  	[smem:$0x3FB6] =	sst s8  }
0x11: {  	[smem:$0x3FB7] =	sst s9;
	s0 =	simm.s32 @!p0 $0x0  }
0x12: {  	s1 =	sld [smem:$0x3F9D];
	s0 =	simm.s32 @p0 $0x1  }
0x13: {  	[smem:$0x3FB8] =	sst s0;
	s0 =	simm.s32 @!p1 $0x0  }
0x14: {  	s2 =	sld [smem:$0x3F9C];
	s0 =	simm.s32 @p1 $0x1  }
0x15: {  	[smem:$0x3FB9] =	sst s0;
	s0 =	simm.s32 @!p2 $0x0  }
0x16: {  	s3 =	sld [smem:$0x3FDB];
	s0 =	simm.s32 @p2 $0x1  }
0x17: {  	s4 =	simm.s32 $0x1BF5;
	[smem:$0x3FBB] =	sst s0  }
0x18: {  	s0 =	sld [smem:$0x3F9E];
	_ =	swait.ge [sflag:s4], $0x0  }
0x19: {  	s7 =	sld [smem:$0x3F9F]  }
0x1a: {  	s8 =	sadd.s32 $0xFFFFE003, lr  }
0x1b: {  	s9 =	sadd.s32 $0xFFFFFEF7, lr;
	s5 =	simm.s32 $0xFFFFFFFF;
	p2 =	slt.u32 s8, $0xFFFFF086  }
0x1c: {  	p1 =	slt.u32 s9, $0xF7A;
	s5 =	simm.s32 @!p2 $0x0  }
0x1d: {  	s5 =	simm.s32 @p1 $0x1;
	p0 =	seq.s32 s7, s2  }
0x1e: {  	s7 =	smul.u32 @!p0 $0xF7A, s2;
	p2 =	seq.s32 @!p0 s5, $0x0  }
0x1f: {  	s9 =	smul.u32 $0xF7A, s1;
	s8 =	simm.s32 @!p0 $0x1BF5;
	p2 =	por !p2, p0  }
0x20: {  	[sflag:s8] =	ssyncset.s32 @!p0 $0xFFFFF086;
	s6 =	sadd.s32 @!p0 s3, s7;
	s7 =	simm.s32 @!p0 $0x108  }
0x21: {  	s3 =	sadd.s32 s3, s9;
	s6 =	sadd.s32 @!p0 $0x88, s6;
	s7 =	simm.s32 @p2 $0x1082  }
0x22: {  	[simem:s7], [sflag:s8] =	dma.local @!p0 [hbm:s6], $0xF7A  }
0x23: {  	s9 =	sor.u32 $0xD0000000, s2;
	s6 =	simm.s32 $0x108;
	_ =	swait.ge @!p0 [sflag:s8], $0x0  }
0x24: {  	s3 =	sadd.s32 $0x88, s3;
	s6 =	simm.s32 @!p1 $0x1082;
	[sflag:s4] =	ssyncset.s32 $0xFFFFF086  }
0x25: {  	[simem:s6], [sflag:s4] =	dma.local [hbm:s3], $0xF7A  }
0x26: {  	[smem:$0x3F9F] =	sst s1;
	(tag) =	ssettag s2;
	_ =	strace s9  }
0x27: {  	s1 =	sld [smem:$0x3FAF]  }
0x28: {  	s2 =	sld [smem:$0x3FB0]  }
0x29: {  	s4 =	sld [smem:$0x3FB2]  }
0x2a: {  	p0 =	seq.s32 s5, $0x0;
	s5 =	sld [smem:$0x3FB3]  }
0x2b: {  	s6 =	sld [smem:$0x3FB4]  }
0x2c: {  	s7 =	sld [smem:$0x3FB5]  }
0x2d: {  	s3 =	simm.s32 $0x108;
	s8 =	sld [smem:$0x3FB6]  }
0x2e: {  	s3 =	simm.s32 @!p0 $0x1082;
	s9 =	sld [smem:$0x3FB7]  }
0x2f: {  	lr =	sadd.s32 s0, s3;
	s0 =	sld [smem:$0x3FAE]  }
0x30: {  	s3 =	sld [smem:$0x3FB1]  }
0x31: {  	[smem:$0x3FBA] =	sst s10  }
0x32: {  	s10 =	sld [smem:$0x3FB8];
	_ =	sdelay $0x3  }
0x33: {  	p0 =	seq.s32 s10, $0x1;
	s10 =	sld [smem:$0x3FBA];
	_ =	sdelay $0x3  }
0x34: {  	[smem:$0x3FBA] =	sst s10  }
0x35: {  	s10 =	sld [smem:$0x3FB9];
	_ =	sdelay $0x3  }
0x36: {  	p1 =	seq.s32 s10, $0x1;
	s10 =	sld [smem:$0x3FBA];
	_ =	sdelay $0x3  }
0x37: {  	[smem:$0x3FBA] =	sst s10  }
0x38: {  	s10 =	sld [smem:$0x3FBB]  }
0x39: {  	_ = 	snop;
	(pc) =	sbr.ind lr, $3  }
0x3a: {  	_ = 	snop  }
0x3b: {  	_ = 	snop  }
0x3c: {  	p2 =	seq.s32 s10, $0x1;
	s10 =	sld [smem:$0x3FBA]  }
0x3d: {  	_ =	shalt  }
0x3e: {  	_ =	shalt  }
0x3f: {  	_ =	shalt  }
0x40: {  	_ =	shalt  }
0x41: {  	_ =	shalt  }
0x42: {  	_ =	shalt  }
0x43: {  	_ =	shalt  }
0x44: {  	_ =	shalt  }
0x45: {  	_ =	shalt  }
0x46: {  	_ =	shalt  }
0x47: {  	_ =	shalt  }
0x48: {  	_ =	shalt  }
0x49: {  	_ =	shalt  }
0x4a: {  	_ =	shalt  }
0x4b: {  	_ =	shalt  }
0x4c: {  	_ =	shalt  }
0x4d: {  	_ =	shalt  }
0x4e: {  	_ =	shalt  }
0x4f: {  	_ =	shalt  }
0x50: {  	_ =	shalt  }
0x51: {  	_ =	shalt  }
0x52: {  	_ =	shalt  }
0x53: {  	_ =	shalt  }
0x54: {  	_ =	shalt  }
0x55: {  	_ =	shalt  }
0x56: {  	_ =	shalt  }
0x57: {  	_ =	shalt  }
0x58: {  	_ =	shalt  }
0x59: {  	_ =	shalt  }
0x5a: {  	_ =	shalt  }
0x5b: {  	_ =	shalt  }
0x5c: {  	_ =	shalt  }
0x5d: {  	_ =	shalt  }
0x5e: {  	_ =	shalt  }
0x5f: {  	_ =	shalt  }
0x60: {  	_ =	shalt  }
0x61: {  	_ =	shalt  }
0x62: {  	_ =	shalt  }
0x63: {  	_ =	shalt  }
0x64: {  	_ =	shalt  }
0x65: {  	_ =	shalt  }
0x66: {  	_ =	shalt  }
0x67: {  	_ =	shalt  }
0x68: {  	_ =	shalt  }
0x69: {  	_ =	shalt  }
0x6a: {  	_ =	shalt  }
0x6b: {  	_ =	shalt  }
0x6c: {  	_ =	shalt  }
0x6d: {  	_ =	shalt  }
0x6e: {  	_ =	shalt  }
0x6f: {  	_ =	shalt  }
0x70: {  	_ =	shalt  }
0x71: {  	_ =	shalt  }
0x72: {  	_ =	shalt  }
0x73: {  	_ =	shalt  }
0x74: {  	_ =	shalt  }
0x75: {  	_ =	shalt  }
0x76: {  	_ =	shalt  }
0x77: {  	_ =	shalt  }
0x78: {  	_ =	shalt  }
0x79: {  	_ =	shalt  }
0x7a: {  	_ =	shalt  }
0x7b: {  	_ =	shalt  }
0x7c: {  	_ =	shalt  }
0x7d: {  	_ =	shalt  }
0x7e: {  	_ =	shalt  }
0x7f: {  	_ =	shalt  }
0x80: {  	_ =	shalt  }
0x81: {  	_ =	shalt  }
0x82: {  	_ =	shalt  }
0x83: {  	_ =	shalt  }
0x84: {  	_ =	shalt  }
0x85: {  	_ =	shalt  }
0x86: {  	_ =	shalt  }
0x87: {  	_ =	shalt  }
.Lfunc_end0:
.L_simem_size_0:
called_computation.1_lowered:
.L_overlay_start_0:
0x88: {  	s2 =	sld [smem:$0x3FD9]  }
0x89: {  	s3 =	sld [smem:$0x3FFE];
	_ =	sdelay $0x1  }
0x8a: {  	s1 =	srdreg.scid  }
0x8b: {  	s0 =	sand.u32 $0x1, s1  }
0x8c: {  	s17 =	sshll.u32 s0, $0xA;
	s2 =	sadd.s32 s3, s2  }
0x8d: {  	s2 =	sadd.s32 s2, s17  }
0x8e: {  	[smem:$0x3FC6] =	sst s2  }
0x8f: {  	_ = 	snop  }
0x90: {  	s2 =	sld [smem:$0x3FC8];
	(tm) =	ssettm $0x1  }
0x91: {  	s18 =	sld [smem:$0x3FFB];
	_ =	sdelay $0x3  }
0x92: {  	_ =	strace s18  }
0x93: {  	s3 =	sld [smem:$0x3FFC];
	_ =	sdelay $0x3  }
0x94: {  	_ =	strace s3  }
0x95: {  	s3 =	sld [smem:$0x3FFD];
	_ =	sdelay $0x3  }
0x96: {  	_ =	strace s3  }
0x97: {  	_ =	strace $0x8FFFFFFF  }
0x98: {  	s19 =	sld [smem:$0x3FDB];
	_ =	sdelay $0x1  }
0x99: {  	s4 =	simm.s32 $_scs_section_size  }
0x9a: {  	s5 =	simm.s32 $_size__tile_overlayer_lowered;
	s6 =	simm.s32 $_tile_overlayer_lowered  }
0x9b: {  	s22 =	simm.s32 $0x1BFF;
	s21 =	sshll.u32 s6, $0x1;
	s3 =	sadd.s32 s4, s19  }
0x9c: {  	s7 =	simm.s32 $0x0;
	s20 =	sshll.u32 s5, $0x1;
	s5 =	sadd.s32 s21, s3  }
0x9d: {  	[timem:s7], [sflag:s22] =	dma.local [hbm:s5], s20  }
0x9e: {  	_ =	swait.ge [sflag:s22], s20  }
0x9f: {  	s4 =	ssub.s32 $0x0, s20;
	[sflag:s22] =	ssyncset.done $0x0  }
0xa0: {  	[sflag:s22] =	ssyncadd.s32 s4;
	_ =	sdelay $0x1  }
0xa1: {  	s23 =	simm.s32 $0x1B8B  }
0xa2: {  	_ =	swait.ge [sflag:s23], $0x1  }
0xa3: {  	[sflag:s23] =	ssyncset.done $0x0  }
0xa4: {  	s25 =	simm.s32 $0x1B8E;
	s24 =	sld [smem:$0x3FFE];
	[sflag:s23] =	ssyncadd.s32 $0xFFFFFFFF  }
0xa5: {  	s26 =	simm.s32 $execute0_lowered;
	[smem:$0x3FD2] =	sst s25  }
0xa6: {  	s5 =	sshll.u32 s26, $0x1;
	_ =	strace $0x80000046;
	[dreg:$0x1] =	wrdreg $0xFFFFFFFF  }
0xa7: {  	s28 =	simm.s32 $_size_execute0_lowered;
	s3 =	sadd.s32 s3, s5;
	[dreg:$0x0] =	wrdreg $0x0  }
0xa8: {  	s5 =	sshll.u32 s28, $0x1;
	[dreg:$0x2] =	wrdreg s3  }
0xa9: {  	[dreg:$0x3] =	wrdreg s5  }
0xaa: {  	[dreg:$0x4] =	wrdreg $0xC0  }
0xab: {  	_ =	task [dreg:s7], $0x5FFFF  }
0xac: {  	[dreg:$0x1] =	wrdreg $0xFFFFFFFF  }
0xad: {  	[dreg:$0x0] =	wrdreg $0x60  }
0xae: {  	[dreg:$0x2] =	wrdreg s2  }
0xaf: {  	[dreg:$0x3] =	wrdreg s24  }
0xb0: {  	[dreg:$0x4] =	wrdreg $0x9  }
0xb1: {  	_ =	task.clear_ibuf [dreg:s7], $0x5FFFF;
	_ =	strace $0x90000046  }
0xb2: {  	s29 =	simm.s32 $0x9;
	_ =	strace $0x80000048  }
0xb3: {  	_ =	swait.ge [sflag:s29], $0x1  }
0xb4: {  	[sflag:s29] =	ssyncadd.s32 $0xFFFFFFFF  }
0xb5: {  	_ =	strace $0x90000048  }
0xb6: {  	_ =	sfence  }
0xb7: {  	s30 =	sld [smem:$0x0];
	_ =	sdelay $0x2  }
0xb8: {  	s31 =	sshll.u32 s1, $0xD;
	s1 =	sshrl.u32 s1, $0x2  }
0xb9: {  	s3 =	sand.u32 $0x4000, s31;
	s1 =	sadd.s32 s1, s30  }
0xba: {  	s0 =	sor.u32 s3, s0;
	s1 =	sshll.u32 s1, $0x11  }
0xbb: {  	s0 =	sor.u32 s1, s0  }
0xbc: {  	s0 =	sadd.s32 $0x8F2B, s0  }
0xbd: {  	[sflag:s0] =	ssyncadd.remote.s32 $0x1  }
0xbe: {  	_ =	sfence.sel $0xFFFF  }
0xbf: {  	[dreg:$0x0] =	wrdreg $0xFFFFFFFF;
	(pc) =	sbr.abs _section_cstart, $3  }
0xc0: {  	[dreg:$0x1] =	wrdreg $0xFFFFFFFF  }
0xc1: {  	_ =	task.clear_ibuf [dreg:s7], $0x2FFFF;
	_ =	strace $0x9FFFFFFF  }
0xc2: {  	(tm) =	ssettm $0x7FFFFFFF  }
0xc3: {  	_ =	shalt  }
tec
execute0_lowered:
.L_overlay_start_1:
0x0: {  	(tag) =	ssettag $0x1  }
0x1: {  	v0 =	vimm.s32 $0xB80;
	vm14 =	vcmask $0x300  }
0x2: {  	v1 =	vimm.s32 $0x1B80;
	vm13 =	vcmask $0x704;
	vm11 =	vcmask $0xB08  }
0x3: {  	vm12 =	vcmask $0xF0C;
	vm10 =	vcmask $0x1310;
	vm9 =	vcmask $0x1714  }
0x4: {  	vm8 =	vcmask $0x1B18;
	vm7 =	vcmask $0x1F1C;
	vm6 =	vcmask $0x2320  }
0x5: {  	vm5 =	vcmask $0x2724;
	vm4 =	vcmask $0x2B28;
	vm3 =	vcmask $0x2F2C  }
0x6: {  	vm2 =	vcmask $0x3330;
	vm1 =	vcmask $0x3734;
	vm0 =	vcmask $0x3B38  }
0x7: {  	v2 =	vimm.s32 $0x2B80;
	v3 =	vimm.s32 $0x3B80;
	v4 =	vimm.s32 $0x4B80  }
0x8: {  	v5 =	vimm.s32 $0x5B80;
	v6 =	vimm.s32 $0x6B80;
	v7 =	vimm.s32 $0x7B80  }
0x9: {  	v0 =	vsel vm14, $0x0, v0;
	v1 =	vsel vm14, $0x1000, v1;
	v2 =	vsel vm14, $0x2000, v2  }
0xa: {  	v3 =	vsel vm14, $0x3000, v3;
	v4 =	vsel vm14, $0x4000, v4;
	v5 =	vsel vm14, $0x5000, v5  }
0xb: {  	v6 =	vsel vm14, $0x6000, v6;
	v7 =	vsel vm14, $0x7000, v7;
	v0 =	vsel vm13, $0x80, v0  }
0xc: {  	v1 =	vsel vm13, $0x1080, v1;
	v2 =	vsel vm13, $0x2080, v2;
	v3 =	vsel vm13, $0x3080, v3  }
0xd: {  	v4 =	vsel vm13, $0x4080, v4;
	v5 =	vsel vm13, $0x5080, v5;
	v6 =	vsel vm13, $0x6080, v6  }
0xe: {  	v7 =	vsel vm13, $0x7080, v7;
	v0 =	vsel vm11, $0x100, v0;
	v1 =	vsel vm11, $0x1100, v1  }
0xf: {  	v2 =	vsel vm11, $0x2100, v2;
	v3 =	vsel vm11, $0x3100, v3;
	v4 =	vsel vm11, $0x4100, v4  }
0x10: {  	v5 =	vsel vm11, $0x5100, v5;
	v6 =	vsel vm11, $0x6100, v6;
	v7 =	vsel vm11, $0x7100, v7  }
0x11: {  	v0 =	vsel vm12, $0x180, v0;
	v1 =	vsel vm12, $0x1180, v1;
	v2 =	vsel vm12, $0x2180, v2  }
0x12: {  	v3 =	vsel vm12, $0x3180, v3;
	v4 =	vsel vm12, $0x4180, v4;
	v5 =	vsel vm12, $0x5180, v5  }
0x13: {  	v6 =	vsel vm12, $0x6180, v6;
	v7 =	vsel vm12, $0x7180, v7;
	v0 =	vsel vm10, $0x200, v0  }
0x14: {  	v1 =	vsel vm10, $0x1200, v1;
	v2 =	vsel vm10, $0x2200, v2;
	v3 =	vsel vm10, $0x3200, v3  }
0x15: {  	v4 =	vsel vm10, $0x4200, v4;
	v5 =	vsel vm10, $0x5200, v5;
	v6 =	vsel vm10, $0x6200, v6  }
0x16: {  	v7 =	vsel vm10, $0x7200, v7;
	v0 =	vsel vm9, $0x280, v0;
	v1 =	vsel vm9, $0x1280, v1  }
0x17: {  	v2 =	vsel vm9, $0x2280, v2;
	v3 =	vsel vm9, $0x3280, v3;
	v4 =	vsel vm9, $0x4280, v4  }
0x18: {  	v5 =	vsel vm9, $0x5280, v5;
	v6 =	vsel vm9, $0x6280, v6;
	v7 =	vsel vm9, $0x7280, v7  }
0x19: {  	v0 =	vsel vm8, $0x300, v0;
	v1 =	vsel vm8, $0x1300, v1;
	v2 =	vsel vm8, $0x2300, v2  }
0x1a: {  	v3 =	vsel vm8, $0x3300, v3;
	v4 =	vsel vm8, $0x4300, v4;
	v5 =	vsel vm8, $0x5300, v5  }
0x1b: {  	v6 =	vsel vm8, $0x6300, v6;
	v7 =	vsel vm8, $0x7300, v7;
	v0 =	vsel vm7, $0x380, v0  }
0x1c: {  	v1 =	vsel vm7, $0x1380, v1;
	v2 =	vsel vm7, $0x2380, v2;
	v3 =	vsel vm7, $0x3380, v3  }
0x1d: {  	v4 =	vsel vm7, $0x4380, v4;
	v5 =	vsel vm7, $0x5380, v5;
	v6 =	vsel vm7, $0x6380, v6  }
0x1e: {  	v7 =	vsel vm7, $0x7380, v7;
	v0 =	vsel vm6, $0x800, v0;
	v1 =	vsel vm6, $0x1800, v1  }
0x1f: {  	v2 =	vsel vm6, $0x2800, v2;
	v3 =	vsel vm6, $0x3800, v3;
	v4 =	vsel vm6, $0x4800, v4  }
0x20: {  	s0 =	rddreg [dreg:$0x0];
	s1 =	srdreg.scid;
	v5 =	vsel vm6, $0x5800, v5;
	v6 =	vsel vm6, $0x6800, v6;
	v7 =	vsel vm6, $0x7800, v7  }
0x21: {  	s7 =	stileid.u32;
	s2 =	rddreg [dreg:$0x1];
	v0 =	vsel vm5, $0x880, v0;
	v1 =	vsel vm5, $0x1880, v1;
	v2 =	vsel vm5, $0x2880, v2  }
0x22: {  	s3 =	simm.s32 $0x0;
	s16 =	simm.s32 $0x1;
	s17 =	simm.s32 $0x8000;
	v3 =	vsel vm5, $0x3880, v3;
	v4 =	vsel vm5, $0x4880, v4;
	v5 =	vsel vm5, $0x5880, v5  }
0x23: {  	s13 =	simm.s32 $0x2;
	s14 =	simm.s32 $0x10000;
	s18 =	simm.s32 $0x13800;
	v6 =	vsel vm5, $0x6880, v6;
	v7 =	vsel vm5, $0x7880, v7;
	v0 =	vsel vm4, $0x900, v0  }
0x24: {  	s19 =	simm.s32 $0x14000;
	s20 =	simm.s32 $0x14800;
	s21 =	simm.s32 $0x15000;
	v1 =	vsel vm4, $0x1900, v1;
	v2 =	vsel vm4, $0x2900, v2;
	v3 =	vsel vm4, $0x3900, v3  }
0x25: {  	s22 =	simm.s32 $0x15800;
	s23 =	simm.s32 $0x16000;
	s24 =	simm.s32 $0x16800;
	v4 =	vsel vm4, $0x4900, v4;
	v5 =	vsel vm4, $0x5900, v5;
	v6 =	vsel vm4, $0x6900, v6  }
0x26: {  	s25 =	simm.s32 $0x17000;
	s26 =	simm.s32 $0x17800;
	s4 =	sand.u32 $0x1, s1;
	v7 =	vsel vm4, $0x7900, v7;
	v0 =	vsel vm3, $0x980, v0;
	v1 =	vsel vm3, $0x1980, v1  }
0x27: {  	s28 =	sshll.u32 s7, $0x1;
	[smem:$0x7FF] =	sst s3;
	s8 =	sadd.s32 $0xE00, s2;
	v2 =	vsel vm3, $0x2980, v2;
	v3 =	vsel vm3, $0x3980, v3;
	v4 =	vsel vm3, $0x4980, v4  }
0x28: {  	p0 =	seq.s32 s7, $0x0;
	s7 =	simm.s32 $0xF6;
	s1 =	sor.u32 s4, s28;
	v5 =	vsel vm3, $0x5980, v5;
	v6 =	vsel vm3, $0x6980, v6;
	v7 =	vsel vm3, $0x7980, v7  }
0x29: {  	_ =	strace $0x80000047;
	[dreg:$0x3] =	wrdreg s8;
	s4 =	ssub.s32 $0x2, s4;
	v0 =	vsel vm2, $0xA00, v0;
	v1 =	vsel vm2, $0x1A00, v1;
	v2 =	vsel vm2, $0x2A00, v2  }
0x2a: {  	s5 =	smul.u32 $0xF4, s1;
	s6 =	smin.u32 s1, $0x2;
	s30 =	sshrl.u32 s4, $0x1;
	v3 =	vsel vm2, $0x3A00, v3;
	v4 =	vsel vm2, $0x4A00, v4;
	v5 =	vsel vm2, $0x5A00, v5  }
0x2b: {  	s7 =	simm.s32 @!p0 $0xF4;
	s6 =	sshll.u32 s6, $0x1;
	s4 =	ssub.s32 s4, s30;
	v6 =	vsel vm2, $0x6A00, v6;
	v7 =	vsel vm2, $0x7A00, v7;
	v0 =	vsel vm1, $0xA80, v0  }
0x2c: {  	s5 =	sadd.s32 s5, s6;
	s6 =	sadd.s32 $0x1200, s2;
	s2 =	sadd.s32 $0xF43200, s2;
	v1 =	vsel vm1, $0x1A80, v1;
	v2 =	vsel vm1, $0x2A80, v2;
	v3 =	vsel vm1, $0x3A80, v3  }
0x2d: {  	s31 =	smax.u32 s4, $0x1;
	s29 =	sshll.u32 s5, $0x7;
	[dreg:$0x6] =	wrdreg s2;
	v4 =	vsel vm1, $0x4A80, v4;
	v5 =	vsel vm1, $0x5A80, v5;
	v6 =	vsel vm1, $0x6A80, v6  }
0x2e: {  	s8 =	simm.s32 $0x13000;
	[dreg:$0x7] =	wrdreg s31;
	s9 =	sadd.s32 s0, s29;
	v7 =	vsel vm1, $0x7A80, v7;
	v0 =	vsel vm0, $0xB00, v0;
	v1 =	vsel vm0, $0x1B00, v1  }
0x2f: {  	s10 =	sshrl.u32 s7, $0x1;
	[dreg:$0x4] =	wrdreg s9;
	s9 =	sadd.s32 $0xB71E00, s9;
	v2 =	vsel vm0, $0x2B00, v2;
	v3 =	vsel vm0, $0x3B00, v3;
	v4 =	vsel vm0, $0x4B00, v4  }
0x30: {  	p0 =	sne.s32 s1, $0x0;
	s4 =	simm.s32 $0x0;
	[dreg:$0x5] =	wrdreg s9;
	v5 =	vsel vm0, $0x5B00, v5;
	v6 =	vsel vm0, $0x6B00, v6;
	v7 =	vsel vm0, $0x7B00, v7  }
.LBB2_1:
0x31: {  	[dreg:$0x8] =	wrdreg s4  }
0x32: {  	s1 =	rddreg [dreg:$0x4];
	s2 =	simm.s32 $0x400;
	s29 =	simm.s32 $0x7A1400  }
0x33: {  	[tilespmem:s3], [sflag:$0x1] =	stream.strided.gather [hbm4b:s1+s2], $0x3000, s29, s2, $0x38;
	[tilespmem:$0x18000] =	vst v63  }
0x34: {  	s30 =	rddreg [dreg:$0x5];
	s31 =	simm.s32 $0x3000;
	s28 =	simm.s32 $0x0  }
0x35: {  	[tilespmem:s31], [sflag:$0x1] =	stream.linear.gather [hbm4b:s30+s3], $0x200, $0x38;
	[tilespmem:$0x18000] =	vst v63  }
.LBB2_2:
0x36: {  	s29 =	sshllo.u32 s28, $0x1  }
0x37: {  	p1 =	sge.u32 s29, s7  }
0x38: {  	s1 =	sadd.s32 @!p1 s5, s29  }
0x39: {  	s12 =	simm.s32 $0x2;
	s1 =	sshll.u32 @!p1 s1, $0x7  }
0x3a: {  	s15 =	simm.s32 $0x3;
	s2 =	simm.s32 @!p1 $0x400;
	s1 =	sand.u32 @!p1 $0x1FFFFF80, s1  }
0x3b: {  	s4 =	simm.s32 @!p1 $0x7A1400;
	s9 =	simm.s32 @!p1 $0x4000;
	s1 =	sadd.s32 @!p1 s0, s1  }
0x3c: {  	[tilespmem:s9], [sflag:$0x2] =	stream.strided.gather @!p1 [hbm4b:s1+s2], $0x3000, s4, s2, $0x38;
	[tilespmem:$0x18000] =	vst v63  }
0x3d: {  	s11 =	simm.s32 $0x5;
	v9 =	vmov s12;
	s12 =	simm.s32 $0x6;
	s1 =	sadd.s32 @!p1 $0xB71E00, s1  }
0x3e: {  	v10 =	vmov s15;
	v12 =	vmov s11;
	s2 =	simm.s32 @!p1 $0x0;
	s4 =	simm.s32 @!p1 $0x7000;
	s9 =	simm.s32 $0x4  }
0x3f: {  	v13 =	vmov s12;
	v14 =	vand.u32 $0x7E, v9;
	v18 =	vand.u32 $0x7F, v10;
	[tilespmem:s4], [sflag:$0x2] =	stream.linear.gather @!p1 [hbm4b:s1+s2], $0x200, $0x38;
	[tilespmem:$0x18000] =	vst v63  }
0x40: {  	v20 =	vand.u32 $0x7F, v12;
	v9 =	vshll.u32 v9, $0x3;
	v11 =	vmov s9;
	s9 =	simm.s32 $0x9;
	_ =	swait.ge [sflag:s16], $0x3200  }
0x41: {  	v10 =	vshll.u32 v10, $0x3;
	v21 =	vand.u32 $0x7E, v13;
	v9 =	vand.u32 $0x400, v9;
	s4 =	simm.s32 $0x8;
	p1 =	seq.s32 s28, $0x0;
	[sflag:s16] =	ssyncset.done $0x0  }
0x42: {  	v28 =	vshll.u32 v13, $0x3;
	v15 =	vmov s9;
	v17 =	vmov s4;
	s4 =	simm.s32 @!p1 $0x3;
	[sflag:s16] =	ssyncadd.s32 $0xFFFFCE00  }
0x43: {  	v14 =	vor.u32 v14, v9;
	v9 =	vand.u32 $0x400, v10;
	v24 =	vshll.u32 v15, $0x3;
	_ =	swait.ge @!p1 [sflag:s4], $0x4000  }
0x44: {  	v13 =	vor.u32 v18, v9;
	v15 =	vand.u32 $0x7F, v15;
	v24 =	vand.u32 $0x400, v24;
	[sflag:s4] =	ssyncset.done @!p1 $0x0  }
0x45: {  	v19 =	vand.u32 $0x7E, v11;
	s1 =	simm.s32 $0x280;
	v11 =	vshll.u32 v11, $0x3;
	v15 =	vor.u32 v15, v24;
	[sflag:s4] =	ssyncadd.s32 @!p1 $0xFFFFC000  }
0x46: {  	s2 =	simm.s32 $0x1;
	v9 =	vand.u32 $0x400, v11;
	v24 =	vshll.u32 v12, $0x3;
	v26 =	vor.u32 v0, v15;
	v25 =	vld [tilespmem:s1+$0x200]  }
0x47: {  	s15 =	simm.s32 $0x7;
	v8 =	vor.u32 s2, v0;
	v12 =	vor.u32 v19, v9;
	v9 =	vand.u32 $0x400, v24;
	v27 =	vld [tilespmem:s1+$0xFFFFFE00]  }
0x48: {  	v16 =	vmov s15;
	v30 =	vor.u32 v0, v14;
	v10 =	vor.u32 v20, v9;
	v29 =	vld [tilespmem:s1+$0xFFFFFE80]  }
0x49: {  	v22 =	vand.u32 $0x7F, v16;
	v9 =	vshll.u32 v16, $0x3;
	v20 =	vor.u32 v0, v10;
	v16 =	vld [tilespmem:s1+$0x0]  }
0x4a: {  	v31 =	vor.u32 v0, v13;
	v11 =	vand.u32 $0x400, v28;
	v18 =	vld [tilespmem:s1+$0xFFFFFF00]  }
0x4b: {  	v11 =	vor.u32 v21, v11;
	v24 =	vor.u32 v0, v12;
	v19 =	vld [tilespmem:s1+$0xFFFFFF80];
	[tilespmem:v26+s17+$0x0] =	vst.idx.msk $0xffff, v25  }
0x4c: {  	[tilespmem:v8+s17+$0x0] =	vst.idx.msk $0xffff, v27;
	v26 =	vld [tilespmem:s1+$0x80];
	v27 =	vor.u32 v0, v11  }
0x4d: {  	v23 =	vand.u32 $0x7E, v17;
	v25 =	vor.u32 v1, v15;
	[tilespmem:v30+s17+$0x0] =	vst.idx.msk $0xffff, v29;
	v21 =	vld [tilespmem:s1+$0x210]  }
0x4e: {  	v17 =	vshll.u32 v17, $0x3;
	v8 =	vand.u32 $0x400, v9;
	[tilespmem:v20+s17+$0x0] =	vst.idx.msk $0xffff, v16;
	v20 =	vor.u32 v1, v14;
	v16 =	vld [tilespmem:s1+$0xFFFFFE90]  }
0x4f: {  	v9 =	vand.u32 $0x400, v17;
	[tilespmem:v31+s17+$0x0] =	vst.idx.msk $0xffff, v18;
	v8 =	vor.u32 v22, v8  }
0x50: {  	v17 =	vld [tilespmem:s1+$0x100];
	[tilespmem:v24+s17+$0x0] =	vst.idx.msk $0xffff, v19;
	v9 =	vor.u32 v23, v9;
	v18 =	vor.u32 v0, v8  }
0x51: {  	s11 =	simm.s32 $0x0;
	v19 =	vld [tilespmem:s1+$0x180];
	v22 =	vor.u32 v0, v9;
	[tilespmem:v27+s17+$0x0] =	vst.idx.msk $0xffff, v26  }
0x52: {  	v24 =	vor.u32 s11, v0;
	v23 =	vld [tilespmem:s1+$0xFFFFFD80];
	[tilespmem:v25+s17+$0x0] =	vst.idx.msk $0xffff, v21  }
0x53: {  	[tilespmem:v20+s17+$0x0] =	vst.idx.msk $0xffff, v16;
	v16 =	vld [tilespmem:s1+$0x90];
	v20 =	vor.u32 v1, v11  }
0x54: {  	v25 =	vor.u32 v2, v15;
	v21 =	vld [tilespmem:s1+$0x220]  }
0x55: {  	[tilespmem:v18+s17+$0x0] =	vst.idx.msk $0xffff, v17;
	v17 =	vld [tilespmem:s1+$0xFFFFFF90];
	v18 =	vor.u32 v1, v12  }
0x56: {  	[tilespmem:v22+s17+$0x0] =	vst.idx.msk $0xffff, v19;
	v19 =	vld [tilespmem:s1+$0x10];
	v22 =	vor.u32 v1, v10  }
0x57: {  	v26 =	vld [tilespmem:s1+$0xFFFFFF10];
	v27 =	vor.u32 v1, v13;
	[tilespmem:v24+s17+$0x0] =	vst.idx.msk $0xffff, v23  }
0x58: {  	v24 =	vor.u32 v1, v8;
	v23 =	vld [tilespmem:s1+$0x110];
	[tilespmem:v20+s17+$0x0] =	vst.idx.msk $0xffff, v16  }
0x59: {  	v16 =	vld [tilespmem:s1+$0xFFFFFEA0];
	v20 =	vor.u32 v2, v14;
	[tilespmem:v25+s17+$0x0] =	vst.idx.msk $0xffff, v21  }
0x5a: {  	[tilespmem:v18+s17+$0x0] =	vst.idx.msk $0xffff, v17;
	v17 =	vld [tilespmem:s1+$0x190];
	v18 =	vor.u32 v1, v9  }
0x5b: {  	[tilespmem:v22+s17+$0x0] =	vst.idx.msk $0xffff, v19;
	v19 =	vld [tilespmem:s1+$0xFFFFFD90];
	v22 =	vor.u32 s11, v1  }
0x5c: {  	[tilespmem:v27+s17+$0x0] =	vst.idx.msk $0xffff, v26;
	v25 =	vor.u32 v3, v15;
	v21 =	vld [tilespmem:s1+$0x230]  }
0x5d: {  	[tilespmem:v24+s17+$0x0] =	vst.idx.msk $0xffff, v23;
	v23 =	vld [tilespmem:s1+$0xFFFFFF20];
	v24 =	vor.u32 v2, v13  }
0x5e: {  	v26 =	vld [tilespmem:s1+$0xFFFFFE10];
	v27 =	vor.u32 s2, v1;
	[tilespmem:v20+s17+$0x0] =	vst.idx.msk $0xffff, v16  }
0x5f: {  	v16 =	vld [tilespmem:s1+$0xA0];
	v20 =	vor.u32 v2, v11;
	[tilespmem:v18+s17+$0x0] =	vst.idx.msk $0xffff, v17  }
0x60: {  	[tilespmem:v22+s17+$0x0] =	vst.idx.msk $0xffff, v19;
	v19 =	vld [tilespmem:s1+$0x20];
	v22 =	vor.u32 v2, v10  }
0x61: {  	[tilespmem:v25+s17+$0x0] =	vst.idx.msk $0xffff, v21;
	v21 =	vld [tilespmem:s1+$0xFFFFFFA0];
	v25 =	vor.u32 v2, v12  }
0x62: {  	[tilespmem:v24+s17+$0x0] =	vst.idx.msk $0xffff, v23;
	v23 =	vld [tilespmem:s1+$0x120];
	v24 =	vor.u32 v2, v8  }
0x63: {  	[tilespmem:v27+s17+$0x0] =	vst.idx.msk $0xffff, v26;
	v27 =	vor.u32 v2, v9;
	v26 =	vld [tilespmem:s1+$0x1A0]  }
0x64: {  	v18 =	vor.u32 v4, v15;
	v17 =	vld [tilespmem:s1+$0x240];
	[tilespmem:v20+s17+$0x0] =	vst.idx.msk $0xffff, v16  }
0x65: {  	v16 =	vld [tilespmem:s1+$0xFFFFFEB0];
	v20 =	vor.u32 v3, v14;
	[tilespmem:v22+s17+$0x0] =	vst.idx.msk $0xffff, v19  }
0x66: {  	v19 =	vld [tilespmem:s1+$0xFFFFFDA0];
	v22 =	vor.u32 s11, v2;
	[tilespmem:v25+s17+$0x0] =	vst.idx.msk $0xffff, v21  }
0x67: {  	v21 =	vld [tilespmem:s1+$0xFFFFFE20];
	v25 =	vor.u32 s2, v2;
	[tilespmem:v24+s17+$0x0] =	vst.idx.msk $0xffff, v23  }
0x68: {  	v23 =	vld [tilespmem:s1+$0xFFFFFF30];
	v24 =	vor.u32 v3, v13;
	[tilespmem:v27+s17+$0x0] =	vst.idx.msk $0xffff, v26  }
0x69: {  	v27 =	vor.u32 v3, v12;
	[tilespmem:v18+s17+$0x0] =	vst.idx.msk $0xffff, v17;
	v26 =	vld [tilespmem:s1+$0xFFFFFFB0]  }
0x6a: {  	v18 =	vor.u32 v5, v15;
	v17 =	vld [tilespmem:s1+$0x250];
	[tilespmem:v20+s17+$0x0] =	vst.idx.msk $0xffff, v16  }
0x6b: {  	v16 =	vld [tilespmem:s1+$0xB0];
	v20 =	vor.u32 v3, v11;
	[tilespmem:v22+s17+$0x0] =	vst.idx.msk $0xffff, v19  }
0x6c: {  	v19 =	vld [tilespmem:s1+$0x30];
	[tilespmem:v25+s17+$0x0] =	vst.idx.msk $0xffff, v21;
	v21 =	vor.u32 v3, v10  }
0x6d: {  	v22 =	vld [tilespmem:s1+$0x130];
	[tilespmem:v24+s17+$0x0] =	vst.idx.msk $0xffff, v23;
	v23 =	vor.u32 v3, v8  }
0x6e: {  	v24 =	vld [tilespmem:s1+$0x1B0];
	v25 =	vor.u32 v3, v9;
	[tilespmem:v27+s17+$0x0] =	vst.idx.msk $0xffff, v26  }
0x6f: {  	v26 =	vld [tilespmem:s1+$0xFFFFFE30];
	v27 =	vor.u32 s2, v3;
	[tilespmem:v18+s17+$0x0] =	vst.idx.msk $0xffff, v17  }
0x70: {  	v18 =	vor.u32 v6, v15;
	v17 =	vld [tilespmem:s1+$0x260];
	[tilespmem:v20+s17+$0x0] =	vst.idx.msk $0xffff, v16  }
0x71: {  	[tilespmem:v21+s17+$0x0] =	vst.idx.msk $0xffff, v19  }
0x72: {  	v16 =	vld [tilespmem:s1+$0xFFFFFEC0];
	v20 =	vor.u32 v4, v14;
	[tilespmem:v23+s17+$0x0] =	vst.idx.msk $0xffff, v22  }
0x73: {  	v21 =	vld [tilespmem:s1+$0xFFFFFF40];
	v22 =	vor.u32 v4, v13;
	[tilespmem:v25+s17+$0x0] =	vst.idx.msk $0xffff, v24  }
0x74: {  	[tilespmem:v27+s17+$0x0] =	vst.idx.msk $0xffff, v26;
	v25 =	vld [tilespmem:s1+$0x40];
	v26 =	vor.u32 v4, v10  }
0x75: {  	v19 =	vor.u32 s11, v3;
	[tilespmem:v18+s17+$0x0] =	vst.idx.msk $0xffff, v17;
	v18 =	vld [tilespmem:s1+$0xFFFFFDB0]  }
0x76: {  	v23 =	vld [tilespmem:s1+$0xFFFFFFC0];
	v24 =	vor.u32 v4, v12  }
0x77: {  	v15 =	vor.u32 v7, v15;
	[tilespmem:v20+s17+$0x0] =	vst.idx.msk $0xffff, v16;
	v17 =	vld [tilespmem:s1+$0x270]  }
0x78: {  	[tilespmem:v22+s17+$0x0] =	vst.idx.msk $0xffff, v21;
	v21 =	vld [tilespmem:s1+$0xFFFFFE40];
	v22 =	vor.u32 s2, v4  }
0x79: {  	[tilespmem:v26+s17+$0x0] =	vst.idx.msk $0xffff, v25;
	v25 =	vld [tilespmem:s1+$0xFFFFFED0];
	v26 =	vor.u32 v5, v14  }
0x7a: {  	v16 =	vld [tilespmem:s1+$0x140];
	[tilespmem:v19+s17+$0x0] =	vst.idx.msk $0xffff, v18;
	v18 =	vor.u32 v4, v8  }
0x7b: {  	v20 =	vor.u32 v4, v9;
	[tilespmem:v24+s17+$0x0] =	vst.idx.msk $0xffff, v23;
	v19 =	vld [tilespmem:s1+$0x1C0]  }
0x7c: {  	[tilespmem:v15+s17+$0x0] =	vst.idx.msk $0xffff, v17;
	v15 =	vld [tilespmem:s1+$0xC0];
	v17 =	vor.u32 v4, v11  }
0x7d: {  	v24 =	vor.u32 s11, v4;
	v23 =	vld [tilespmem:s1+$0xFFFFFDC0];
	[tilespmem:v22+s17+$0x0] =	vst.idx.msk $0xffff, v21  }
0x7e: {  	[tilespmem:v26+s17+$0x0] =	vst.idx.msk $0xffff, v25;
	v25 =	vld [tilespmem:s1+$0xFFFFFE50];
	v26 =	vor.u32 s2, v5  }
0x7f: {  	[tilespmem:v18+s17+$0x0] =	vst.idx.msk $0xffff, v16;
	v16 =	vld [tilespmem:s1+$0xFFFFFFD0];
	v18 =	vor.u32 v5, v12  }
0x80: {  	[tilespmem:v20+s17+$0x0] =	vst.idx.msk $0xffff, v19;
	v19 =	vld [tilespmem:s1+$0x50];
	v20 =	vor.u32 v5, v10  }
0x81: {  	[tilespmem:v17+s17+$0x0] =	vst.idx.msk $0xffff, v15;
	v15 =	vld [tilespmem:s1+$0xFFFFFF50];
	v17 =	vor.u32 v5, v13  }
0x82: {  	[tilespmem:v24+s17+$0x0] =	vst.idx.msk $0xffff, v23;
	v23 =	vld [tilespmem:s1+$0x150];
	v24 =	vor.u32 v5, v8  }
0x83: {  	v22 =	vor.u32 v5, v11;
	v21 =	vld [tilespmem:s1+$0xD0];
	[tilespmem:v26+s17+$0x0] =	vst.idx.msk $0xffff, v25  }
0x84: {  	v38 =	vor.u32 s2, v6;
	v37 =	vld [tilespmem:s1+$0xFFFFFE60];
	[tilespmem:v18+s17+$0x0] =	vst.idx.msk $0xffff, v16  }
0x85: {  	v16 =	vld [tilespmem:s1+$0xFFFFFDD0];
	v18 =	vor.u32 s11, v5;
	[tilespmem:v20+s17+$0x0] =	vst.idx.msk $0xffff, v19  }
0x86: {  	v19 =	vld [tilespmem:s1+$0xFFFFFEE0];
	v20 =	vor.u32 v6, v14;
	[tilespmem:v17+s17+$0x0] =	vst.idx.msk $0xffff, v15  }
0x87: {  	v15 =	vld [tilespmem:s1+$0x1D0];
	v17 =	vor.u32 v5, v9;
	[tilespmem:v24+s17+$0x0] =	vst.idx.msk $0xffff, v23  }
0x88: {  	v23 =	vld [tilespmem:s1+$0xFFFFFFE0];
	v24 =	vor.u32 v6, v12;
	[tilespmem:v22+s17+$0x0] =	vst.idx.msk $0xffff, v21  }
0x89: {  	v21 =	vld [tilespmem:s1+$0xFFFFFF60];
	v22 =	vor.u32 v6, v13;
	[tilespmem:v38+s17+$0x0] =	vst.idx.msk $0xffff, v37  }
0x8a: {  	v27 =	vor.u32 v6, v10;
	v26 =	vld [tilespmem:s1+$0x60];
	[tilespmem:v18+s17+$0x0] =	vst.idx.msk $0xffff, v16  }
0x8b: {  	v30 =	vor.u32 v6, v11;
	v28 =	vld [tilespmem:s1+$0xE0];
	[tilespmem:v20+s17+$0x0] =	vst.idx.msk $0xffff, v19  }
0x8c: {  	v35 =	vor.u32 s11, v6;
	s12 =	simm.s32 $0xC;
	v33 =	vor.u32 v6, v8;
	v20 =	vld [tilespmem:s1+$0x160];
	[tilespmem:v17+s17+$0x0] =	vst.idx.msk $0xffff, v15  }
0x8d: {  	v34 =	vor.u32 v7, v13;
	v31 =	vor.u32 v7, v14;
	v25 =	vmov s12;
	[tilespmem:v24+s17+$0x0] =	vst.idx.msk $0xffff, v23;
	v39 =	vld [tilespmem:s1+$0xFFFFFDE0]  }
0x8e: {  	s31 =	simm.s32 $0xB;
	v36 =	vor.u32 v6, v9;
	s12 =	simm.s32 $0x11;
	v16 =	vor.u32 s11, v7;
	v18 =	vor.u32 s2, v7;
	[tilespmem:v22+s17+$0x0] =	vst.idx.msk $0xffff, v21;
	v21 =	vld [tilespmem:s1+$0x1E0]  }
0x8f: {  	s15 =	simm.s32 $0xD;
	s4 =	simm.s32 $0xE;
	v11 =	vor.u32 v7, v11;
	v19 =	vmov s12;
	v15 =	vor.u32 s31, v0;
	[tilespmem:v27+s17+$0x0] =	vst.idx.msk $0xffff, v26;
	v29 =	vld [tilespmem:s1+$0xFFFFFEF0]  }
0x90: {  	s9 =	simm.s32 $0xF;
	v10 =	vor.u32 v7, v10;
	v17 =	vmov s15;
	v26 =	vmov s4;
	[tilespmem:v30+s17+$0x0] =	vst.idx.msk $0xffff, v28;
	v32 =	vld [tilespmem:s1+$0xFFFFFF70]  }
0x91: {  	s30 =	sshll.u32 s28, $0x1;
	s11 =	simm.s32 $0x10;
	v23 =	vmov s9;
	v27 =	vand.u32 $0x7E, v25;
	v28 =	vld [tilespmem:s1+$0xFFFFFFF0];
	v30 =	vor.u32 v7, v12;
	[tilespmem:v33+s17+$0x0] =	vst.idx.msk $0xffff, v20  }
0x92: {  	s2 =	sadd.s32 s5, s30;
	s15 =	simm.s32 $0x12;
	v22 =	vmov s11;
	v13 =	vand.u32 $0x7E, v26;
	v24 =	vand.u32 $0x7F, v23;
	v33 =	vld [tilespmem:s1+$0x70];
	[tilespmem:v35+s17+$0x0] =	vst.idx.msk $0xffff, v39  }
0x93: {  	s9 =	simm.s32 $0x13;
	s4 =	simm.s32 $0x14;
	v12 =	vand.u32 $0x7F, v17;
	v20 =	vmov s15;
	s15 =	simm.s32 $0xA;
	v35 =	vld [tilespmem:s1+$0xF0];
	[tilespmem:v36+s17+$0x0] =	vst.idx.msk $0xffff, v21;
	v21 =	vand.u32 $0x7E, v22  }
.LBB2_3:
0x94: {  	p2 =	slt.u32 s4, $0x5A;
	v36 =	vand.u32 $0x7F, v19;
	v14 =	vmov s9;
	[tilespmem:v31+s17+$0x0] =	vst.idx.msk $0xffff, v29;
	v29 =	vld [tilespmem:s1+$0x170];
	v8 =	vor.u32 v7, v8  }
0x95: {  	v31 =	vand.u32 $0x7E, v20;
	v9 =	vor.u32 v7, v9;
	v37 =	vshll.u32 v14, $0x3;
	[tilespmem:v34+s17+$0x0] =	vst.idx.msk $0xffff, v32;
	v32 =	vld [tilespmem:s1+$0x1F0]  }
0x96: {  	v25 =	vshll.u32 v25, $0x3;
	v14 =	vand.u32 $0x7F, v14;
	v34 =	vand.u32 $0x400, v37;
	v37 =	vld [tilespmem:s1+$0xFFFFFE70];
	[tilespmem:v30+s17+$0x0] =	vst.idx.msk $0xffff, v28  }
0x97: {  	v26 =	vshll.u32 v26, $0x3;
	v28 =	vshll.u32 v17, $0x3;
	v17 =	vor.u32 v14, v34;
	v14 =	vld [tilespmem:s1+$0xFFFFFDF0];
	[tilespmem:v10+s17+$0x0] =	vst.idx.msk $0xffff, v33;
	s1 =	sadd.s32 $0x500, s1  }
0x98: {  	v23 =	vshll.u32 v23, $0x3;
	v10 =	vand.u32 $0x400, v25;
	v25 =	vld [tilespmem:s1+$0x200];
	v30 =	vor.u32 v0, v17;
	[tilespmem:v11+s17+$0x0] =	vst.idx.msk $0xffff, v35  }
0x99: {  	v22 =	vshll.u32 v22, $0x3;
	v11 =	vor.u32 v27, v10;
	v10 =	vand.u32 $0x400, v28;
	v33 =	vld [tilespmem:s1+$0xFFFFFE00];
	[tilespmem:v8+s17+$0x0] =	vst.idx.msk $0xffff, v29  }
0x9a: {  	v27 =	vor.u32 v0, v11;
	v12 =	vor.u32 v12, v10;
	v10 =	vand.u32 $0x400, v26;
	v8 =	vld [tilespmem:s1+$0xFFFFFE80];
	[tilespmem:v9+s17+$0x0] =	vst.idx.msk $0xffff, v32  }
0x9b: {  	v26 =	vor.u32 v0, v12;
	v13 =	vor.u32 v13, v10;
	v10 =	vand.u32 $0x400, v23;
	v9 =	vld [tilespmem:s1+$0xFFFFFF00];
	[tilespmem:v18+s17+$0x0] =	vst.idx.msk $0xffff, v37  }
0x9c: {  	v19 =	vshll.u32 v19, $0x3;
	v23 =	vor.u32 v0, v13;
	v10 =	vor.u32 v24, v10;
	v18 =	vld [tilespmem:s1+$0xFFFFFF80];
	[tilespmem:v16+s17+$0x0] =	vst.idx.msk $0xffff, v14  }
0x9d: {  	v20 =	vshll.u32 v20, $0x3;
	v24 =	vor.u32 v0, v10;
	v14 =	vand.u32 $0x400, v22;
	v16 =	vld [tilespmem:s1+$0x0];
	[tilespmem:v30+s17+$0x0] =	vst.idx.msk $0xffff, v25  }
0x9e: {  	v14 =	vor.u32 v21, v14;
	v21 =	vor.u32 v1, v17;
	[tilespmem:v15+s17+$0x0] =	vst.idx.msk $0xffff, v33;
	v15 =	vand.u32 $0x400, v19;
	v19 =	vld [tilespmem:s1+$0x210]  }
0x9f: {  	v25 =	vor.u32 v0, v14;
	[tilespmem:v27+s17+$0x0] =	vst.idx.msk $0xffff, v8;
	v22 =	vld [tilespmem:s1+$0x80];
	v8 =	vor.u32 v36, v15;
	v15 =	vand.u32 $0x400, v20  }
0xa0: {  	[tilespmem:v26+s17+$0x0] =	vst.idx.msk $0xffff, v9;
	v20 =	vld [tilespmem:s1+$0x100];
	v26 =	vor.u32 v0, v8;
	v9 =	vor.u32 v31, v15  }
0xa1: {  	[tilespmem:v23+s17+$0x0] =	vst.idx.msk $0xffff, v18;
	v15 =	vld [tilespmem:s1+$0x180];
	v18 =	vor.u32 v0, v9  }
0xa2: {  	v27 =	vor.u32 s15, v0;
	v23 =	vld [tilespmem:s1+$0xFFFFFD80];
	[tilespmem:v24+s17+$0x0] =	vst.idx.msk $0xffff, v16  }
0xa3: {  	v24 =	vor.u32 v1, v11;
	v16 =	vld [tilespmem:s1+$0xFFFFFE90];
	[tilespmem:v21+s17+$0x0] =	vst.idx.msk $0xffff, v19  }
0xa4: {  	v21 =	vor.u32 v2, v17;
	[tilespmem:v25+s17+$0x0] =	vst.idx.msk $0xffff, v22;
	v19 =	vld [tilespmem:s1+$0x220]  }
0xa5: {  	v25 =	vor.u32 v1, v12;
	v22 =	vld [tilespmem:s1+$0xFFFFFF10];
	[tilespmem:v26+s17+$0x0] =	vst.idx.msk $0xffff, v20  }
0xa6: {  	v26 =	vor.u32 v1, v13;
	v20 =	vld [tilespmem:s1+$0xFFFFFF90];
	[tilespmem:v18+s17+$0x0] =	vst.idx.msk $0xffff, v15  }
0xa7: {  	v18 =	vor.u32 v1, v10;
	[tilespmem:v27+s17+$0x0] =	vst.idx.msk $0xffff, v23;
	v15 =	vld [tilespmem:s1+$0x10]  }
0xa8: {  	v23 =	vor.u32 v1, v14;
	[tilespmem:v24+s17+$0x0] =	vst.idx.msk $0xffff, v16;
	v16 =	vld [tilespmem:s1+$0x90]  }
0xa9: {  	v27 =	vor.u32 v1, v8;
	v24 =	vld [tilespmem:s1+$0x110];
	[tilespmem:v21+s17+$0x0] =	vst.idx.msk $0xffff, v19  }
0xaa: {  	v21 =	vor.u32 v3, v17;
	[tilespmem:v25+s17+$0x0] =	vst.idx.msk $0xffff, v22;
	v19 =	vld [tilespmem:s1+$0x230]  }
0xab: {  	v22 =	vor.u32 v1, v9;
	[tilespmem:v26+s17+$0x0] =	vst.idx.msk $0xffff, v20;
	v20 =	vld [tilespmem:s1+$0x190]  }
0xac: {  	v26 =	vor.u32 s31, v1;
	v25 =	vld [tilespmem:s1+$0xFFFFFE10];
	[tilespmem:v18+s17+$0x0] =	vst.idx.msk $0xffff, v15  }
0xad: {  	v18 =	vor.u32 s15, v1;
	v15 =	vld [tilespmem:s1+$0xFFFFFD90];
	[tilespmem:v23+s17+$0x0] =	vst.idx.msk $0xffff, v16  }
0xae: {  	v23 =	vor.u32 v2, v11;
	v16 =	vld [tilespmem:s1+$0xFFFFFEA0];
	[tilespmem:v27+s17+$0x0] =	vst.idx.msk $0xffff, v24  }
0xaf: {  	v27 =	vor.u32 v2, v12;
	v24 =	vld [tilespmem:s1+$0xFFFFFF20];
	[tilespmem:v21+s17+$0x0] =	vst.idx.msk $0xffff, v19  }
0xb0: {  	[tilespmem:v22+s17+$0x0] =	vst.idx.msk $0xffff, v20;
	v19 =	vld [tilespmem:s1+$0x240];
	v20 =	vor.u32 v4, v17  }
0xb1: {  	v22 =	vor.u32 v2, v13;
	[tilespmem:v26+s17+$0x0] =	vst.idx.msk $0xffff, v25;
	v21 =	vld [tilespmem:s1+$0xFFFFFFA0]  }
0xb2: {  	[tilespmem:v18+s17+$0x0] =	vst.idx.msk $0xffff, v15;
	v15 =	vld [tilespmem:s1+$0x20];
	v18 =	vor.u32 v2, v10  }
0xb3: {  	[tilespmem:v23+s17+$0x0] =	vst.idx.msk $0xffff, v16;
	v16 =	vld [tilespmem:s1+$0xA0];
	v23 =	vor.u32 v2, v14  }
0xb4: {  	v25 =	vor.u32 v2, v8;
	[tilespmem:v27+s17+$0x0] =	vst.idx.msk $0xffff, v24;
	v24 =	vld [tilespmem:s1+$0x120]  }
0xb5: {  	v27 =	vor.u32 v2, v9;
	v26 =	vld [tilespmem:s1+$0x1A0];
	[tilespmem:v20+s17+$0x0] =	vst.idx.msk $0xffff, v19  }
0xb6: {  	v20 =	vor.u32 v5, v17;
	[tilespmem:v22+s17+$0x0] =	vst.idx.msk $0xffff, v21;
	v19 =	vld [tilespmem:s1+$0x250]  }
0xb7: {  	v22 =	vor.u32 s31, v2;
	v21 =	vld [tilespmem:s1+$0xFFFFFE20];
	[tilespmem:v18+s17+$0x0] =	vst.idx.msk $0xffff, v15  }
0xb8: {  	v18 =	vor.u32 s15, v2;
	v15 =	vld [tilespmem:s1+$0xFFFFFDA0];
	[tilespmem:v23+s17+$0x0] =	vst.idx.msk $0xffff, v16  }
0xb9: {  	v23 =	vor.u32 v3, v11;
	v16 =	vld [tilespmem:s1+$0xFFFFFEB0];
	[tilespmem:v25+s17+$0x0] =	vst.idx.msk $0xffff, v24  }
0xba: {  	v25 =	vor.u32 v3, v12;
	v24 =	vld [tilespmem:s1+$0xFFFFFF30];
	[tilespmem:v27+s17+$0x0] =	vst.idx.msk $0xffff, v26  }
0xbb: {  	v27 =	vor.u32 v3, v13;
	v26 =	vld [tilespmem:s1+$0xFFFFFFB0];
	[tilespmem:v20+s17+$0x0] =	vst.idx.msk $0xffff, v19  }
0xbc: {  	v20 =	vor.u32 v6, v17;
	[tilespmem:v22+s17+$0x0] =	vst.idx.msk $0xffff, v21;
	v19 =	vld [tilespmem:s1+$0x260]  }
0xbd: {  	[tilespmem:v18+s17+$0x0] =	vst.idx.msk $0xffff, v15;
	v15 =	vld [tilespmem:s1+$0x30];
	v18 =	vor.u32 v3, v10  }
0xbe: {  	v21 =	vor.u32 v3, v14;
	[tilespmem:v23+s17+$0x0] =	vst.idx.msk $0xffff, v16;
	v16 =	vld [tilespmem:s1+$0xB0]  }
0xbf: {  	v23 =	vor.u32 v3, v8;
	[tilespmem:v25+s17+$0x0] =	vst.idx.msk $0xffff, v24;
	v22 =	vld [tilespmem:s1+$0x130]  }
0xc0: {  	v25 =	vor.u32 v3, v9;
	[tilespmem:v27+s17+$0x0] =	vst.idx.msk $0xffff, v26;
	v24 =	vld [tilespmem:s1+$0x1B0]  }
0xc1: {  	v27 =	vor.u32 s31, v3;
	v26 =	vld [tilespmem:s1+$0xFFFFFE30];
	[tilespmem:v20+s17+$0x0] =	vst.idx.msk $0xffff, v19  }
0xc2: {  	v17 =	vor.u32 v7, v17;
	[tilespmem:v18+s17+$0x0] =	vst.idx.msk $0xffff, v15;
	v15 =	vld [tilespmem:s1+$0x270]  }
0xc3: {  	v19 =	vor.u32 s15, v3;
	v18 =	vld [tilespmem:s1+$0xFFFFFDB0];
	[tilespmem:v21+s17+$0x0] =	vst.idx.msk $0xffff, v16  }
0xc4: {  	v20 =	vor.u32 v4, v11;
	v16 =	vld [tilespmem:s1+$0xFFFFFEC0];
	[tilespmem:v23+s17+$0x0] =	vst.idx.msk $0xffff, v22  }
0xc5: {  	v22 =	vor.u32 v4, v12;
	v21 =	vld [tilespmem:s1+$0xFFFFFF40];
	[tilespmem:v25+s17+$0x0] =	vst.idx.msk $0xffff, v24  }
0xc6: {  	v24 =	vor.u32 v4, v13;
	[tilespmem:v27+s17+$0x0] =	vst.idx.msk $0xffff, v26;
	v23 =	vld [tilespmem:s1+$0xFFFFFFC0]  }
0xc7: {  	v26 =	vor.u32 v4, v10;
	v25 =	vld [tilespmem:s1+$0x40];
	[tilespmem:v17+s17+$0x0] =	vst.idx.msk $0xffff, v15  }
0xc8: {  	v17 =	vor.u32 v4, v14;
	[tilespmem:v19+s17+$0x0] =	vst.idx.msk $0xffff, v18;
	v15 =	vld [tilespmem:s1+$0xC0]  }
0xc9: {  	v18 =	vor.u32 v4, v8;
	[tilespmem:v20+s17+$0x0] =	vst.idx.msk $0xffff, v16;
	v16 =	vld [tilespmem:s1+$0x140]  }
0xca: {  	v20 =	vor.u32 v4, v9;
	[tilespmem:v22+s17+$0x0] =	vst.idx.msk $0xffff, v21;
	v19 =	vld [tilespmem:s1+$0x1C0]  }
0xcb: {  	v22 =	vor.u32 s31, v4;
	v21 =	vld [tilespmem:s1+$0xFFFFFE40];
	[tilespmem:v24+s17+$0x0] =	vst.idx.msk $0xffff, v23  }
0xcc: {  	v24 =	vor.u32 s15, v4;
	v23 =	vld [tilespmem:s1+$0xFFFFFDC0];
	[tilespmem:v26+s17+$0x0] =	vst.idx.msk $0xffff, v25  }
0xcd: {  	v26 =	vor.u32 v5, v11;
	v25 =	vld [tilespmem:s1+$0xFFFFFED0];
	[tilespmem:v17+s17+$0x0] =	vst.idx.msk $0xffff, v15  }
0xce: {  	v17 =	vor.u32 v5, v12;
	v15 =	vld [tilespmem:s1+$0xFFFFFF50];
	[tilespmem:v18+s17+$0x0] =	vst.idx.msk $0xffff, v16  }
0xcf: {  	v18 =	vor.u32 v5, v13;
	v16 =	vld [tilespmem:s1+$0xFFFFFFD0];
	[tilespmem:v20+s17+$0x0] =	vst.idx.msk $0xffff, v19  }
0xd0: {  	v20 =	vor.u32 v5, v10;
	[tilespmem:v22+s17+$0x0] =	vst.idx.msk $0xffff, v21;
	v19 =	vld [tilespmem:s1+$0x50]  }
0xd1: {  	v22 =	vor.u32 v5, v14;
	[tilespmem:v24+s17+$0x0] =	vst.idx.msk $0xffff, v23;
	v21 =	vld [tilespmem:s1+$0xD0]  }
0xd2: {  	v24 =	vor.u32 v5, v8;
	[tilespmem:v26+s17+$0x0] =	vst.idx.msk $0xffff, v25;
	v23 =	vld [tilespmem:s1+$0x150]  }
0xd3: {  	[tilespmem:v17+s17+$0x0] =	vst.idx.msk $0xffff, v15;
	v15 =	vld [tilespmem:s1+$0x1D0];
	v17 =	vor.u32 v5, v9  }
0xd4: {  	v26 =	vor.u32 s31, v5;
	v25 =	vld [tilespmem:s1+$0xFFFFFE50];
	[tilespmem:v18+s17+$0x0] =	vst.idx.msk $0xffff, v16  }
0xd5: {  	v18 =	vor.u32 s15, v5;
	v16 =	vld [tilespmem:s1+$0xFFFFFDD0];
	[tilespmem:v20+s17+$0x0] =	vst.idx.msk $0xffff, v19  }
0xd6: {  	v20 =	vor.u32 v6, v11;
	v19 =	vld [tilespmem:s1+$0xFFFFFEE0];
	[tilespmem:v22+s17+$0x0] =	vst.idx.msk $0xffff, v21  }
0xd7: {  	v22 =	vor.u32 v6, v12;
	v21 =	vld [tilespmem:s1+$0xFFFFFF60];
	[tilespmem:v24+s17+$0x0] =	vst.idx.msk $0xffff, v23  }
0xd8: {  	v24 =	vor.u32 v6, v13;
	v23 =	vld [tilespmem:s1+$0xFFFFFFE0];
	[tilespmem:v17+s17+$0x0] =	vst.idx.msk $0xffff, v15  }
0xd9: {  	v27 =	vor.u32 v6, v10;
	[tilespmem:v26+s17+$0x0] =	vst.idx.msk $0xffff, v25;
	v26 =	vld [tilespmem:s1+$0x60]  }
0xda: {  	v30 =	vor.u32 v6, v14;
	[tilespmem:v18+s17+$0x0] =	vst.idx.msk $0xffff, v16;
	v28 =	vld [tilespmem:s1+$0xE0]  }
0xdb: {  	v33 =	vor.u32 v6, v8;
	[tilespmem:v20+s17+$0x0] =	vst.idx.msk $0xffff, v19;
	v20 =	vld [tilespmem:s1+$0x160]  }
0xdc: {  	s9 =	sadd.s32 $0x1, s4;
	v35 =	vor.u32 s15, v6;
	v36 =	vor.u32 v6, v9;
	v16 =	vor.u32 s15, v7;
	s15 =	smov.u32 s4;
	[tilespmem:v22+s17+$0x0] =	vst.idx.msk $0xffff, v21;
	v21 =	vld [tilespmem:s1+$0x1E0]  }
0xdd: {  	s11 =	sadd.s32 $0x2, s4;
	s12 =	sadd.s32 $0x3, s4;
	v38 =	vor.u32 s31, v6;
	v15 =	vor.u32 s9, v0;
	v18 =	vor.u32 s31, v7;
	s31 =	smov.u32 s9;
	v37 =	vld [tilespmem:s1+$0xFFFFFE60];
	[tilespmem:v24+s17+$0x0] =	vst.idx.msk $0xffff, v23  }
0xde: {  	v17 =	vmov s12;
	v25 =	vmov s11;
	s11 =	sadd.s32 $0x5, s4;
	s9 =	sadd.s32 $0x4, s4;
	v39 =	vld [tilespmem:s1+$0xFFFFFDE0];
	[tilespmem:v27+s17+$0x0] =	vst.idx.msk $0xffff, v26  }
.Ltmp0:
0xdf: {  	v31 =	vor.u32 v7, v11;
	v23 =	vmov s11;
	s11 =	sadd.s32 $0x7, s4;
	v26 =	vmov s9;
	s9 =	sadd.s32 $0x6, s4;
	v29 =	vld [tilespmem:s1+$0xFFFFFEF0];
	[tilespmem:v30+s17+$0x0] =	vst.idx.msk $0xffff, v28;
	(pc) =	sbr.rel @p2 .LBB2_3-.Ltmp0, $4  }
0xe0: {  	v34 =	vor.u32 v7, v12;
	v19 =	vmov s11;
	v22 =	vmov s9;
	s9 =	sadd.s32 $0x8, s4;
	v32 =	vld [tilespmem:s1+$0xFFFFFF70];
	[tilespmem:v33+s17+$0x0] =	vst.idx.msk $0xffff, v20  }
0xe1: {  	v27 =	vand.u32 $0x7E, v25;
	v30 =	vor.u32 v7, v13;
	v20 =	vmov s9;
	v28 =	vld [tilespmem:s1+$0xFFFFFFF0];
	[tilespmem:v36+s17+$0x0] =	vst.idx.msk $0xffff, v21  }
0xe2: {  	v10 =	vor.u32 v7, v10;
	v12 =	vand.u32 $0x7F, v17;
	v13 =	vand.u32 $0x7E, v26;
	[tilespmem:v38+s17+$0x0] =	vst.idx.msk $0xffff, v37;
	v33 =	vld [tilespmem:s1+$0x70]  }
0xe3: {  	v11 =	vor.u32 v7, v14;
	v24 =	vand.u32 $0x7F, v23;
	s4 =	sadd.s32 $0xA, s4;
	s9 =	sadd.s32 $0x9, s15;
	v21 =	vand.u32 $0x7E, v22;
	[tilespmem:v35+s17+$0x0] =	vst.idx.msk $0xffff, v39;
	v35 =	vld [tilespmem:s1+$0xF0]  }
0xe4: {  	_ =	sdelay $0x2  }
0xe5: {  	v14 =	vmov s9  }
0xe6: {  	v36 =	vand.u32 $0x7F, v19;
	[tilespmem:v31+s17+$0x0] =	vst.idx.msk $0xffff, v29;
	v31 =	vor.u32 v7, v8;
	v58 =	vor.u32 v7, v9  }
0xe7: {  	v29 =	vld [tilespmem:s1+$0x170];
	v9 =	vshll.u32 v25, $0x3;
	v26 =	vshll.u32 v26, $0x3;
	v8 =	vshll.u32 v14, $0x3  }
0xe8: {  	v25 =	vld [tilespmem:s1+$0xFFFFFE70];
	s12 =	sadd.s32 $0x500, s1;
	v23 =	vshll.u32 v23, $0x3;
	[tilespmem:v34+s17+$0x0] =	vst.idx.msk $0xffff, v32;
	v14 =	vand.u32 $0x7F, v14;
	v8 =	vand.u32 $0x400, v8  }
0xe9: {  	v22 =	vshll.u32 v22, $0x3;
	v60 =	vld [tilespmem:s12+$0xFFFFFE00];
	[tilespmem:v30+s17+$0x0] =	vst.idx.msk $0xffff, v28;
	v28 =	vshll.u32 v17, $0x3;
	v17 =	vor.u32 v14, v8  }
0xea: {  	v14 =	vld [tilespmem:s1+$0xFFFFFDF0];
	[tilespmem:v10+s17+$0x0] =	vst.idx.msk $0xffff, v33;
	v8 =	vand.u32 $0x400, v9;
	v9 =	vand.u32 $0x400, v28;
	v59 =	vor.u32 v0, v17  }
0xeb: {  	v30 =	vld [tilespmem:s12+$0x200];
	v10 =	vand.u32 $0x400, v26;
	[tilespmem:v11+s17+$0x0] =	vst.idx.msk $0xffff, v35;
	v8 =	vor.u32 v27, v8;
	v9 =	vor.u32 v12, v9  }
0xec: {  	v27 =	vld [tilespmem:s12+$0xFFFFFE80];
	v10 =	vor.u32 v13, v10;
	v11 =	vand.u32 $0x400, v23;
	[tilespmem:v31+s17+$0x0] =	vst.idx.msk $0xffff, v29;
	v28 =	vor.u32 v0, v8  }
0xed: {  	v26 =	vld [tilespmem:s12+$0xFFFFFF00];
	v13 =	vshll.u32 v19, $0x3;
	v12 =	vand.u32 $0x400, v22;
	v29 =	vor.u32 v0, v9;
	[tilespmem:v18+s17+$0x0] =	vst.idx.msk $0xffff, v25  }
0xee: {  	v18 =	vld [tilespmem:s12+$0xFFFFFF80];
	v23 =	vor.u32 v0, v10;
	v12 =	vor.u32 v21, v12;
	v13 =	vand.u32 $0x400, v13;
	[tilespmem:v15+s17+$0x0] =	vst.idx.msk $0xffff, v60  }
0xef: {  	v21 =	vld [tilespmem:s12+$0x80];
	v22 =	vor.u32 v0, v12;
	v13 =	vor.u32 v36, v13;
	[tilespmem:v16+s17+$0x0] =	vst.idx.msk $0xffff, v14  }
0xf0: {  	v11 =	vor.u32 v24, v11;
	v24 =	vld [tilespmem:s12+$0x100];
	v25 =	vor.u32 v0, v13;
	[tilespmem:v59+s17+$0x0] =	vst.idx.msk $0xffff, v30  }
0xf1: {  	v19 =	vor.u32 v0, v11;
	v16 =	vld [tilespmem:s12+$0x0];
	v14 =	vshll.u32 v20, $0x3;
	[tilespmem:v28+s17+$0x0] =	vst.idx.msk $0xffff, v27  }
0xf2: {  	v37 =	vand.u32 $0x7E, v20;
	v20 =	vor.u32 v1, v17;
	v14 =	vand.u32 $0x400, v14;
	v15 =	vld [tilespmem:s12+$0x210];
	[tilespmem:v29+s17+$0x0] =	vst.idx.msk $0xffff, v26  }
0xf3: {  	v14 =	vor.u32 v37, v14;
	[tilespmem:v23+s17+$0x0] =	vst.idx.msk $0xffff, v18;
	v26 =	vld [tilespmem:s12+$0xFFFFFD80];
	v27 =	vor.u32 s15, v0  }
0xf4: {  	v18 =	vld [tilespmem:s12+$0x180];
	v23 =	vor.u32 v0, v14;
	[tilespmem:v22+s17+$0x0] =	vst.idx.msk $0xffff, v21  }
0xf5: {  	v21 =	vld [tilespmem:s12+$0xFFFFFF10];
	v22 =	vor.u32 v1, v9;
	[tilespmem:v25+s17+$0x0] =	vst.idx.msk $0xffff, v24  }
0xf6: {  	v24 =	vld [tilespmem:s12+$0xFFFFFF90];
	v25 =	vor.u32 v1, v10;
	[tilespmem:v19+s17+$0x0] =	vst.idx.msk $0xffff, v16  }
0xf7: {  	v16 =	vld [tilespmem:s12+$0xFFFFFE90];
	v19 =	vor.u32 v1, v8;
	[tilespmem:v20+s17+$0x0] =	vst.idx.msk $0xffff, v15  }
0xf8: {  	[tilespmem:v27+s17+$0x0] =	vst.idx.msk $0xffff, v26;
	v26 =	vld [tilespmem:s12+$0x110];
	v27 =	vor.u32 v1, v13  }
0xf9: {  	v20 =	vor.u32 v2, v17;
	v15 =	vld [tilespmem:s12+$0x220];
	[tilespmem:v23+s17+$0x0] =	vst.idx.msk $0xffff, v18  }
0xfa: {  	v18 =	vld [tilespmem:s12+$0x10];
	v23 =	vor.u32 v1, v11;
	[tilespmem:v22+s17+$0x0] =	vst.idx.msk $0xffff, v21  }
0xfb: {  	v22 =	vor.u32 v1, v14;
	[tilespmem:v25+s17+$0x0] =	vst.idx.msk $0xffff, v24;
	v21 =	vld [tilespmem:s12+$0x190]  }
0xfc: {  	v24 =	vld [tilespmem:s12+$0xFFFFFE10];
	v25 =	vor.u32 s31, v1;
	[tilespmem:v19+s17+$0x0] =	vst.idx.msk $0xffff, v16  }
0xfd: {  	v16 =	vld [tilespmem:s12+$0x90];
	v19 =	vor.u32 v1, v12;
	[tilespmem:v27+s17+$0x0] =	vst.idx.msk $0xffff, v26  }
0xfe: {  	v26 =	vld [tilespmem:s12+$0xFFFFFF20];
	v27 =	vor.u32 v2, v9;
	[tilespmem:v20+s17+$0x0] =	vst.idx.msk $0xffff, v15  }
0xff: {  	[tilespmem:v23+s17+$0x0] =	vst.idx.msk $0xffff, v18;
	v18 =	vld [tilespmem:s12+$0xFFFFFD90];
	v23 =	vor.u32 s15, v1  }
0x100: {  	v20 =	vor.u32 v3, v17;
	v15 =	vld [tilespmem:s12+$0x230];
	[tilespmem:v22+s17+$0x0] =	vst.idx.msk $0xffff, v21  }
0x101: {  	[tilespmem:v25+s17+$0x0] =	vst.idx.msk $0xffff, v24;
	v21 =	vld [tilespmem:s12+$0xFFFFFFA0];
	v22 =	vor.u32 v2, v10  }
0x102: {  	[tilespmem:v19+s17+$0x0] =	vst.idx.msk $0xffff, v16;
	v16 =	vld [tilespmem:s12+$0xFFFFFEA0];
	v19 =	vor.u32 v2, v8  }
0x103: {  	v24 =	vld [tilespmem:s12+$0x120];
	v25 =	vor.u32 v2, v13;
	[tilespmem:v27+s17+$0x0] =	vst.idx.msk $0xffff, v26  }
0x104: {  	v26 =	vld [tilespmem:s12+$0x1A0];
	v27 =	vor.u32 v2, v14;
	[tilespmem:v23+s17+$0x0] =	vst.idx.msk $0xffff, v18  }
0x105: {  	v18 =	vld [tilespmem:s12+$0x20];
	v23 =	vor.u32 v2, v11;
	[tilespmem:v20+s17+$0x0] =	vst.idx.msk $0xffff, v15  }
0x106: {  	v20 =	vor.u32 v4, v17;
	[tilespmem:v22+s17+$0x0] =	vst.idx.msk $0xffff, v21;
	v15 =	vld [tilespmem:s12+$0x240]  }
0x107: {  	[tilespmem:v19+s17+$0x0] =	vst.idx.msk $0xffff, v16;
	v16 =	vld [tilespmem:s12+$0xA0];
	v19 =	vor.u32 v2, v12  }
0x108: {  	v21 =	vld [tilespmem:s12+$0xFFFFFE20];
	v22 =	vor.u32 s31, v2;
	[tilespmem:v25+s17+$0x0] =	vst.idx.msk $0xffff, v24  }
0x109: {  	v24 =	vld [tilespmem:s12+$0xFFFFFF30];
	v25 =	vor.u32 v3, v9;
	[tilespmem:v27+s17+$0x0] =	vst.idx.msk $0xffff, v26  }
0x10a: {  	[tilespmem:v23+s17+$0x0] =	vst.idx.msk $0xffff, v18;
	v18 =	vld [tilespmem:s12+$0xFFFFFDA0];
	v23 =	vor.u32 s15, v2  }
0x10b: {  	v26 =	vld [tilespmem:s12+$0xFFFFFFB0];
	v27 =	vor.u32 v3, v10;
	[tilespmem:v20+s17+$0x0] =	vst.idx.msk $0xffff, v15  }
0x10c: {  	[tilespmem:v19+s17+$0x0] =	vst.idx.msk $0xffff, v16;
	v16 =	vld [tilespmem:s12+$0xFFFFFEB0];
	v19 =	vor.u32 v3, v8  }
0x10d: {  	[tilespmem:v22+s17+$0x0] =	vst.idx.msk $0xffff, v21;
	v20 =	vor.u32 v5, v17;
	v15 =	vld [tilespmem:s12+$0x250]  }
0x10e: {  	[tilespmem:v25+s17+$0x0] =	vst.idx.msk $0xffff, v24;
	v24 =	vld [tilespmem:s12+$0x1B0];
	v25 =	vor.u32 v3, v14  }
0x10f: {  	v21 =	vor.u32 v3, v11;
	[tilespmem:v23+s17+$0x0] =	vst.idx.msk $0xffff, v18;
	v18 =	vld [tilespmem:s12+$0x30]  }
0x110: {  	v22 =	vld [tilespmem:s12+$0x130];
	[tilespmem:v27+s17+$0x0] =	vst.idx.msk $0xffff, v26;
	v23 =	vor.u32 v3, v13  }
0x111: {  	[tilespmem:v19+s17+$0x0] =	vst.idx.msk $0xffff, v16;
	v16 =	vld [tilespmem:s12+$0xB0];
	v19 =	vor.u32 v3, v12  }
0x112: {  	v26 =	vld [tilespmem:s12+$0xFFFFFE30];
	v27 =	vor.u32 s31, v3;
	[tilespmem:v20+s17+$0x0] =	vst.idx.msk $0xffff, v15  }
0x113: {  	[tilespmem:v25+s17+$0x0] =	vst.idx.msk $0xffff, v24;
	v20 =	vor.u32 v6, v17;
	v15 =	vld [tilespmem:s12+$0x260]  }
0x114: {  	v57 =	vld [tilespmem:s1+$0x1F0];
	[tilespmem:v21+s17+$0x0] =	vst.idx.msk $0xffff, v18  }
0x115: {  	[tilespmem:v23+s17+$0x0] =	vst.idx.msk $0xffff, v22;
	v21 =	vld [tilespmem:s12+$0xFFFFFF40];
	v22 =	vor.u32 v4, v9  }
0x116: {  	[tilespmem:v19+s17+$0x0] =	vst.idx.msk $0xffff, v16;
	v16 =	vld [tilespmem:s12+$0xFFFFFEC0];
	v19 =	vor.u32 v4, v8  }
0x117: {  	[tilespmem:v27+s17+$0x0] =	vst.idx.msk $0xffff, v26;
	v26 =	vor.u32 v4, v11;
	v25 =	vld [tilespmem:s12+$0x40]  }
0x118: {  	v18 =	vld [tilespmem:s12+$0xFFFFFDB0];
	[tilespmem:v20+s17+$0x0] =	vst.idx.msk $0xffff, v15;
	v20 =	vor.u32 s15, v3  }
0x119: {  	[tilespmem:v58+s17+$0x0] =	vst.idx.msk $0xffff, v57;
	v24 =	vor.u32 v4, v10;
	v23 =	vld [tilespmem:s12+$0xFFFFFFC0]  }
0x11a: {  	v17 =	vor.u32 v7, v17;
	v15 =	vld [tilespmem:s12+$0x270];
	[tilespmem:v22+s17+$0x0] =	vst.idx.msk $0xffff, v21  }
0x11b: {  	v21 =	vld [tilespmem:s12+$0xFFFFFE40];
	v22 =	vor.u32 s31, v4;
	[tilespmem:v19+s17+$0x0] =	vst.idx.msk $0xffff, v16  }
0x11c: {  	[tilespmem:v26+s17+$0x0] =	vst.idx.msk $0xffff, v25;
	v26 =	vor.u32 v5, v8;
	v25 =	vld [tilespmem:s12+$0xFFFFFED0]  }
0x11d: {  	v16 =	vld [tilespmem:s12+$0x140];
	[tilespmem:v20+s17+$0x0] =	vst.idx.msk $0xffff, v18;
	v18 =	vor.u32 v4, v13  }
0x11e: {  	[tilespmem:v24+s17+$0x0] =	vst.idx.msk $0xffff, v23;
	v19 =	vld [tilespmem:s12+$0x1C0];
	v20 =	vor.u32 v4, v14  }
0x11f: {  	[tilespmem:v17+s17+$0x0] =	vst.idx.msk $0xffff, v15;
	v15 =	vld [tilespmem:s12+$0xC0];
	v17 =	vor.u32 v4, v12  }
0x120: {  	v24 =	vor.u32 s15, v4;
	v23 =	vld [tilespmem:s12+$0xFFFFFDC0];
	[tilespmem:v22+s17+$0x0] =	vst.idx.msk $0xffff, v21  }
0x121: {  	[tilespmem:v26+s17+$0x0] =	vst.idx.msk $0xffff, v25;
	v25 =	vld [tilespmem:s12+$0xFFFFFE50];
	v26 =	vor.u32 s31, v5  }
0x122: {  	[tilespmem:v18+s17+$0x0] =	vst.idx.msk $0xffff, v16;
	v16 =	vld [tilespmem:s12+$0xFFFFFFD0];
	v18 =	vor.u32 v5, v10  }
0x123: {  	[tilespmem:v20+s17+$0x0] =	vst.idx.msk $0xffff, v19;
	v19 =	vld [tilespmem:s12+$0x50];
	v20 =	vor.u32 v5, v11  }
0x124: {  	[tilespmem:v17+s17+$0x0] =	vst.idx.msk $0xffff, v15;
	v15 =	vld [tilespmem:s12+$0xFFFFFF50];
	v17 =	vor.u32 v5, v9  }
0x125: {  	[tilespmem:v24+s17+$0x0] =	vst.idx.msk $0xffff, v23;
	v23 =	vld [tilespmem:s12+$0x150];
	v24 =	vor.u32 v5, v13  }
0x126: {  	v22 =	vor.u32 v5, v12;
	v21 =	vld [tilespmem:s12+$0xD0];
	[tilespmem:v26+s17+$0x0] =	vst.idx.msk $0xffff, v25  }
0x127: {  	[tilespmem:v18+s17+$0x0] =	vst.idx.msk $0xffff, v16;
	v16 =	vld [tilespmem:s12+$0xFFFFFDD0];
	v18 =	vor.u32 s15, v5  }
0x128: {  	[tilespmem:v20+s17+$0x0] =	vst.idx.msk $0xffff, v19;
	v19 =	vld [tilespmem:s12+$0xFFFFFEE0];
	v20 =	vor.u32 v6, v8  }
0x129: {  	[tilespmem:v17+s17+$0x0] =	vst.idx.msk $0xffff, v15;
	v15 =	vld [tilespmem:s12+$0x1D0];
	v17 =	vor.u32 v5, v14  }
0x12a: {  	v26 =	vor.u32 s31, v6;
	v25 =	vld [tilespmem:s12+$0xFFFFFE60];
	[tilespmem:v24+s17+$0x0] =	vst.idx.msk $0xffff, v23  }
0x12b: {  	v23 =	vld [tilespmem:s12+$0xFFFFFFE0];
	v24 =	vor.u32 v6, v10;
	[tilespmem:v22+s17+$0x0] =	vst.idx.msk $0xffff, v21  }
0x12c: {  	v21 =	vld [tilespmem:s12+$0xFFFFFF60];
	v22 =	vor.u32 v6, v9;
	[tilespmem:v18+s17+$0x0] =	vst.idx.msk $0xffff, v16  }
0x12d: {  	v16 =	vld [tilespmem:s12+$0xE0];
	v18 =	vor.u32 v6, v12;
	[tilespmem:v20+s17+$0x0] =	vst.idx.msk $0xffff, v19  }
0x12e: {  	[tilespmem:v17+s17+$0x0] =	vst.idx.msk $0xffff, v15;
	v15 =	vld [tilespmem:s12+$0x60];
	v17 =	vor.u32 v6, v11  }
0x12f: {  	v19 =	vld [tilespmem:s12+$0x160];
	v20 =	vor.u32 v6, v13;
	[tilespmem:v26+s17+$0x0] =	vst.idx.msk $0xffff, v25  }
0x130: {  	[tilespmem:v24+s17+$0x0] =	vst.idx.msk $0xffff, v23;
	v23 =	vor.u32 s15, v6;
	v24 =	vld [tilespmem:s12+$0xFFFFFDE0]  }
0x131: {  	[tilespmem:v22+s17+$0x0] =	vst.idx.msk $0xffff, v21;
	v21 =	vld [tilespmem:s12+$0x1E0];
	v22 =	vor.u32 v6, v14  }
0x132: {  	v9 =	vor.u32 v7, v9;
	[tilespmem:v18+s17+$0x0] =	vst.idx.msk $0xffff, v16;
	v16 =	vld [tilespmem:s12+$0xFFFFFF70]  }
0x133: {  	v8 =	vor.u32 v7, v8;
	[tilespmem:v17+s17+$0x0] =	vst.idx.msk $0xffff, v15;
	v15 =	vld [tilespmem:s12+$0xFFFFFEF0]  }
0x134: {  	v10 =	vor.u32 v7, v10;
	[tilespmem:v20+s17+$0x0] =	vst.idx.msk $0xffff, v19;
	v17 =	vld [tilespmem:s12+$0xFFFFFFF0]  }
0x135: {  	v12 =	vor.u32 v7, v12;
	[tilespmem:v23+s17+$0x0] =	vst.idx.msk $0xffff, v24;
	v19 =	vld [tilespmem:s12+$0xF0]  }
0x136: {  	v11 =	vor.u32 v7, v11;
	[tilespmem:v22+s17+$0x0] =	vst.idx.msk $0xffff, v21;
	v18 =	vld [tilespmem:s12+$0x70]  }
0x137: {  	v14 =	vor.u32 v7, v14;
	[tilespmem:v9+s17+$0x0] =	vst.idx.msk $0xffff, v16;
	v9 =	vld [tilespmem:s12+$0x1F0]  }
0x138: {  	v13 =	vor.u32 v7, v13;
	[tilespmem:v8+s17+$0x0] =	vst.idx.msk $0xffff, v15;
	v8 =	vld [tilespmem:s12+$0x170]  }
0x139: {  	v16 =	vld [tilespmem:s12+$0xFFFFFE70];
	v15 =	vor.u32 s31, v7;
	[tilespmem:v10+s17+$0x0] =	vst.idx.msk $0xffff, v17  }
0x13a: {  	v10 =	vor.u32 s15, v7;
	v17 =	vld [tilespmem:s12+$0xFFFFFDF0];
	[tilespmem:v12+s17+$0x0] =	vst.idx.msk $0xffff, v19  }
0x13b: {  	[tilespmem:v11+s17+$0x0] =	vst.idx.msk $0xffff, v18  }
0x13c: {  	[tilespmem:v14+s17+$0x0] =	vst.idx.msk $0xffff, v9  }
0x13d: {  	s4 =	sshll.u32 s2, $0xB;
	[tilespmem:v13+s17+$0x0] =	vst.idx.msk $0xffff, v8  }
0x13e: {  	s1 =	sand.u32 $0x1FFFF000, s4;
	[tilespmem:v15+s17+$0x0] =	vst.idx.msk $0xffff, v16  }
0x13f: {  	s1 =	sadd.s32 s6, s1;
	[tilespmem:v10+s17+$0x0] =	vst.idx.msk $0xffff, v17  }
0x140: {  	[hbm4b:s1+s3] =	stream.linear.scatter [tilespmem:s17], [sflag:$0x3], $0x400, $0x38;
	[tilespmem:$0x18000] =	vst v63  }
0x141: {  	s4 =	simm.s32 $0x8800;
	s9 =	sadd.s32 $0x80, s1  }
0x142: {  	[hbm4b:s9+s3] =	stream.linear.scatter [tilespmem:s4], [sflag:$0x3], $0x400, $0x38;
	[tilespmem:$0x18000] =	vst v63  }
0x143: {  	s11 =	sadd.s32 $0x100, s1;
	s12 =	simm.s32 $0x9000  }
0x144: {  	[hbm4b:s11+s3] =	stream.linear.scatter [tilespmem:s12], [sflag:$0x3], $0x400, $0x38;
	[tilespmem:$0x18000] =	vst v63  }
0x145: {  	s15 =	sadd.s32 $0x180, s1;
	s31 =	simm.s32 $0x9800  }
0x146: {  	[hbm4b:s15+s3] =	stream.linear.scatter [tilespmem:s31], [sflag:$0x3], $0x400, $0x38;
	[tilespmem:$0x18000] =	vst v63  }
0x147: {  	s4 =	sadd.s32 $0x200, s1;
	s9 =	simm.s32 $0xA000  }
0x148: {  	[hbm4b:s4+s3] =	stream.linear.scatter [tilespmem:s9], [sflag:$0x3], $0x400, $0x38;
	[tilespmem:$0x18000] =	vst v63  }
0x149: {  	s11 =	sadd.s32 $0x280, s1;
	s12 =	simm.s32 $0xA800  }
0x14a: {  	[hbm4b:s11+s3] =	stream.linear.scatter [tilespmem:s12], [sflag:$0x3], $0x400, $0x38;
	[tilespmem:$0x18000] =	vst v63  }
0x14b: {  	s15 =	sadd.s32 $0x300, s1;
	s31 =	simm.s32 $0xB000  }
0x14c: {  	[hbm4b:s15+s3] =	stream.linear.scatter [tilespmem:s31], [sflag:$0x3], $0x400, $0x38;
	[tilespmem:$0x18000] =	vst v63  }
0x14d: {  	s4 =	sadd.s32 $0x380, s1;
	s9 =	simm.s32 $0xB800  }
0x14e: {  	[hbm4b:s4+s3] =	stream.linear.scatter [tilespmem:s9], [sflag:$0x3], $0x400, $0x38;
	[tilespmem:$0x18000] =	vst v63  }
0x14f: {  	s11 =	sadd.s32 $0x400, s1;
	s12 =	simm.s32 $0xC000  }
0x150: {  	[hbm4b:s11+s3] =	stream.linear.scatter [tilespmem:s12], [sflag:$0x3], $0x400, $0x38;
	[tilespmem:$0x18000] =	vst v63  }
0x151: {  	s15 =	sadd.s32 $0x480, s1;
	s31 =	simm.s32 $0xC800  }
0x152: {  	[hbm4b:s15+s3] =	stream.linear.scatter [tilespmem:s31], [sflag:$0x3], $0x400, $0x38;
	[tilespmem:$0x18000] =	vst v63  }
0x153: {  	s4 =	sadd.s32 $0x500, s1;
	s9 =	simm.s32 $0xD000  }
0x154: {  	[hbm4b:s4+s3] =	stream.linear.scatter [tilespmem:s9], [sflag:$0x3], $0x400, $0x38;
	[tilespmem:$0x18000] =	vst v63  }
0x155: {  	s11 =	sadd.s32 $0x580, s1;
	s12 =	simm.s32 $0xD800  }
0x156: {  	[hbm4b:s11+s3] =	stream.linear.scatter [tilespmem:s12], [sflag:$0x3], $0x400, $0x38;
	[tilespmem:$0x18000] =	vst v63  }
0x157: {  	s15 =	sadd.s32 $0x600, s1;
	s31 =	simm.s32 $0xE000  }
0x158: {  	[hbm4b:s15+s3] =	stream.linear.scatter [tilespmem:s31], [sflag:$0x3], $0x400, $0x38;
	[tilespmem:$0x18000] =	vst v63  }
0x159: {  	s9 =	sadd.s32 $0x680, s1;
	s11 =	simm.s32 $0xE800  }
0x15a: {  	[hbm4b:s9+s3] =	stream.linear.scatter [tilespmem:s11], [sflag:$0x3], $0x400, $0x38;
	[tilespmem:$0x18000] =	vst v63  }
0x15b: {  	s12 =	sadd.s32 $0x700, s1;
	s15 =	simm.s32 $0xF000  }
0x15c: {  	[hbm4b:s12+s3] =	stream.linear.scatter [tilespmem:s15], [sflag:$0x3], $0x400, $0x38;
	[tilespmem:$0x18000] =	vst v63  }
0x15d: {  	s1 =	sadd.s32 $0x780, s1;
	s31 =	simm.s32 $0xF800  }
0x15e: {  	[hbm4b:s1+s3] =	stream.linear.scatter [tilespmem:s31], [sflag:$0x3], $0x400, $0x38;
	[tilespmem:$0x18000] =	vst v63  }
0x15f: {  	s1 =	sadd.s32 $0x2, s30  }
0x160: {  	p2 =	sge.u32 s1, s7  }
0x161: {  	s11 =	simm.s32 $0x4;
	s1 =	sadd.s32 @!p2 s5, s1  }
0x162: {  	v11 =	vmov s11;
	s11 =	simm.s32 $0x9;
	s1 =	sshll.u32 @!p2 s1, $0x7  }
0x163: {  	s12 =	simm.s32 $0x5;
	s2 =	simm.s32 @!p2 $0x400;
	s1 =	sand.u32 @!p2 $0x1FFFFF00, s1  }
0x164: {  	s4 =	simm.s32 @!p2 $0x7A1400;
	s9 =	simm.s32 @!p2 $0x0;
	s1 =	sadd.s32 @!p2 s0, s1  }
0x165: {  	[tilespmem:s9], [sflag:$0x1] =	stream.strided.gather @!p2 [hbm4b:s1+s2], $0x3000, s4, s2, $0x38;
	[tilespmem:$0x18000] =	vst v63  }
0x166: {  	s15 =	simm.s32 $0x6;
	v19 =	vand.u32 $0x7E, v11;
	s1 =	sadd.s32 @!p2 $0xB71E00, s1;
	s2 =	simm.s32 @!p2 $0x3000  }
0x167: {  	v15 =	vmov s11;
	v11 =	vshll.u32 v11, $0x3;
	v12 =	vmov s12;
	[tilespmem:s2], [sflag:$0x1] =	stream.linear.gather @!p2 [hbm4b:s1+s9], $0x200, $0x38;
	[tilespmem:$0x18000] =	vst v63  }
0x168: {  	v13 =	vmov s15;
	v24 =	vshll.u32 v15, $0x3;
	v15 =	vand.u32 $0x7F, v15;
	_ =	swait.ge [sflag:s13], $0x3200  }
0x169: {  	v20 =	vand.u32 $0x7F, v12;
	v21 =	vand.u32 $0x7E, v13;
	v24 =	vand.u32 $0x400, v24;
	s4 =	simm.s32 $0x2;
	[sflag:s13] =	ssyncset.done $0x0  }
0x16a: {  	v28 =	vshll.u32 v13, $0x3;
	v15 =	vor.u32 v15, v24;
	v9 =	vmov s4;
	s4 =	simm.s32 @!p1 $0x4;
	s9 =	simm.s32 $0x3;
	[sflag:s13] =	ssyncadd.s32 $0xFFFFCE00  }
0x16b: {  	v14 =	vand.u32 $0x7E, v9;
	v9 =	vshll.u32 v9, $0x3;
	v10 =	vmov s9;
	_ =	swait.ge @!p1 [sflag:s4], $0x4000  }
0x16c: {  	v9 =	vand.u32 $0x400, v9;
	v18 =	vand.u32 $0x7F, v10;
	v10 =	vshll.u32 v10, $0x3;
	[sflag:s4] =	ssyncset.done @!p1 $0x0  }
0x16d: {  	v24 =	vshll.u32 v12, $0x3;
	s1 =	simm.s32 $0x4280;
	v14 =	vor.u32 v14, v9;
	v9 =	vand.u32 $0x400, v10;
	[sflag:s4] =	ssyncadd.s32 @!p1 $0xFFFFC000  }
0x16e: {  	v26 =	vor.u32 v0, v15;
	s2 =	simm.s32 $0x1;
	v13 =	vor.u32 v18, v9;
	v9 =	vand.u32 $0x400, v11;
	v25 =	vld [tilespmem:s1+$0x200]  }
0x16f: {  	s31 =	simm.s32 $0x7;
	v8 =	vor.u32 s2, v0;
	v12 =	vor.u32 v19, v9;
	v9 =	vand.u32 $0x400, v24;
	v27 =	vld [tilespmem:s1+$0xFFFFFE00]  }
0x170: {  	v16 =	vmov s31;
	v30 =	vor.u32 v0, v14;
	v10 =	vor.u32 v20, v9;
	v29 =	vld [tilespmem:s1+$0xFFFFFE80]  }
0x171: {  	v22 =	vand.u32 $0x7F, v16;
	v9 =	vshll.u32 v16, $0x3;
	v16 =	vld [tilespmem:s1+$0x0];
	v20 =	vor.u32 v0, v10  }
0x172: {  	v11 =	vand.u32 $0x400, v28;
	v31 =	vor.u32 v0, v13;
	v18 =	vld [tilespmem:s1+$0xFFFFFF00]  }
0x173: {  	s9 =	simm.s32 $0x8;
	v11 =	vor.u32 v21, v11;
	v24 =	vor.u32 v0, v12;
	v19 =	vld [tilespmem:s1+$0xFFFFFF80];
	[tilespmem:v26+s14+$0x0] =	vst.idx.msk $0xffff, v25  }
0x174: {  	v17 =	vmov s9;
	[tilespmem:v8+s14+$0x0] =	vst.idx.msk $0xffff, v27;
	v26 =	vld [tilespmem:s1+$0x80];
	v27 =	vor.u32 v0, v11  }
0x175: {  	v23 =	vand.u32 $0x7E, v17;
	v25 =	vor.u32 v1, v15;
	[tilespmem:v30+s14+$0x0] =	vst.idx.msk $0xffff, v29;
	v21 =	vld [tilespmem:s1+$0x210]  }
0x176: {  	v17 =	vshll.u32 v17, $0x3;
	v8 =	vand.u32 $0x400, v9;
	[tilespmem:v20+s14+$0x0] =	vst.idx.msk $0xffff, v16;
	v20 =	vor.u32 v1, v14;
	v16 =	vld [tilespmem:s1+$0xFFFFFE90]  }
0x177: {  	v9 =	vand.u32 $0x400, v17;
	[tilespmem:v31+s14+$0x0] =	vst.idx.msk $0xffff, v18;
	v8 =	vor.u32 v22, v8  }
0x178: {  	v17 =	vld [tilespmem:s1+$0x100];
	[tilespmem:v24+s14+$0x0] =	vst.idx.msk $0xffff, v19;
	v9 =	vor.u32 v23, v9;
	v18 =	vor.u32 v0, v8  }
0x179: {  	s12 =	simm.s32 $0x0;
	v19 =	vld [tilespmem:s1+$0x180];
	v22 =	vor.u32 v0, v9;
	[tilespmem:v27+s14+$0x0] =	vst.idx.msk $0xffff, v26  }
0x17a: {  	v24 =	vor.u32 s12, v0;
	v23 =	vld [tilespmem:s1+$0xFFFFFD80];
	[tilespmem:v25+s14+$0x0] =	vst.idx.msk $0xffff, v21  }
0x17b: {  	[tilespmem:v20+s14+$0x0] =	vst.idx.msk $0xffff, v16;
	v16 =	vld [tilespmem:s1+$0x90];
	v20 =	vor.u32 v1, v11  }
0x17c: {  	v25 =	vor.u32 v2, v15;
	v21 =	vld [tilespmem:s1+$0x220]  }
0x17d: {  	[tilespmem:v18+s14+$0x0] =	vst.idx.msk $0xffff, v17;
	v17 =	vld [tilespmem:s1+$0xFFFFFF90];
	v18 =	vor.u32 v1, v12  }
0x17e: {  	[tilespmem:v22+s14+$0x0] =	vst.idx.msk $0xffff, v19;
	v19 =	vld [tilespmem:s1+$0x10];
	v22 =	vor.u32 v1, v10  }
0x17f: {  	v26 =	vld [tilespmem:s1+$0xFFFFFF10];
	v27 =	vor.u32 v1, v13;
	[tilespmem:v24+s14+$0x0] =	vst.idx.msk $0xffff, v23  }
0x180: {  	v24 =	vor.u32 v1, v8;
	v23 =	vld [tilespmem:s1+$0x110];
	[tilespmem:v20+s14+$0x0] =	vst.idx.msk $0xffff, v16  }
0x181: {  	v16 =	vld [tilespmem:s1+$0xFFFFFEA0];
	v20 =	vor.u32 v2, v14;
	[tilespmem:v25+s14+$0x0] =	vst.idx.msk $0xffff, v21  }
0x182: {  	[tilespmem:v18+s14+$0x0] =	vst.idx.msk $0xffff, v17;
	v17 =	vld [tilespmem:s1+$0x190];
	v18 =	vor.u32 v1, v9  }
0x183: {  	[tilespmem:v22+s14+$0x0] =	vst.idx.msk $0xffff, v19;
	v19 =	vld [tilespmem:s1+$0xFFFFFD90];
	v22 =	vor.u32 s12, v1  }
0x184: {  	[tilespmem:v27+s14+$0x0] =	vst.idx.msk $0xffff, v26;
	v25 =	vor.u32 v3, v15;
	v21 =	vld [tilespmem:s1+$0x230]  }
0x185: {  	[tilespmem:v24+s14+$0x0] =	vst.idx.msk $0xffff, v23;
	v23 =	vld [tilespmem:s1+$0xFFFFFF20];
	v24 =	vor.u32 v2, v13  }
0x186: {  	v26 =	vld [tilespmem:s1+$0xFFFFFE10];
	v27 =	vor.u32 s2, v1;
	[tilespmem:v20+s14+$0x0] =	vst.idx.msk $0xffff, v16  }
0x187: {  	v16 =	vld [tilespmem:s1+$0xA0];
	v20 =	vor.u32 v2, v11;
	[tilespmem:v18+s14+$0x0] =	vst.idx.msk $0xffff, v17  }
0x188: {  	[tilespmem:v22+s14+$0x0] =	vst.idx.msk $0xffff, v19;
	v19 =	vld [tilespmem:s1+$0x20];
	v22 =	vor.u32 v2, v10  }
0x189: {  	[tilespmem:v25+s14+$0x0] =	vst.idx.msk $0xffff, v21;
	v21 =	vld [tilespmem:s1+$0xFFFFFFA0];
	v25 =	vor.u32 v2, v12  }
0x18a: {  	[tilespmem:v24+s14+$0x0] =	vst.idx.msk $0xffff, v23;
	v23 =	vld [tilespmem:s1+$0x120];
	v24 =	vor.u32 v2, v8  }
0x18b: {  	[tilespmem:v27+s14+$0x0] =	vst.idx.msk $0xffff, v26;
	v27 =	vor.u32 v2, v9;
	v26 =	vld [tilespmem:s1+$0x1A0]  }
0x18c: {  	v18 =	vor.u32 v4, v15;
	v17 =	vld [tilespmem:s1+$0x240];
	[tilespmem:v20+s14+$0x0] =	vst.idx.msk $0xffff, v16  }
0x18d: {  	v16 =	vld [tilespmem:s1+$0xFFFFFEB0];
	v20 =	vor.u32 v3, v14;
	[tilespmem:v22+s14+$0x0] =	vst.idx.msk $0xffff, v19  }
0x18e: {  	v19 =	vld [tilespmem:s1+$0xFFFFFDA0];
	v22 =	vor.u32 s12, v2;
	[tilespmem:v25+s14+$0x0] =	vst.idx.msk $0xffff, v21  }
0x18f: {  	v21 =	vld [tilespmem:s1+$0xFFFFFE20];
	v25 =	vor.u32 s2, v2;
	[tilespmem:v24+s14+$0x0] =	vst.idx.msk $0xffff, v23  }
0x190: {  	v23 =	vld [tilespmem:s1+$0xFFFFFF30];
	v24 =	vor.u32 v3, v13;
	[tilespmem:v27+s14+$0x0] =	vst.idx.msk $0xffff, v26  }
0x191: {  	v27 =	vor.u32 v3, v12;
	[tilespmem:v18+s14+$0x0] =	vst.idx.msk $0xffff, v17;
	v26 =	vld [tilespmem:s1+$0xFFFFFFB0]  }
0x192: {  	v18 =	vor.u32 v5, v15;
	v17 =	vld [tilespmem:s1+$0x250];
	[tilespmem:v20+s14+$0x0] =	vst.idx.msk $0xffff, v16  }
0x193: {  	v16 =	vld [tilespmem:s1+$0xB0];
	v20 =	vor.u32 v3, v11;
	[tilespmem:v22+s14+$0x0] =	vst.idx.msk $0xffff, v19  }
0x194: {  	v19 =	vld [tilespmem:s1+$0x30];
	[tilespmem:v25+s14+$0x0] =	vst.idx.msk $0xffff, v21;
	v21 =	vor.u32 v3, v10  }
0x195: {  	v22 =	vld [tilespmem:s1+$0x130];
	[tilespmem:v24+s14+$0x0] =	vst.idx.msk $0xffff, v23;
	v23 =	vor.u32 v3, v8  }
0x196: {  	v24 =	vld [tilespmem:s1+$0x1B0];
	v25 =	vor.u32 v3, v9;
	[tilespmem:v27+s14+$0x0] =	vst.idx.msk $0xffff, v26  }
0x197: {  	v26 =	vld [tilespmem:s1+$0xFFFFFE30];
	v27 =	vor.u32 s2, v3;
	[tilespmem:v18+s14+$0x0] =	vst.idx.msk $0xffff, v17  }
0x198: {  	v18 =	vor.u32 v6, v15;
	v17 =	vld [tilespmem:s1+$0x260];
	[tilespmem:v20+s14+$0x0] =	vst.idx.msk $0xffff, v16  }
0x199: {  	[tilespmem:v21+s14+$0x0] =	vst.idx.msk $0xffff, v19  }
0x19a: {  	v16 =	vld [tilespmem:s1+$0xFFFFFEC0];
	v20 =	vor.u32 v4, v14;
	[tilespmem:v23+s14+$0x0] =	vst.idx.msk $0xffff, v22  }
0x19b: {  	v21 =	vld [tilespmem:s1+$0xFFFFFF40];
	v22 =	vor.u32 v4, v13;
	[tilespmem:v25+s14+$0x0] =	vst.idx.msk $0xffff, v24  }
0x19c: {  	[tilespmem:v27+s14+$0x0] =	vst.idx.msk $0xffff, v26;
	v25 =	vld [tilespmem:s1+$0x40];
	v26 =	vor.u32 v4, v10  }
0x19d: {  	v19 =	vor.u32 s12, v3;
	[tilespmem:v18+s14+$0x0] =	vst.idx.msk $0xffff, v17;
	v18 =	vld [tilespmem:s1+$0xFFFFFDB0]  }
0x19e: {  	v23 =	vld [tilespmem:s1+$0xFFFFFFC0];
	v24 =	vor.u32 v4, v12  }
0x19f: {  	v15 =	vor.u32 v7, v15;
	[tilespmem:v20+s14+$0x0] =	vst.idx.msk $0xffff, v16;
	v17 =	vld [tilespmem:s1+$0x270]  }
0x1a0: {  	[tilespmem:v22+s14+$0x0] =	vst.idx.msk $0xffff, v21;
	v21 =	vld [tilespmem:s1+$0xFFFFFE40];
	v22 =	vor.u32 s2, v4  }
0x1a1: {  	[tilespmem:v26+s14+$0x0] =	vst.idx.msk $0xffff, v25;
	v25 =	vld [tilespmem:s1+$0xFFFFFED0];
	v26 =	vor.u32 v5, v14  }
0x1a2: {  	v16 =	vld [tilespmem:s1+$0x140];
	[tilespmem:v19+s14+$0x0] =	vst.idx.msk $0xffff, v18;
	v18 =	vor.u32 v4, v8  }
0x1a3: {  	v20 =	vor.u32 v4, v9;
	[tilespmem:v24+s14+$0x0] =	vst.idx.msk $0xffff, v23;
	v19 =	vld [tilespmem:s1+$0x1C0]  }
0x1a4: {  	[tilespmem:v15+s14+$0x0] =	vst.idx.msk $0xffff, v17;
	v15 =	vld [tilespmem:s1+$0xC0];
	v17 =	vor.u32 v4, v11  }
0x1a5: {  	v24 =	vor.u32 s12, v4;
	v23 =	vld [tilespmem:s1+$0xFFFFFDC0];
	[tilespmem:v22+s14+$0x0] =	vst.idx.msk $0xffff, v21  }
0x1a6: {  	[tilespmem:v26+s14+$0x0] =	vst.idx.msk $0xffff, v25;
	v25 =	vld [tilespmem:s1+$0xFFFFFE50];
	v26 =	vor.u32 s2, v5  }
0x1a7: {  	[tilespmem:v18+s14+$0x0] =	vst.idx.msk $0xffff, v16;
	v16 =	vld [tilespmem:s1+$0xFFFFFFD0];
	v18 =	vor.u32 v5, v12  }
0x1a8: {  	[tilespmem:v20+s14+$0x0] =	vst.idx.msk $0xffff, v19;
	v19 =	vld [tilespmem:s1+$0x50];
	v20 =	vor.u32 v5, v10  }
0x1a9: {  	[tilespmem:v17+s14+$0x0] =	vst.idx.msk $0xffff, v15;
	v15 =	vld [tilespmem:s1+$0xFFFFFF50];
	v17 =	vor.u32 v5, v13  }
0x1aa: {  	[tilespmem:v24+s14+$0x0] =	vst.idx.msk $0xffff, v23;
	v23 =	vld [tilespmem:s1+$0x150];
	v24 =	vor.u32 v5, v8  }
0x1ab: {  	v22 =	vor.u32 v5, v11;
	v21 =	vld [tilespmem:s1+$0xD0];
	[tilespmem:v26+s14+$0x0] =	vst.idx.msk $0xffff, v25  }
0x1ac: {  	v38 =	vor.u32 s2, v6;
	v63 =	vld [tilespmem:s1+$0xFFFFFE60];
	[tilespmem:v18+s14+$0x0] =	vst.idx.msk $0xffff, v16  }
0x1ad: {  	v16 =	vld [tilespmem:s1+$0xFFFFFDD0];
	v18 =	vor.u32 s12, v5;
	[tilespmem:v20+s14+$0x0] =	vst.idx.msk $0xffff, v19  }
0x1ae: {  	v19 =	vld [tilespmem:s1+$0xFFFFFEE0];
	v20 =	vor.u32 v6, v14;
	[tilespmem:v17+s14+$0x0] =	vst.idx.msk $0xffff, v15  }
0x1af: {  	v15 =	vld [tilespmem:s1+$0x1D0];
	v17 =	vor.u32 v5, v9;
	[tilespmem:v24+s14+$0x0] =	vst.idx.msk $0xffff, v23  }
0x1b0: {  	v23 =	vld [tilespmem:s1+$0xFFFFFFE0];
	v24 =	vor.u32 v6, v12;
	[tilespmem:v22+s14+$0x0] =	vst.idx.msk $0xffff, v21  }
0x1b1: {  	v21 =	vld [tilespmem:s1+$0xFFFFFF60];
	v22 =	vor.u32 v6, v13;
	[tilespmem:v38+s14+$0x0] =	vst.idx.msk $0xffff, v63  }
0x1b2: {  	v27 =	vor.u32 v6, v10;
	v26 =	vld [tilespmem:s1+$0x60];
	[tilespmem:v18+s14+$0x0] =	vst.idx.msk $0xffff, v16  }
0x1b3: {  	v30 =	vor.u32 v6, v11;
	v28 =	vld [tilespmem:s1+$0xE0];
	[tilespmem:v20+s14+$0x0] =	vst.idx.msk $0xffff, v19  }
0x1b4: {  	s15 =	simm.s32 $0xC;
	v61 =	vor.u32 s12, v6;
	v31 =	vor.u32 v6, v8;
	v20 =	vld [tilespmem:s1+$0x160];
	[tilespmem:v17+s14+$0x0] =	vst.idx.msk $0xffff, v15  }
0x1b5: {  	v32 =	vor.u32 v7, v14;
	v34 =	vor.u32 v7, v13;
	v25 =	vmov s15;
	[tilespmem:v24+s14+$0x0] =	vst.idx.msk $0xffff, v23;
	v39 =	vld [tilespmem:s1+$0xFFFFFDE0]  }
0x1b6: {  	s30 =	simm.s32 $0xB;
	v62 =	vor.u32 v6, v9;
	s15 =	simm.s32 $0x11;
	v16 =	vor.u32 s12, v7;
	v18 =	vor.u32 s2, v7;
	[tilespmem:v22+s14+$0x0] =	vst.idx.msk $0xffff, v21;
	v21 =	vld [tilespmem:s1+$0x1E0]  }
0x1b7: {  	s31 =	simm.s32 $0xD;
	s9 =	simm.s32 $0xE;
	v11 =	vor.u32 v7, v11;
	v19 =	vmov s15;
	v15 =	vor.u32 s30, v0;
	[tilespmem:v27+s14+$0x0] =	vst.idx.msk $0xffff, v26;
	v29 =	vld [tilespmem:s1+$0xFFFFFEF0]  }
0x1b8: {  	s11 =	simm.s32 $0xF;
	v10 =	vor.u32 v7, v10;
	v17 =	vmov s31;
	v26 =	vmov s9;
	[tilespmem:v30+s14+$0x0] =	vst.idx.msk $0xffff, v28;
	v33 =	vld [tilespmem:s1+$0xFFFFFF70]  }
0x1b9: {  	s12 =	simm.s32 $0x10;
	v23 =	vmov s11;
	v27 =	vand.u32 $0x7E, v25;
	v28 =	vld [tilespmem:s1+$0xFFFFFFF0];
	v30 =	vor.u32 v7, v12;
	[tilespmem:v31+s14+$0x0] =	vst.idx.msk $0xffff, v20  }
0x1ba: {  	s4 =	simm.s32 $0x14;
	s31 =	simm.s32 $0x12;
	v22 =	vmov s12;
	v13 =	vand.u32 $0x7E, v26;
	v24 =	vand.u32 $0x7F, v23;
	v31 =	vld [tilespmem:s1+$0x70];
	[tilespmem:v61+s14+$0x0] =	vst.idx.msk $0xffff, v39  }
0x1bb: {  	s2 =	sadd.s32 s5, s29;
	s15 =	simm.s32 $0xA;
	s29 =	simm.s32 $0x13;
	v12 =	vand.u32 $0x7F, v17;
	v35 =	vld [tilespmem:s1+$0xF0];
	v20 =	vmov s31;
	[tilespmem:v62+s14+$0x0] =	vst.idx.msk $0xffff, v21;
	v21 =	vand.u32 $0x7E, v22  }
.LBB2_5:
0x1bc: {  	p1 =	slt.u32 s4, $0x5A;
	v36 =	vand.u32 $0x7F, v19;
	v14 =	vmov s29;
	[tilespmem:v32+s14+$0x0] =	vst.idx.msk $0xffff, v29;
	v29 =	vld [tilespmem:s1+$0x170];
	v8 =	vor.u32 v7, v8  }
0x1bd: {  	v32 =	vand.u32 $0x7E, v20;
	v9 =	vor.u32 v7, v9;
	v37 =	vshll.u32 v14, $0x3;
	[tilespmem:v34+s14+$0x0] =	vst.idx.msk $0xffff, v33;
	v33 =	vld [tilespmem:s1+$0x1F0]  }
0x1be: {  	v25 =	vshll.u32 v25, $0x3;
	v14 =	vand.u32 $0x7F, v14;
	v34 =	vand.u32 $0x400, v37;
	v37 =	vld [tilespmem:s1+$0xFFFFFE70];
	[tilespmem:v30+s14+$0x0] =	vst.idx.msk $0xffff, v28  }
0x1bf: {  	v26 =	vshll.u32 v26, $0x3;
	v28 =	vshll.u32 v17, $0x3;
	v17 =	vor.u32 v14, v34;
	v14 =	vld [tilespmem:s1+$0xFFFFFDF0];
	[tilespmem:v10+s14+$0x0] =	vst.idx.msk $0xffff, v31;
	s1 =	sadd.s32 $0x500, s1  }
0x1c0: {  	v23 =	vshll.u32 v23, $0x3;
	v10 =	vand.u32 $0x400, v25;
	v25 =	vld [tilespmem:s1+$0x200];
	v30 =	vor.u32 v0, v17;
	[tilespmem:v11+s14+$0x0] =	vst.idx.msk $0xffff, v35  }
0x1c1: {  	v22 =	vshll.u32 v22, $0x3;
	v11 =	vor.u32 v27, v10;
	v10 =	vand.u32 $0x400, v28;
	v31 =	vld [tilespmem:s1+$0xFFFFFE00];
	[tilespmem:v8+s14+$0x0] =	vst.idx.msk $0xffff, v29  }
0x1c2: {  	v27 =	vor.u32 v0, v11;
	v12 =	vor.u32 v12, v10;
	v10 =	vand.u32 $0x400, v26;
	v8 =	vld [tilespmem:s1+$0xFFFFFE80];
	[tilespmem:v9+s14+$0x0] =	vst.idx.msk $0xffff, v33  }
0x1c3: {  	v26 =	vor.u32 v0, v12;
	v13 =	vor.u32 v13, v10;
	v10 =	vand.u32 $0x400, v23;
	v9 =	vld [tilespmem:s1+$0xFFFFFF00];
	[tilespmem:v18+s14+$0x0] =	vst.idx.msk $0xffff, v37  }
0x1c4: {  	v19 =	vshll.u32 v19, $0x3;
	v23 =	vor.u32 v0, v13;
	v10 =	vor.u32 v24, v10;
	v18 =	vld [tilespmem:s1+$0xFFFFFF80];
	[tilespmem:v16+s14+$0x0] =	vst.idx.msk $0xffff, v14  }
0x1c5: {  	v20 =	vshll.u32 v20, $0x3;
	v24 =	vor.u32 v0, v10;
	v14 =	vand.u32 $0x400, v22;
	v16 =	vld [tilespmem:s1+$0x0];
	[tilespmem:v30+s14+$0x0] =	vst.idx.msk $0xffff, v25  }
0x1c6: {  	v14 =	vor.u32 v21, v14;
	v21 =	vor.u32 v1, v17;
	[tilespmem:v15+s14+$0x0] =	vst.idx.msk $0xffff, v31;
	v15 =	vand.u32 $0x400, v19;
	v19 =	vld [tilespmem:s1+$0x210]  }
0x1c7: {  	v25 =	vor.u32 v0, v14;
	[tilespmem:v27+s14+$0x0] =	vst.idx.msk $0xffff, v8;
	v22 =	vld [tilespmem:s1+$0x80];
	v8 =	vor.u32 v36, v15;
	v15 =	vand.u32 $0x400, v20  }
0x1c8: {  	[tilespmem:v26+s14+$0x0] =	vst.idx.msk $0xffff, v9;
	v20 =	vld [tilespmem:s1+$0x100];
	v26 =	vor.u32 v0, v8;
	v9 =	vor.u32 v32, v15  }
0x1c9: {  	[tilespmem:v23+s14+$0x0] =	vst.idx.msk $0xffff, v18;
	v15 =	vld [tilespmem:s1+$0x180];
	v18 =	vor.u32 v0, v9  }
0x1ca: {  	v27 =	vor.u32 s15, v0;
	v23 =	vld [tilespmem:s1+$0xFFFFFD80];
	[tilespmem:v24+s14+$0x0] =	vst.idx.msk $0xffff, v16  }
0x1cb: {  	v24 =	vor.u32 v1, v11;
	v16 =	vld [tilespmem:s1+$0xFFFFFE90];
	[tilespmem:v21+s14+$0x0] =	vst.idx.msk $0xffff, v19  }
0x1cc: {  	v21 =	vor.u32 v2, v17;
	[tilespmem:v25+s14+$0x0] =	vst.idx.msk $0xffff, v22;
	v19 =	vld [tilespmem:s1+$0x220]  }
0x1cd: {  	v25 =	vor.u32 v1, v12;
	v22 =	vld [tilespmem:s1+$0xFFFFFF10];
	[tilespmem:v26+s14+$0x0] =	vst.idx.msk $0xffff, v20  }
0x1ce: {  	v26 =	vor.u32 v1, v13;
	v20 =	vld [tilespmem:s1+$0xFFFFFF90];
	[tilespmem:v18+s14+$0x0] =	vst.idx.msk $0xffff, v15  }
0x1cf: {  	v18 =	vor.u32 v1, v10;
	[tilespmem:v27+s14+$0x0] =	vst.idx.msk $0xffff, v23;
	v15 =	vld [tilespmem:s1+$0x10]  }
0x1d0: {  	v23 =	vor.u32 v1, v14;
	[tilespmem:v24+s14+$0x0] =	vst.idx.msk $0xffff, v16;
	v16 =	vld [tilespmem:s1+$0x90]  }
0x1d1: {  	v27 =	vor.u32 v1, v8;
	v24 =	vld [tilespmem:s1+$0x110];
	[tilespmem:v21+s14+$0x0] =	vst.idx.msk $0xffff, v19  }
0x1d2: {  	v21 =	vor.u32 v3, v17;
	[tilespmem:v25+s14+$0x0] =	vst.idx.msk $0xffff, v22;
	v19 =	vld [tilespmem:s1+$0x230]  }
0x1d3: {  	v22 =	vor.u32 v1, v9;
	[tilespmem:v26+s14+$0x0] =	vst.idx.msk $0xffff, v20;
	v20 =	vld [tilespmem:s1+$0x190]  }
0x1d4: {  	v26 =	vor.u32 s30, v1;
	v25 =	vld [tilespmem:s1+$0xFFFFFE10];
	[tilespmem:v18+s14+$0x0] =	vst.idx.msk $0xffff, v15  }
0x1d5: {  	v18 =	vor.u32 s15, v1;
	v15 =	vld [tilespmem:s1+$0xFFFFFD90];
	[tilespmem:v23+s14+$0x0] =	vst.idx.msk $0xffff, v16  }
0x1d6: {  	v23 =	vor.u32 v2, v11;
	v16 =	vld [tilespmem:s1+$0xFFFFFEA0];
	[tilespmem:v27+s14+$0x0] =	vst.idx.msk $0xffff, v24  }
0x1d7: {  	v27 =	vor.u32 v2, v12;
	v24 =	vld [tilespmem:s1+$0xFFFFFF20];
	[tilespmem:v21+s14+$0x0] =	vst.idx.msk $0xffff, v19  }
0x1d8: {  	[tilespmem:v22+s14+$0x0] =	vst.idx.msk $0xffff, v20;
	v19 =	vld [tilespmem:s1+$0x240];
	v20 =	vor.u32 v4, v17  }
0x1d9: {  	v22 =	vor.u32 v2, v13;
	[tilespmem:v26+s14+$0x0] =	vst.idx.msk $0xffff, v25;
	v21 =	vld [tilespmem:s1+$0xFFFFFFA0]  }
0x1da: {  	[tilespmem:v18+s14+$0x0] =	vst.idx.msk $0xffff, v15;
	v15 =	vld [tilespmem:s1+$0x20];
	v18 =	vor.u32 v2, v10  }
0x1db: {  	[tilespmem:v23+s14+$0x0] =	vst.idx.msk $0xffff, v16;
	v16 =	vld [tilespmem:s1+$0xA0];
	v23 =	vor.u32 v2, v14  }
0x1dc: {  	v25 =	vor.u32 v2, v8;
	[tilespmem:v27+s14+$0x0] =	vst.idx.msk $0xffff, v24;
	v24 =	vld [tilespmem:s1+$0x120]  }
0x1dd: {  	v27 =	vor.u32 v2, v9;
	v26 =	vld [tilespmem:s1+$0x1A0];
	[tilespmem:v20+s14+$0x0] =	vst.idx.msk $0xffff, v19  }
0x1de: {  	v20 =	vor.u32 v5, v17;
	[tilespmem:v22+s14+$0x0] =	vst.idx.msk $0xffff, v21;
	v19 =	vld [tilespmem:s1+$0x250]  }
0x1df: {  	v22 =	vor.u32 s30, v2;
	v21 =	vld [tilespmem:s1+$0xFFFFFE20];
	[tilespmem:v18+s14+$0x0] =	vst.idx.msk $0xffff, v15  }
0x1e0: {  	v18 =	vor.u32 s15, v2;
	v15 =	vld [tilespmem:s1+$0xFFFFFDA0];
	[tilespmem:v23+s14+$0x0] =	vst.idx.msk $0xffff, v16  }
0x1e1: {  	v23 =	vor.u32 v3, v11;
	v16 =	vld [tilespmem:s1+$0xFFFFFEB0];
	[tilespmem:v25+s14+$0x0] =	vst.idx.msk $0xffff, v24  }
0x1e2: {  	v25 =	vor.u32 v3, v12;
	v24 =	vld [tilespmem:s1+$0xFFFFFF30];
	[tilespmem:v27+s14+$0x0] =	vst.idx.msk $0xffff, v26  }
0x1e3: {  	v27 =	vor.u32 v3, v13;
	v26 =	vld [tilespmem:s1+$0xFFFFFFB0];
	[tilespmem:v20+s14+$0x0] =	vst.idx.msk $0xffff, v19  }
0x1e4: {  	v20 =	vor.u32 v6, v17;
	[tilespmem:v22+s14+$0x0] =	vst.idx.msk $0xffff, v21;
	v19 =	vld [tilespmem:s1+$0x260]  }
0x1e5: {  	[tilespmem:v18+s14+$0x0] =	vst.idx.msk $0xffff, v15;
	v15 =	vld [tilespmem:s1+$0x30];
	v18 =	vor.u32 v3, v10  }
0x1e6: {  	v21 =	vor.u32 v3, v14;
	[tilespmem:v23+s14+$0x0] =	vst.idx.msk $0xffff, v16;
	v16 =	vld [tilespmem:s1+$0xB0]  }
0x1e7: {  	v23 =	vor.u32 v3, v8;
	[tilespmem:v25+s14+$0x0] =	vst.idx.msk $0xffff, v24;
	v22 =	vld [tilespmem:s1+$0x130]  }
0x1e8: {  	v25 =	vor.u32 v3, v9;
	[tilespmem:v27+s14+$0x0] =	vst.idx.msk $0xffff, v26;
	v24 =	vld [tilespmem:s1+$0x1B0]  }
0x1e9: {  	v27 =	vor.u32 s30, v3;
	v26 =	vld [tilespmem:s1+$0xFFFFFE30];
	[tilespmem:v20+s14+$0x0] =	vst.idx.msk $0xffff, v19  }
0x1ea: {  	v17 =	vor.u32 v7, v17;
	[tilespmem:v18+s14+$0x0] =	vst.idx.msk $0xffff, v15;
	v15 =	vld [tilespmem:s1+$0x270]  }
0x1eb: {  	v19 =	vor.u32 s15, v3;
	v18 =	vld [tilespmem:s1+$0xFFFFFDB0];
	[tilespmem:v21+s14+$0x0] =	vst.idx.msk $0xffff, v16  }
0x1ec: {  	v20 =	vor.u32 v4, v11;
	v16 =	vld [tilespmem:s1+$0xFFFFFEC0];
	[tilespmem:v23+s14+$0x0] =	vst.idx.msk $0xffff, v22  }
0x1ed: {  	v22 =	vor.u32 v4, v12;
	v21 =	vld [tilespmem:s1+$0xFFFFFF40];
	[tilespmem:v25+s14+$0x0] =	vst.idx.msk $0xffff, v24  }
0x1ee: {  	v24 =	vor.u32 v4, v13;
	[tilespmem:v27+s14+$0x0] =	vst.idx.msk $0xffff, v26;
	v23 =	vld [tilespmem:s1+$0xFFFFFFC0]  }
0x1ef: {  	v26 =	vor.u32 v4, v10;
	v25 =	vld [tilespmem:s1+$0x40];
	[tilespmem:v17+s14+$0x0] =	vst.idx.msk $0xffff, v15  }
0x1f0: {  	v17 =	vor.u32 v4, v14;
	[tilespmem:v19+s14+$0x0] =	vst.idx.msk $0xffff, v18;
	v15 =	vld [tilespmem:s1+$0xC0]  }
0x1f1: {  	v18 =	vor.u32 v4, v8;
	[tilespmem:v20+s14+$0x0] =	vst.idx.msk $0xffff, v16;
	v16 =	vld [tilespmem:s1+$0x140]  }
0x1f2: {  	v20 =	vor.u32 v4, v9;
	[tilespmem:v22+s14+$0x0] =	vst.idx.msk $0xffff, v21;
	v19 =	vld [tilespmem:s1+$0x1C0]  }
0x1f3: {  	v22 =	vor.u32 s30, v4;
	v21 =	vld [tilespmem:s1+$0xFFFFFE40];
	[tilespmem:v24+s14+$0x0] =	vst.idx.msk $0xffff, v23  }
0x1f4: {  	v24 =	vor.u32 s15, v4;
	v23 =	vld [tilespmem:s1+$0xFFFFFDC0];
	[tilespmem:v26+s14+$0x0] =	vst.idx.msk $0xffff, v25  }
0x1f5: {  	v26 =	vor.u32 v5, v11;
	v25 =	vld [tilespmem:s1+$0xFFFFFED0];
	[tilespmem:v17+s14+$0x0] =	vst.idx.msk $0xffff, v15  }
0x1f6: {  	v17 =	vor.u32 v5, v12;
	v15 =	vld [tilespmem:s1+$0xFFFFFF50];
	[tilespmem:v18+s14+$0x0] =	vst.idx.msk $0xffff, v16  }
0x1f7: {  	v18 =	vor.u32 v5, v13;
	v16 =	vld [tilespmem:s1+$0xFFFFFFD0];
	[tilespmem:v20+s14+$0x0] =	vst.idx.msk $0xffff, v19  }
0x1f8: {  	v20 =	vor.u32 v5, v10;
	[tilespmem:v22+s14+$0x0] =	vst.idx.msk $0xffff, v21;
	v19 =	vld [tilespmem:s1+$0x50]  }
0x1f9: {  	v22 =	vor.u32 v5, v14;
	[tilespmem:v24+s14+$0x0] =	vst.idx.msk $0xffff, v23;
	v21 =	vld [tilespmem:s1+$0xD0]  }
0x1fa: {  	v24 =	vor.u32 v5, v8;
	[tilespmem:v26+s14+$0x0] =	vst.idx.msk $0xffff, v25;
	v23 =	vld [tilespmem:s1+$0x150]  }
0x1fb: {  	[tilespmem:v17+s14+$0x0] =	vst.idx.msk $0xffff, v15;
	v15 =	vld [tilespmem:s1+$0x1D0];
	v17 =	vor.u32 v5, v9  }
0x1fc: {  	v26 =	vor.u32 s30, v5;
	v25 =	vld [tilespmem:s1+$0xFFFFFE50];
	[tilespmem:v18+s14+$0x0] =	vst.idx.msk $0xffff, v16  }
0x1fd: {  	v18 =	vor.u32 s15, v5;
	v16 =	vld [tilespmem:s1+$0xFFFFFDD0];
	[tilespmem:v20+s14+$0x0] =	vst.idx.msk $0xffff, v19  }
0x1fe: {  	v20 =	vor.u32 v6, v11;
	v19 =	vld [tilespmem:s1+$0xFFFFFEE0];
	[tilespmem:v22+s14+$0x0] =	vst.idx.msk $0xffff, v21  }
0x1ff: {  	v22 =	vor.u32 v6, v12;
	v21 =	vld [tilespmem:s1+$0xFFFFFF60];
	[tilespmem:v24+s14+$0x0] =	vst.idx.msk $0xffff, v23  }
0x200: {  	v24 =	vor.u32 v6, v13;
	v23 =	vld [tilespmem:s1+$0xFFFFFFE0];
	[tilespmem:v17+s14+$0x0] =	vst.idx.msk $0xffff, v15  }
0x201: {  	v27 =	vor.u32 v6, v10;
	[tilespmem:v26+s14+$0x0] =	vst.idx.msk $0xffff, v25;
	v26 =	vld [tilespmem:s1+$0x60]  }
0x202: {  	v30 =	vor.u32 v6, v14;
	[tilespmem:v18+s14+$0x0] =	vst.idx.msk $0xffff, v16;
	v28 =	vld [tilespmem:s1+$0xE0]  }
0x203: {  	v31 =	vor.u32 v6, v8;
	[tilespmem:v20+s14+$0x0] =	vst.idx.msk $0xffff, v19;
	v20 =	vld [tilespmem:s1+$0x160]  }
0x204: {  	s9 =	sadd.s32 $0x1, s4;
	v35 =	vor.u32 s15, v6;
	v36 =	vor.u32 v6, v9;
	v16 =	vor.u32 s15, v7;
	s15 =	smov.u32 s4;
	[tilespmem:v22+s14+$0x0] =	vst.idx.msk $0xffff, v21;
	v21 =	vld [tilespmem:s1+$0x1E0]  }
0x205: {  	s11 =	sadd.s32 $0x2, s4;
	s12 =	sadd.s32 $0x3, s4;
	v38 =	vor.u32 s30, v6;
	v15 =	vor.u32 s9, v0;
	v18 =	vor.u32 s30, v7;
	s30 =	smov.u32 s9;
	v37 =	vld [tilespmem:s1+$0xFFFFFE60];
	[tilespmem:v24+s14+$0x0] =	vst.idx.msk $0xffff, v23  }
0x206: {  	v17 =	vmov s12;
	v25 =	vmov s11;
	s11 =	sadd.s32 $0x5, s4;
	s9 =	sadd.s32 $0x4, s4;
	v39 =	vld [tilespmem:s1+$0xFFFFFDE0];
	[tilespmem:v27+s14+$0x0] =	vst.idx.msk $0xffff, v26  }
.Ltmp1:
0x207: {  	v32 =	vor.u32 v7, v11;
	v23 =	vmov s11;
	s11 =	sadd.s32 $0x7, s4;
	v26 =	vmov s9;
	s9 =	sadd.s32 $0x6, s4;
	v29 =	vld [tilespmem:s1+$0xFFFFFEF0];
	[tilespmem:v30+s14+$0x0] =	vst.idx.msk $0xffff, v28;
	(pc) =	sbr.rel @p1 .LBB2_5-.Ltmp1, $4  }
0x208: {  	v34 =	vor.u32 v7, v12;
	v19 =	vmov s11;
	v22 =	vmov s9;
	s9 =	sadd.s32 $0x8, s4;
	v33 =	vld [tilespmem:s1+$0xFFFFFF70];
	[tilespmem:v31+s14+$0x0] =	vst.idx.msk $0xffff, v20  }
0x209: {  	v27 =	vand.u32 $0x7E, v25;
	v30 =	vor.u32 v7, v13;
	v20 =	vmov s9;
	v28 =	vld [tilespmem:s1+$0xFFFFFFF0];
	[tilespmem:v36+s14+$0x0] =	vst.idx.msk $0xffff, v21  }
0x20a: {  	v10 =	vor.u32 v7, v10;
	v12 =	vand.u32 $0x7F, v17;
	v13 =	vand.u32 $0x7E, v26;
	[tilespmem:v38+s14+$0x0] =	vst.idx.msk $0xffff, v37;
	v31 =	vld [tilespmem:s1+$0x70]  }
0x20b: {  	v11 =	vor.u32 v7, v14;
	s29 =	sadd.s32 $0x9, s15;
	v24 =	vand.u32 $0x7F, v23;
	s4 =	sadd.s32 $0xA, s4;
	v21 =	vand.u32 $0x7E, v22;
	[tilespmem:v35+s14+$0x0] =	vst.idx.msk $0xffff, v39;
	v35 =	vld [tilespmem:s1+$0xF0]  }
0x20c: {  	_ =	sdelay $0x3  }
0x20d: {  	v14 =	vand.u32 $0x7F, v19;
	v36 =	vmov s29;
	[tilespmem:v32+s14+$0x0] =	vst.idx.msk $0xffff, v29;
	v40 =	vld [tilespmem:s1+$0x170];
	v41 =	vor.u32 v7, v8  }
0x20e: {  	v37 =	vand.u32 $0x7E, v20;
	v42 =	vld [tilespmem:s1+$0x1F0];
	v43 =	vor.u32 v7, v9;
	v44 =	vshll.u32 v25, $0x3;
	[tilespmem:v34+s14+$0x0] =	vst.idx.msk $0xffff, v33  }
0x20f: {  	v46 =	vld [tilespmem:s1+$0xFFFFFE70];
	v47 =	vshll.u32 v17, $0x3;
	v26 =	vshll.u32 v26, $0x3;
	v23 =	vshll.u32 v23, $0x3;
	[tilespmem:v30+s14+$0x0] =	vst.idx.msk $0xffff, v28  }
0x210: {  	v48 =	vld [tilespmem:s1+$0xFFFFFDF0];
	s12 =	sadd.s32 $0x500, s1;
	v22 =	vshll.u32 v22, $0x3;
	v61 =	vshll.u32 v19, $0x3;
	v52 =	vand.u32 $0x400, v47;
	[tilespmem:v10+s14+$0x0] =	vst.idx.msk $0xffff, v31  }
0x211: {  	v8 =	vshll.u32 v36, $0x3;
	v51 =	vld [tilespmem:s12+$0xFFFFFE00];
	v32 =	vand.u32 $0x400, v22;
	v9 =	vor.u32 v12, v52;
	[tilespmem:v11+s14+$0x0] =	vst.idx.msk $0xffff, v35  }
0x212: {  	v45 =	vand.u32 $0x7F, v36;
	v56 =	vld [tilespmem:s12+$0xFFFFFF00];
	v12 =	vor.u32 v21, v32;
	v57 =	vor.u32 v0, v9;
	[tilespmem:v41+s14+$0x0] =	vst.idx.msk $0xffff, v40  }
0x213: {  	v55 =	vand.u32 $0x400, v26;
	v36 =	vld [tilespmem:s12+$0x80];
	v8 =	vand.u32 $0x400, v8;
	v38 =	vor.u32 v0, v12;
	[tilespmem:v43+s14+$0x0] =	vst.idx.msk $0xffff, v42  }
0x214: {  	v17 =	vor.u32 v45, v8;
	v8 =	vand.u32 $0x400, v44;
	v44 =	vld [tilespmem:s12+$0xFFFFFD80];
	v45 =	vor.u32 s15, v0;
	[tilespmem:v18+s14+$0x0] =	vst.idx.msk $0xffff, v46  }
0x215: {  	v49 =	vld [tilespmem:s12+$0x200];
	v58 =	vand.u32 $0x400, v23;
	v10 =	vor.u32 v13, v55;
	v50 =	vor.u32 v0, v17;
	[tilespmem:v16+s14+$0x0] =	vst.idx.msk $0xffff, v48  }
0x216: {  	v59 =	vld [tilespmem:s12+$0xFFFFFF80];
	v33 =	vshll.u32 v20, $0x3;
	v8 =	vor.u32 v27, v8;
	v60 =	vor.u32 v0, v10;
	[tilespmem:v15+s14+$0x0] =	vst.idx.msk $0xffff, v51  }
0x217: {  	v53 =	vld [tilespmem:s12+$0xFFFFFE80];
	v13 =	vand.u32 $0x400, v61;
	v11 =	vor.u32 v24, v58;
	v54 =	vor.u32 v0, v8;
	[tilespmem:v57+s14+$0x0] =	vst.idx.msk $0xffff, v56  }
0x218: {  	v62 =	vld [tilespmem:s12+$0x0];
	v39 =	vand.u32 $0x400, v33;
	v13 =	vor.u32 v14, v13;
	v63 =	vor.u32 v0, v11;
	[tilespmem:v38+s14+$0x0] =	vst.idx.msk $0xffff, v36  }
0x219: {  	v14 =	vor.u32 v37, v39;
	v40 =	vld [tilespmem:s12+$0x100];
	v41 =	vor.u32 v0, v13;
	[tilespmem:v45+s14+$0x0] =	vst.idx.msk $0xffff, v44  }
0x21a: {  	v42 =	vld [tilespmem:s12+$0x180];
	v43 =	vor.u32 v0, v14;
	[tilespmem:v50+s14+$0x0] =	vst.idx.msk $0xffff, v49  }
0x21b: {  	[tilespmem:v60+s14+$0x0] =	vst.idx.msk $0xffff, v59;
	v49 =	vld [tilespmem:s12+$0xFFFFFF10];
	v50 =	vor.u32 v1, v9  }
0x21c: {  	v56 =	vor.u32 v1, v12;
	v55 =	vld [tilespmem:s12+$0x90];
	[tilespmem:v54+s14+$0x0] =	vst.idx.msk $0xffff, v53  }
0x21d: {  	v31 =	vor.u32 s15, v1;
	v30 =	vld [tilespmem:s12+$0xFFFFFD90];
	[tilespmem:v63+s14+$0x0] =	vst.idx.msk $0xffff, v62  }
0x21e: {  	v35 =	vor.u32 v1, v17;
	v34 =	vld [tilespmem:s12+$0x210];
	[tilespmem:v41+s14+$0x0] =	vst.idx.msk $0xffff, v40  }
0x21f: {  	v52 =	vor.u32 v1, v10;
	v51 =	vld [tilespmem:s12+$0xFFFFFF90];
	[tilespmem:v43+s14+$0x0] =	vst.idx.msk $0xffff, v42  }
0x220: {  	v62 =	vld [tilespmem:s12+$0xFFFFFE10];
	v63 =	vor.u32 s30, v1;
	[tilespmem:v50+s14+$0x0] =	vst.idx.msk $0xffff, v49  }
0x221: {  	v47 =	vor.u32 v1, v8;
	v46 =	vld [tilespmem:s12+$0xFFFFFE90];
	[tilespmem:v56+s14+$0x0] =	vst.idx.msk $0xffff, v55  }
0x222: {  	v54 =	vor.u32 v1, v11;
	v53 =	vld [tilespmem:s12+$0x10];
	[tilespmem:v31+s14+$0x0] =	vst.idx.msk $0xffff, v30  }
0x223: {  	v58 =	vor.u32 v1, v13;
	v57 =	vld [tilespmem:s12+$0x110];
	[tilespmem:v35+s14+$0x0] =	vst.idx.msk $0xffff, v34  }
0x224: {  	v61 =	vor.u32 v1, v14;
	v60 =	vld [tilespmem:s12+$0x190];
	[tilespmem:v52+s14+$0x0] =	vst.idx.msk $0xffff, v51  }
0x225: {  	v34 =	vld [tilespmem:s12+$0xFFFFFF20];
	v35 =	vor.u32 v2, v9;
	[tilespmem:v63+s14+$0x0] =	vst.idx.msk $0xffff, v62  }
0x226: {  	v42 =	vor.u32 v2, v12;
	v41 =	vld [tilespmem:s12+$0xA0];
	[tilespmem:v47+s14+$0x0] =	vst.idx.msk $0xffff, v46  }
0x227: {  	v50 =	vld [tilespmem:s12+$0xFFFFFDA0];
	v51 =	vor.u32 s15, v2;
	[tilespmem:v54+s14+$0x0] =	vst.idx.msk $0xffff, v53  }
0x228: {  	v48 =	vor.u32 v2, v17;
	v15 =	vld [tilespmem:s12+$0x220];
	[tilespmem:v58+s14+$0x0] =	vst.idx.msk $0xffff, v57  }
0x229: {  	v38 =	vor.u32 v2, v10;
	[tilespmem:v61+s14+$0x0] =	vst.idx.msk $0xffff, v60;
	v37 =	vld [tilespmem:s12+$0xFFFFFFA0]  }
0x22a: {  	v33 =	vor.u32 v2, v8;
	v32 =	vld [tilespmem:s12+$0xFFFFFEA0];
	[tilespmem:v35+s14+$0x0] =	vst.idx.msk $0xffff, v34  }
0x22b: {  	v40 =	vor.u32 v2, v11;
	v39 =	vld [tilespmem:s12+$0x20];
	[tilespmem:v42+s14+$0x0] =	vst.idx.msk $0xffff, v41  }
0x22c: {  	v44 =	vor.u32 v2, v13;
	v43 =	vld [tilespmem:s12+$0x120];
	[tilespmem:v51+s14+$0x0] =	vst.idx.msk $0xffff, v50  }
0x22d: {  	v46 =	vor.u32 v2, v14;
	v45 =	vld [tilespmem:s12+$0x1A0];
	[tilespmem:v48+s14+$0x0] =	vst.idx.msk $0xffff, v15  }
0x22e: {  	v49 =	vor.u32 s30, v2;
	[tilespmem:v38+s14+$0x0] =	vst.idx.msk $0xffff, v37;
	v48 =	vld [tilespmem:s12+$0xFFFFFE20]  }
0x22f: {  	v55 =	vor.u32 v3, v9;
	v54 =	vld [tilespmem:s12+$0xFFFFFF30];
	[tilespmem:v33+s14+$0x0] =	vst.idx.msk $0xffff, v32  }
0x230: {  	v62 =	vor.u32 v3, v12;
	v61 =	vld [tilespmem:s12+$0xB0];
	[tilespmem:v40+s14+$0x0] =	vst.idx.msk $0xffff, v39  }
0x231: {  	v59 =	vor.u32 v3, v17;
	v15 =	vld [tilespmem:s12+$0x230];
	[tilespmem:v44+s14+$0x0] =	vst.idx.msk $0xffff, v43  }
0x232: {  	v57 =	vor.u32 v3, v10;
	[tilespmem:v46+s14+$0x0] =	vst.idx.msk $0xffff, v45;
	v56 =	vld [tilespmem:s12+$0xFFFFFFB0]  }
0x233: {  	v53 =	vor.u32 v3, v8;
	v52 =	vld [tilespmem:s12+$0xFFFFFEB0];
	[tilespmem:v49+s14+$0x0] =	vst.idx.msk $0xffff, v48  }
0x234: {  	v30 =	vor.u32 v3, v13;
	v63 =	vld [tilespmem:s12+$0x130];
	[tilespmem:v55+s14+$0x0] =	vst.idx.msk $0xffff, v54  }
0x235: {  	v32 =	vor.u32 v3, v14;
	v31 =	vld [tilespmem:s12+$0x1B0];
	[tilespmem:v62+s14+$0x0] =	vst.idx.msk $0xffff, v61  }
0x236: {  	v60 =	vor.u32 v3, v11;
	[tilespmem:v59+s14+$0x0] =	vst.idx.msk $0xffff, v15;
	v59 =	vld [tilespmem:s12+$0x30]  }
0x237: {  	v34 =	vor.u32 s30, v3;
	[tilespmem:v57+s14+$0x0] =	vst.idx.msk $0xffff, v56;
	v33 =	vld [tilespmem:s12+$0xFFFFFE30]  }
0x238: {  	v40 =	vor.u32 v4, v9;
	v39 =	vld [tilespmem:s12+$0xFFFFFF40];
	[tilespmem:v53+s14+$0x0] =	vst.idx.msk $0xffff, v52  }
0x239: {  	v36 =	vor.u32 v4, v17;
	v15 =	vld [tilespmem:s12+$0x240];
	[tilespmem:v30+s14+$0x0] =	vst.idx.msk $0xffff, v63  }
0x23a: {  	v46 =	vor.u32 v4, v12;
	v45 =	vld [tilespmem:s12+$0xC0];
	[tilespmem:v32+s14+$0x0] =	vst.idx.msk $0xffff, v31  }
0x23b: {  	v42 =	vor.u32 v4, v10;
	v41 =	vld [tilespmem:s12+$0xFFFFFFC0];
	[tilespmem:v60+s14+$0x0] =	vst.idx.msk $0xffff, v59  }
0x23c: {  	v38 =	vor.u32 v4, v8;
	v37 =	vld [tilespmem:s12+$0xFFFFFEC0];
	[tilespmem:v34+s14+$0x0] =	vst.idx.msk $0xffff, v33  }
0x23d: {  	v50 =	vor.u32 v4, v14;
	v49 =	vld [tilespmem:s12+$0x1C0];
	[tilespmem:v40+s14+$0x0] =	vst.idx.msk $0xffff, v39  }
0x23e: {  	v35 =	vld [tilespmem:s12+$0xFFFFFDB0];
	[tilespmem:v36+s14+$0x0] =	vst.idx.msk $0xffff, v15;
	v36 =	vor.u32 s15, v3  }
0x23f: {  	v44 =	vor.u32 v4, v11;
	[tilespmem:v46+s14+$0x0] =	vst.idx.msk $0xffff, v45;
	v43 =	vld [tilespmem:s12+$0x40]  }
0x240: {  	v52 =	vor.u32 s30, v4;
	v51 =	vld [tilespmem:s12+$0xFFFFFE40];
	[tilespmem:v42+s14+$0x0] =	vst.idx.msk $0xffff, v41  }
0x241: {  	v47 =	vor.u32 v5, v17;
	v15 =	vld [tilespmem:s12+$0x250];
	[tilespmem:v38+s14+$0x0] =	vst.idx.msk $0xffff, v37  }
0x242: {  	v28 =	vor.u32 v5, v12;
	v63 =	vld [tilespmem:s12+$0xD0];
	[tilespmem:v50+s14+$0x0] =	vst.idx.msk $0xffff, v49  }
0x243: {  	v60 =	vor.u32 v5, v10;
	v59 =	vld [tilespmem:s12+$0xFFFFFFD0];
	[tilespmem:v36+s14+$0x0] =	vst.idx.msk $0xffff, v35  }
0x244: {  	v56 =	vor.u32 v5, v8;
	v55 =	vld [tilespmem:s12+$0xFFFFFED0];
	[tilespmem:v44+s14+$0x0] =	vst.idx.msk $0xffff, v43  }
0x245: {  	v32 =	vor.u32 v5, v14;
	v31 =	vld [tilespmem:s12+$0x1D0];
	[tilespmem:v52+s14+$0x0] =	vst.idx.msk $0xffff, v51  }
0x246: {  	v48 =	vor.u32 v4, v13;
	[tilespmem:v47+s14+$0x0] =	vst.idx.msk $0xffff, v15;
	v47 =	vld [tilespmem:s12+$0x140]  }
0x247: {  	v54 =	vor.u32 s15, v4;
	[tilespmem:v28+s14+$0x0] =	vst.idx.msk $0xffff, v63;
	v53 =	vld [tilespmem:s12+$0xFFFFFDC0]  }
0x248: {  	v62 =	vor.u32 v5, v11;
	v61 =	vld [tilespmem:s12+$0x50];
	[tilespmem:v60+s14+$0x0] =	vst.idx.msk $0xffff, v59  }
0x249: {  	v34 =	vor.u32 s30, v5;
	v33 =	vld [tilespmem:s12+$0xFFFFFE50];
	[tilespmem:v56+s14+$0x0] =	vst.idx.msk $0xffff, v55  }
0x24a: {  	v58 =	vor.u32 v6, v17;
	v15 =	vld [tilespmem:s12+$0x260];
	[tilespmem:v32+s14+$0x0] =	vst.idx.msk $0xffff, v31  }
0x24b: {  	v46 =	vor.u32 v6, v12;
	v45 =	vld [tilespmem:s12+$0xE0];
	[tilespmem:v48+s14+$0x0] =	vst.idx.msk $0xffff, v47  }
0x24c: {  	v42 =	vor.u32 v6, v10;
	v41 =	vld [tilespmem:s12+$0xFFFFFFE0];
	[tilespmem:v54+s14+$0x0] =	vst.idx.msk $0xffff, v53  }
0x24d: {  	v38 =	vor.u32 v6, v8;
	v37 =	vld [tilespmem:s12+$0xFFFFFEE0];
	[tilespmem:v62+s14+$0x0] =	vst.idx.msk $0xffff, v61  }
0x24e: {  	v50 =	vor.u32 v6, v14;
	v49 =	vld [tilespmem:s12+$0x1E0];
	[tilespmem:v34+s14+$0x0] =	vst.idx.msk $0xffff, v33  }
0x24f: {  	v57 =	vld [tilespmem:s12+$0xFFFFFF50];
	[tilespmem:v58+s14+$0x0] =	vst.idx.msk $0xffff, v15;
	v58 =	vor.u32 v5, v9  }
0x250: {  	v30 =	vor.u32 v5, v13;
	[tilespmem:v46+s14+$0x0] =	vst.idx.msk $0xffff, v45;
	v29 =	vld [tilespmem:s12+$0x150]  }
0x251: {  	v36 =	vor.u32 s15, v5;
	v35 =	vld [tilespmem:s12+$0xFFFFFDD0];
	[tilespmem:v42+s14+$0x0] =	vst.idx.msk $0xffff, v41  }
0x252: {  	v44 =	vor.u32 v6, v11;
	v43 =	vld [tilespmem:s12+$0x60];
	[tilespmem:v38+s14+$0x0] =	vst.idx.msk $0xffff, v37  }
0x253: {  	v51 =	vor.u32 s30, v6;
	v25 =	vld [tilespmem:s12+$0xFFFFFE60];
	[tilespmem:v50+s14+$0x0] =	vst.idx.msk $0xffff, v49  }
0x254: {  	v17 =	vor.u32 v7, v17;
	v15 =	vld [tilespmem:s12+$0x270];
	[tilespmem:v58+s14+$0x0] =	vst.idx.msk $0xffff, v57  }
0x255: {  	v10 =	vor.u32 v7, v10;
	v56 =	vld [tilespmem:s12+$0xFFFFFFF0];
	[tilespmem:v30+s14+$0x0] =	vst.idx.msk $0xffff, v29  }
0x256: {  	v8 =	vor.u32 v7, v8;
	v54 =	vld [tilespmem:s12+$0xFFFFFEF0];
	[tilespmem:v36+s14+$0x0] =	vst.idx.msk $0xffff, v35  }
0x257: {  	v14 =	vor.u32 v7, v14;
	v59 =	vld [tilespmem:s12+$0x1F0];
	[tilespmem:v44+s14+$0x0] =	vst.idx.msk $0xffff, v43  }
0x258: {  	v40 =	vor.u32 v6, v9;
	[tilespmem:v51+s14+$0x0] =	vst.idx.msk $0xffff, v25;
	v39 =	vld [tilespmem:s12+$0xFFFFFF60]  }
0x259: {  	v48 =	vor.u32 v6, v13;
	[tilespmem:v17+s14+$0x0] =	vst.idx.msk $0xffff, v15;
	v47 =	vld [tilespmem:s12+$0x160]  }
0x25a: {  	v52 =	vor.u32 s15, v6;
	v53 =	vld [tilespmem:s12+$0xFFFFFDE0];
	[tilespmem:v10+s14+$0x0] =	vst.idx.msk $0xffff, v56  }
0x25b: {  	v12 =	vor.u32 v7, v12;
	v58 =	vld [tilespmem:s12+$0xF0];
	[tilespmem:v8+s14+$0x0] =	vst.idx.msk $0xffff, v54  }
0x25c: {  	v11 =	vor.u32 v7, v11;
	v57 =	vld [tilespmem:s12+$0x70];
	[tilespmem:v14+s14+$0x0] =	vst.idx.msk $0xffff, v59  }
0x25d: {  	v60 =	vor.u32 s30, v7;
	v61 =	vld [tilespmem:s12+$0xFFFFFE70];
	[tilespmem:v40+s14+$0x0] =	vst.idx.msk $0xffff, v39  }
0x25e: {  	v9 =	vor.u32 v7, v9;
	[tilespmem:v48+s14+$0x0] =	vst.idx.msk $0xffff, v47;
	v55 =	vld [tilespmem:s12+$0xFFFFFF70]  }
0x25f: {  	v13 =	vor.u32 v7, v13;
	[tilespmem:v52+s14+$0x0] =	vst.idx.msk $0xffff, v53;
	v8 =	vld [tilespmem:s12+$0x170]  }
0x260: {  	v62 =	vor.u32 s15, v7;
	[tilespmem:v12+s14+$0x0] =	vst.idx.msk $0xffff, v58;
	v63 =	vld [tilespmem:s12+$0xFFFFFDF0]  }
0x261: {  	[tilespmem:v11+s14+$0x0] =	vst.idx.msk $0xffff, v57  }
0x262: {  	[tilespmem:v60+s14+$0x0] =	vst.idx.msk $0xffff, v61  }
0x263: {  	s15 =	sshll.u32 s2, $0xB;
	[tilespmem:v9+s14+$0x0] =	vst.idx.msk $0xffff, v55  }
0x264: {  	s1 =	sand.u32 $0x1FFFF800, s15;
	[tilespmem:v13+s14+$0x0] =	vst.idx.msk $0xffff, v8  }
0x265: {  	s1 =	sadd.s32 s6, s1;
	[tilespmem:v62+s14+$0x0] =	vst.idx.msk $0xffff, v63  }
0x266: {  	[hbm4b:s1+s3] =	stream.linear.scatter [tilespmem:s14], [sflag:$0x4], $0x400, $0x38;
	[tilespmem:$0x18000] =	vst v63  }
0x267: {  	s4 =	simm.s32 $0x10800;
	s29 =	sadd.s32 $0x80, s1  }
0x268: {  	[hbm4b:s29+s3] =	stream.linear.scatter [tilespmem:s4], [sflag:$0x4], $0x400, $0x38;
	[tilespmem:$0x18000] =	vst v63  }
0x269: {  	s31 =	simm.s32 $0x11000;
	s30 =	sadd.s32 $0x100, s1  }
0x26a: {  	[hbm4b:s30+s3] =	stream.linear.scatter [tilespmem:s31], [sflag:$0x4], $0x400, $0x38;
	[tilespmem:$0x18000] =	vst v63  }
0x26b: {  	s11 =	simm.s32 $0x11800;
	s9 =	sadd.s32 $0x180, s1  }
0x26c: {  	[hbm4b:s9+s3] =	stream.linear.scatter [tilespmem:s11], [sflag:$0x4], $0x400, $0x38;
	[tilespmem:$0x18000] =	vst v63  }
0x26d: {  	s15 =	simm.s32 $0x12000;
	s12 =	sadd.s32 $0x200, s1  }
0x26e: {  	[hbm4b:s12+s3] =	stream.linear.scatter [tilespmem:s15], [sflag:$0x4], $0x400, $0x38;
	[tilespmem:$0x18000] =	vst v63  }
0x26f: {  	s29 =	sadd.s32 $0x280, s1;
	s30 =	simm.s32 $0x12800  }
0x270: {  	[hbm4b:s29+s3] =	stream.linear.scatter [tilespmem:s30], [sflag:$0x4], $0x400, $0x38;
	[tilespmem:$0x18000] =	vst v63  }
0x271: {  	s31 =	sadd.s32 $0x300, s1  }
0x272: {  	[hbm4b:s31+s3] =	stream.linear.scatter [tilespmem:s8], [sflag:$0x4], $0x400, $0x38;
	[tilespmem:$0x18000] =	vst v63  }
0x273: {  	s4 =	sadd.s32 $0x380, s1  }
0x274: {  	[hbm4b:s4+s3] =	stream.linear.scatter [tilespmem:s18], [sflag:$0x4], $0x400, $0x38;
	[tilespmem:$0x18000] =	vst v63  }
0x275: {  	s9 =	sadd.s32 $0x400, s1  }
0x276: {  	[hbm4b:s9+s3] =	stream.linear.scatter [tilespmem:s19], [sflag:$0x4], $0x400, $0x38;
	[tilespmem:$0x18000] =	vst v63  }
0x277: {  	s11 =	sadd.s32 $0x480, s1  }
0x278: {  	[hbm4b:s11+s3] =	stream.linear.scatter [tilespmem:s20], [sflag:$0x4], $0x400, $0x38;
	[tilespmem:$0x18000] =	vst v63  }
0x279: {  	s12 =	sadd.s32 $0x500, s1  }
0x27a: {  	[hbm4b:s12+s3] =	stream.linear.scatter [tilespmem:s21], [sflag:$0x4], $0x400, $0x38;
	[tilespmem:$0x18000] =	vst v63  }
0x27b: {  	s15 =	sadd.s32 $0x580, s1  }
0x27c: {  	[hbm4b:s15+s3] =	stream.linear.scatter [tilespmem:s22], [sflag:$0x4], $0x400, $0x38;
	[tilespmem:$0x18000] =	vst v63  }
0x27d: {  	s28 =	sadd.s32 $0x1, s28;
	s29 =	sadd.s32 $0x600, s1  }
0x27e: {  	[hbm4b:s29+s3] =	stream.linear.scatter [tilespmem:s23], [sflag:$0x4], $0x400, $0x38;
	[tilespmem:$0x18000] =	vst v63  }
0x27f: {  	p1 =	sne.s32 s28, s10;
	s30 =	sadd.s32 $0x680, s1  }
0x280: {  	[hbm4b:s30+s3] =	stream.linear.scatter [tilespmem:s24], [sflag:$0x4], $0x400, $0x38;
	[tilespmem:$0x18000] =	vst v63  }
.Ltmp2:
0x281: {  	_ = 	snop;
	(pc) =	sbr.rel @p1 .LBB2_2-.Ltmp2, $4  }
0x282: {  	s31 =	sadd.s32 $0x700, s1  }
0x283: {  	[hbm4b:s31+s3] =	stream.linear.scatter [tilespmem:s25], [sflag:$0x4], $0x400, $0x38;
	[tilespmem:$0x18000] =	vst v63  }
0x284: {  	s1 =	sadd.s32 $0x780, s1  }
0x285: {  	[hbm4b:s1+s3] =	stream.linear.scatter [tilespmem:s26], [sflag:$0x4], $0x400, $0x38;
	[tilespmem:$0x18000] =	vst v63  }
0x286: {  	s1 =	simm.s32 $0x3  }
0x287: {  	_ =	swait.ge [sflag:s1], $0x4000  }
0x288: {  	[sflag:s1] =	ssyncset.done $0x0  }
0x289: {  	s29 =	simm.s32 $0x4;
	[sflag:s1] =	ssyncadd.s32 $0xFFFFC000  }
0x28a: {  	_ =	swait.ge [sflag:s29], $0x4000  }
0x28b: {  	[sflag:s29] =	ssyncset.done $0x0  }
0x28c: {  	s1 =	simm.s32 @!p0 $0x0;
	s2 =	rddreg [dreg:$0x3];
	[sflag:s29] =	ssyncadd.s32 $0xFFFFC000  }
0x28d: {  	[tilespmem:s1], [sflag:$0x5] =	stream.linear.gather @!p0 [hbm4b:s2+s1], $0x2000, $0x38;
	[tilespmem:$0x18000] =	vst v63  }
0x28e: {  	s2 =	simm.s32 @!p0 $0x5  }
0x28f: {  	_ =	swait.ge @!p0 [sflag:s2], $0x2000  }
0x290: {  	[sflag:s2] =	ssyncset.done @!p0 $0x0  }
0x291: {  	s4 =	rddreg [dreg:$0x6];
	[sflag:s2] =	ssyncadd.s32 @!p0 $0xFFFFE000  }
0x292: {  	[hbm4b:s4+s1] =	stream.linear.scatter @!p0 [tilespmem:s1], [sflag:$0x5], $0x2000, $0x38;
	[tilespmem:$0x18000] =	vst v63  }
0x293: {  	_ =	swait.ge @!p0 [sflag:s2], $0x2000  }
0x294: {  	s30 =	rddreg [dreg:$0x8]  }
0x295: {  	s31 =	rddreg [dreg:$0x7];
	s4 =	sadd.s32 $0x1, s30  }
0x296: {  	p1 =	sne.s32 s4, s31  }
.Ltmp3:
0x297: {  	_ = 	snop;
	(pc) =	sbr.rel @p1 .LBB2_1-.Ltmp3, $3  }
0x298: {  	_ =	sdelay $0x1  }
0x299: {  	[sflag:s2] =	ssyncset.done @!p0 $0x0  }
0x29a: {  	[sflag:s2] =	ssyncadd.s32 @!p0 $0xFFFFE000  }
0x29b: {  	_ =	sfence.sel $0x180000  }
0x29c: {  	[bflag:$0x0] =	sbarrier.arrive $0xFFFF  }
0x29d: {  	_ =	strace $0x90000047  }
0x29e: {  	s0 =	stileid.u32;
	[bflag:$0x2] =	sbarrier.arrive $0xFFFF  }
0x29f: {  	p0 =	sne.s32 s0, $0x0;
	s0 =	rddreg [dreg:$0x2]  }
0x2a0: {  	s0 =	sadd.s32 @!p0 $0x100000, s0  }
0x2a1: {  	[sflag:s0] =	ssyncadd.tile.s32 @!p0 $0x1;
	_ =	shalt  }
.Lfunc_end2:
_tile_overlayer_lowered:
.L_overlay_start_2:
0x2a2: {  	(tag) =	ssettag $0x2  }
0x2a3: {  	s0 =	rddreg [dreg:$0x0];
	s2 =	stileid.u32  }
0x2a4: {  	s1 =	rddreg [dreg:$0x1];
	p0 =	sne.s32 s2, $0x0  }
0x2a5: {  	s3 =	rddreg [dreg:$0x2];
	[bflag:$0x3] =	sbarrier.arrive $0xFFFF;
	s2 =	simm.s32 @!p0 $0x1C05  }
0x2a6: {  	[timem:s3], [sflag:s2] =	dma.local @!p0 [hbm:s0], s1  }
0x2a7: {  	s0 =	simm.s32 @!p0 $0x5  }
0x2a8: {  	_ =	swait.ge @!p0 [sflag:s0], s1  }
0x2a9: {  	s1 =	ssub.s32 @!p0 $0x0, s1;
	[sflag:s0] =	ssyncset.done @!p0 $0x0  }
0x2aa: {  	[sflag:s0] =	ssyncadd.s32 @!p0 s1  }
0x2ab: {  	[bflag:$0x3] =	sbarrier.arrive $0xFFFF  }
0x2ac: {  	_ =	shalt  }

// kernel: kernel.7.cloned.1.call-start
scs
__scs_entry_jumppad:
0x0: {  	(pc) =	sbr.rel $0x88, $3  }
0x1: {  	(tag) =	ssettag $0x0;
	lr =	simm.s32 $0x1  }
0x2: {  	[smem:$0x3F9F] =	sst lr;
	_ =	strace $0xD0000000  }
0x3: {  	_ = 	snop  }
0x4: {  	_ = 	snop  }
0x5: {  	_ = 	snop  }
0x6: {  	_ = 	snop  }
0x7: {  	_ = 	snop  }
__scs_overlays_trampoline_lowered:
0x8: {  	[smem:$0x3FAE] =	sst s0  }
0x9: {  	[smem:$0x3FAF] =	sst s1  }
0xa: {  	[smem:$0x3FB0] =	sst s2  }
0xb: {  	[smem:$0x3FB1] =	sst s3  }
0xc: {  	[smem:$0x3FB2] =	sst s4  }
0xd: {  	[smem:$0x3FB3] =	sst s5  }
0xe: {  	[smem:$0x3FB4] =	sst s6  }
0xf: {  	[smem:$0x3FB5] =	sst s7  }
0x10: {  	[smem:$0x3FB6] =	sst s8  }
0x11: {  	[smem:$0x3FB7] =	sst s9;
	s0 =	simm.s32 @!p0 $0x0  }
0x12: {  	s1 =	sld [smem:$0x3F9D];
	s0 =	simm.s32 @p0 $0x1  }
0x13: {  	[smem:$0x3FB8] =	sst s0;
	s0 =	simm.s32 @!p1 $0x0  }
0x14: {  	s2 =	sld [smem:$0x3F9C];
	s0 =	simm.s32 @p1 $0x1  }
0x15: {  	[smem:$0x3FB9] =	sst s0;
	s0 =	simm.s32 @!p2 $0x0  }
0x16: {  	s3 =	sld [smem:$0x3FDB];
	s0 =	simm.s32 @p2 $0x1  }
0x17: {  	s4 =	simm.s32 $0x1BF5;
	[smem:$0x3FBB] =	sst s0  }
0x18: {  	s0 =	sld [smem:$0x3F9E];
	_ =	swait.ge [sflag:s4], $0x0  }
0x19: {  	s7 =	sld [smem:$0x3F9F]  }
0x1a: {  	s8 =	sadd.s32 $0xFFFFE003, lr  }
0x1b: {  	s9 =	sadd.s32 $0xFFFFFEF7, lr;
	s5 =	simm.s32 $0xFFFFFFFF;
	p2 =	slt.u32 s8, $0xFFFFF086  }
0x1c: {  	p1 =	slt.u32 s9, $0xF7A;
	s5 =	simm.s32 @!p2 $0x0  }
0x1d: {  	s5 =	simm.s32 @p1 $0x1;
	p0 =	seq.s32 s7, s2  }
0x1e: {  	s7 =	smul.u32 @!p0 $0xF7A, s2;
	p2 =	seq.s32 @!p0 s5, $0x0  }
0x1f: {  	s9 =	smul.u32 $0xF7A, s1;
	s8 =	simm.s32 @!p0 $0x1BF5;
	p2 =	por !p2, p0  }
0x20: {  	[sflag:s8] =	ssyncset.s32 @!p0 $0xFFFFF086;
	s6 =	sadd.s32 @!p0 s3, s7;
	s7 =	simm.s32 @!p0 $0x108  }
0x21: {  	s3 =	sadd.s32 s3, s9;
	s6 =	sadd.s32 @!p0 $0x88, s6;
	s7 =	simm.s32 @p2 $0x1082  }
0x22: {  	[simem:s7], [sflag:s8] =	dma.local @!p0 [hbm:s6], $0xF7A  }
0x23: {  	s9 =	sor.u32 $0xD0000000, s2;
	s6 =	simm.s32 $0x108;
	_ =	swait.ge @!p0 [sflag:s8], $0x0  }
0x24: {  	s3 =	sadd.s32 $0x88, s3;
	s6 =	simm.s32 @!p1 $0x1082;
	[sflag:s4] =	ssyncset.s32 $0xFFFFF086  }
0x25: {  	[simem:s6], [sflag:s4] =	dma.local [hbm:s3], $0xF7A  }
0x26: {  	[smem:$0x3F9F] =	sst s1;
	(tag) =	ssettag s2;
	_ =	strace s9  }
0x27: {  	s1 =	sld [smem:$0x3FAF]  }
0x28: {  	s2 =	sld [smem:$0x3FB0]  }
0x29: {  	s4 =	sld [smem:$0x3FB2]  }
0x2a: {  	p0 =	seq.s32 s5, $0x0;
	s5 =	sld [smem:$0x3FB3]  }
0x2b: {  	s6 =	sld [smem:$0x3FB4]  }
0x2c: {  	s7 =	sld [smem:$0x3FB5]  }
0x2d: {  	s3 =	simm.s32 $0x108;
	s8 =	sld [smem:$0x3FB6]  }
0x2e: {  	s3 =	simm.s32 @!p0 $0x1082;
	s9 =	sld [smem:$0x3FB7]  }
0x2f: {  	lr =	sadd.s32 s0, s3;
	s0 =	sld [smem:$0x3FAE]  }
0x30: {  	s3 =	sld [smem:$0x3FB1]  }
0x31: {  	[smem:$0x3FBA] =	sst s10  }
0x32: {  	s10 =	sld [smem:$0x3FB8];
	_ =	sdelay $0x3  }
0x33: {  	p0 =	seq.s32 s10, $0x1;
	s10 =	sld [smem:$0x3FBA];
	_ =	sdelay $0x3  }
0x34: {  	[smem:$0x3FBA] =	sst s10  }
0x35: {  	s10 =	sld [smem:$0x3FB9];
	_ =	sdelay $0x3  }
0x36: {  	p1 =	seq.s32 s10, $0x1;
	s10 =	sld [smem:$0x3FBA];
	_ =	sdelay $0x3  }
0x37: {  	[smem:$0x3FBA] =	sst s10  }
0x38: {  	s10 =	sld [smem:$0x3FBB]  }
0x39: {  	_ = 	snop;
	(pc) =	sbr.ind lr, $3  }
0x3a: {  	_ = 	snop  }
0x3b: {  	_ = 	snop  }
0x3c: {  	p2 =	seq.s32 s10, $0x1;
	s10 =	sld [smem:$0x3FBA]  }
0x3d: {  	_ =	shalt  }
0x3e: {  	_ =	shalt  }
0x3f: {  	_ =	shalt  }
0x40: {  	_ =	shalt  }
0x41: {  	_ =	shalt  }
0x42: {  	_ =	shalt  }
0x43: {  	_ =	shalt  }
0x44: {  	_ =	shalt  }
0x45: {  	_ =	shalt  }
0x46: {  	_ =	shalt  }
0x47: {  	_ =	shalt  }
0x48: {  	_ =	shalt  }
0x49: {  	_ =	shalt  }
0x4a: {  	_ =	shalt  }
0x4b: {  	_ =	shalt  }
0x4c: {  	_ =	shalt  }
0x4d: {  	_ =	shalt  }
0x4e: {  	_ =	shalt  }
0x4f: {  	_ =	shalt  }
0x50: {  	_ =	shalt  }
0x51: {  	_ =	shalt  }
0x52: {  	_ =	shalt  }
0x53: {  	_ =	shalt  }
0x54: {  	_ =	shalt  }
0x55: {  	_ =	shalt  }
0x56: {  	_ =	shalt  }
0x57: {  	_ =	shalt  }
0x58: {  	_ =	shalt  }
0x59: {  	_ =	shalt  }
0x5a: {  	_ =	shalt  }
0x5b: {  	_ =	shalt  }
0x5c: {  	_ =	shalt  }
0x5d: {  	_ =	shalt  }
0x5e: {  	_ =	shalt  }
0x5f: {  	_ =	shalt  }
0x60: {  	_ =	shalt  }
0x61: {  	_ =	shalt  }
0x62: {  	_ =	shalt  }
0x63: {  	_ =	shalt  }
0x64: {  	_ =	shalt  }
0x65: {  	_ =	shalt  }
0x66: {  	_ =	shalt  }
0x67: {  	_ =	shalt  }
0x68: {  	_ =	shalt  }
0x69: {  	_ =	shalt  }
0x6a: {  	_ =	shalt  }
0x6b: {  	_ =	shalt  }
0x6c: {  	_ =	shalt  }
0x6d: {  	_ =	shalt  }
0x6e: {  	_ =	shalt  }
0x6f: {  	_ =	shalt  }
0x70: {  	_ =	shalt  }
0x71: {  	_ =	shalt  }
0x72: {  	_ =	shalt  }
0x73: {  	_ =	shalt  }
0x74: {  	_ =	shalt  }
0x75: {  	_ =	shalt  }
0x76: {  	_ =	shalt  }
0x77: {  	_ =	shalt  }
0x78: {  	_ =	shalt  }
0x79: {  	_ =	shalt  }
0x7a: {  	_ =	shalt  }
0x7b: {  	_ =	shalt  }
0x7c: {  	_ =	shalt  }
0x7d: {  	_ =	shalt  }
0x7e: {  	_ =	shalt  }
0x7f: {  	_ =	shalt  }
0x80: {  	_ =	shalt  }
0x81: {  	_ =	shalt  }
0x82: {  	_ =	shalt  }
0x83: {  	_ =	shalt  }
0x84: {  	_ =	shalt  }
0x85: {  	_ =	shalt  }
0x86: {  	_ =	shalt  }
0x87: {  	_ =	shalt  }
.Lfunc_end0:
.L_simem_size_0:
called_computation.2_lowered:
.L_overlay_start_0:
0x88: {  	s2 =	sld [smem:$0x3FD9]  }
0x89: {  	s3 =	sld [smem:$0x3FFE];
	_ =	sdelay $0x1  }
0x8a: {  	s1 =	srdreg.scid  }
0x8b: {  	s0 =	sand.u32 $0x1, s1  }
0x8c: {  	s17 =	sshll.u32 s0, $0xA;
	s2 =	sadd.s32 s3, s2  }
0x8d: {  	s2 =	sadd.s32 s2, s17  }
0x8e: {  	[smem:$0x3FC6] =	sst s2  }
0x8f: {  	_ = 	snop  }
0x90: {  	s2 =	sld [smem:$0x3FD0];
	(tm) =	ssettm $0x1  }
0x91: {  	s18 =	sld [smem:$0x3FFB];
	_ =	sdelay $0x3  }
0x92: {  	_ =	strace s18  }
0x93: {  	s3 =	sld [smem:$0x3FFC];
	_ =	sdelay $0x3  }
0x94: {  	_ =	strace s3  }
0x95: {  	s3 =	sld [smem:$0x3FFD];
	_ =	sdelay $0x3  }
0x96: {  	_ =	strace s3  }
0x97: {  	_ =	strace $0x8FFFFFFF  }
0x98: {  	s19 =	sld [smem:$0x3FDB];
	_ =	sdelay $0x1  }
0x99: {  	s4 =	simm.s32 $_scs_section_size  }
0x9a: {  	s5 =	simm.s32 $_size__tile_overlayer_lowered;
	s6 =	simm.s32 $_tile_overlayer_lowered  }
0x9b: {  	s22 =	simm.s32 $0x1BFF;
	s21 =	sshll.u32 s6, $0x1;
	s3 =	sadd.s32 s4, s19  }
0x9c: {  	s7 =	simm.s32 $0x0;
	s20 =	sshll.u32 s5, $0x1;
	s5 =	sadd.s32 s21, s3  }
0x9d: {  	[timem:s7], [sflag:s22] =	dma.local [hbm:s5], s20  }
0x9e: {  	_ =	swait.ge [sflag:s22], s20  }
0x9f: {  	s4 =	ssub.s32 $0x0, s20;
	[sflag:s22] =	ssyncset.done $0x0  }
0xa0: {  	[sflag:s22] =	ssyncadd.s32 s4;
	_ =	sdelay $0x1  }
0xa1: {  	s23 =	simm.s32 $0x1B8B  }
0xa2: {  	_ =	swait.ge [sflag:s23], $0x1  }
0xa3: {  	[sflag:s23] =	ssyncset.done $0x0  }
0xa4: {  	s25 =	simm.s32 $0x1B8E;
	s24 =	sld [smem:$0x3FFE];
	[sflag:s23] =	ssyncadd.s32 $0xFFFFFFFF  }
0xa5: {  	s26 =	simm.s32 $execute0_lowered;
	[smem:$0x3FD2] =	sst s25  }
0xa6: {  	s5 =	sshll.u32 s26, $0x1;
	_ =	strace $0x80000049;
	[dreg:$0x1] =	wrdreg $0xFFFFFFFF  }
0xa7: {  	s28 =	simm.s32 $_size_execute0_lowered;
	s3 =	sadd.s32 s3, s5;
	[dreg:$0x0] =	wrdreg $0x0  }
0xa8: {  	s5 =	sshll.u32 s28, $0x1;
	[dreg:$0x2] =	wrdreg s3  }
0xa9: {  	[dreg:$0x3] =	wrdreg s5  }
0xaa: {  	[dreg:$0x4] =	wrdreg $0xC0  }
0xab: {  	_ =	task [dreg:s7], $0x5FFFF  }
0xac: {  	[dreg:$0x1] =	wrdreg $0xFFFFFFFF  }
0xad: {  	[dreg:$0x0] =	wrdreg $0x60  }
0xae: {  	[dreg:$0x2] =	wrdreg s2  }
0xaf: {  	[dreg:$0x3] =	wrdreg s24  }
0xb0: {  	[dreg:$0x4] =	wrdreg $0x9  }
0xb1: {  	_ =	task.clear_ibuf [dreg:s7], $0x5FFFF;
	_ =	strace $0x90000049  }
0xb2: {  	s29 =	simm.s32 $0x9;
	_ =	strace $0x8000004B  }
0xb3: {  	_ =	swait.ge [sflag:s29], $0x1  }
0xb4: {  	[sflag:s29] =	ssyncadd.s32 $0xFFFFFFFF  }
0xb5: {  	_ =	strace $0x9000004B  }
0xb6: {  	_ =	sfence  }
0xb7: {  	s30 =	sld [smem:$0x0];
	_ =	sdelay $0x2  }
0xb8: {  	s31 =	sshll.u32 s1, $0xD;
	s1 =	sshrl.u32 s1, $0x2  }
0xb9: {  	s3 =	sand.u32 $0x4000, s31;
	s1 =	sadd.s32 s1, s30  }
0xba: {  	s0 =	sor.u32 s3, s0;
	s1 =	sshll.u32 s1, $0x11  }
0xbb: {  	s0 =	sor.u32 s1, s0  }
0xbc: {  	s0 =	sadd.s32 $0x8F2B, s0  }
0xbd: {  	[sflag:s0] =	ssyncadd.remote.s32 $0x1  }
0xbe: {  	_ =	sfence.sel $0xFFFF  }
0xbf: {  	[dreg:$0x0] =	wrdreg $0xFFFFFFFF;
	(pc) =	sbr.abs _section_cstart, $3  }
0xc0: {  	[dreg:$0x1] =	wrdreg $0xFFFFFFFF  }
0xc1: {  	_ =	task.clear_ibuf [dreg:s7], $0x2FFFF;
	_ =	strace $0x9FFFFFFF  }
0xc2: {  	(tm) =	ssettm $0x7FFFFFFF  }
0xc3: {  	_ =	shalt  }
tec
execute0_lowered:
.L_overlay_start_1:
0x0: {  	(tag) =	ssettag $0x1  }
0x1: {  	s4 =	rddreg [dreg:$0x0];
	s1 =	srdreg.scid  }
0x2: {  	s0 =	stileid.u32;
	s5 =	rddreg [dreg:$0x1]  }
0x3: {  	s2 =	simm.s32 $0x0;
	s12 =	simm.s32 $0x80;
	s13 =	simm.s32 $0x5C00  }
0x4: {  	s14 =	simm.s32 $0x1;
	s15 =	simm.s32 $0x2;
	s16 =	simm.s32 $0x1880  }
0x5: {  	s17 =	simm.s32 $0x0;
	s6 =	sand.u32 $0x1, s1;
	s3 =	sshll.u32 s0, $0x1  }
0x6: {  	[smem:$0x7FF] =	sst s2;
	s10 =	smul.u32 $0x190000, s0;
	s11 =	sadd.s32 $0xF43600, s5  }
0x7: {  	s3 =	sor.u32 s6, s3;
	s9 =	ssub.s32 $0x2, s6;
	s6 =	smul.u32 $0xC8000, s6  }
0x8: {  	s1 =	rddreg [dreg:$0x2];
	_ =	strace $0x8000004A;
	s7 =	smul.u32 $0x380, s3  }
0x9: {  	s8 =	smul.u32 $0xC8000, s3;
	s3 =	sadd.s32 $0x1200, s5;
	s26 =	sshrl.u32 s9, $0x1  }
0xa: {  	s5 =	ssub.s32 s9, s26;
	s29 =	sadd.s32 s6, s10;
	s4 =	sadd.s32 s4, s7  }
0xb: {  	s28 =	sshrl.u32 s8, $0x3;
	s5 =	smax.u32 s5, $0x1;
	s30 =	sshrl.u32 s29, $0x3  }
0xc: {  	s10 =	sor.u32 $0x4000, s29;
	s7 =	sadd.s32 s11, s28;
	s8 =	sadd.s32 s30, s11  }
0xd: {  	s31 =	sshrl.u32 s10, $0x3;
	s10 =	simm.s32 $0x3;
	s6 =	sadd.s32 $0x18000, s7  }
0xe: {  	s7 =	sadd.s32 $0x18800, s7;
	s9 =	sadd.s32 s31, s11;
	s11 =	simm.s32 $0x1C00  }
.LBB2_1:
0xf: {  	[tilespmem:s2], [sflag:$0x3] =	stream.linear.gather [hbm4b:s4+s2], $0x1900, $0x38;
	[tilespmem:$0x9C00] =	vst v63  }
0x10: {  	_ =	swait.ge [sflag:s10], $0x1900  }
0x11: {  	[sflag:s10] =	ssyncset.done $0x0  }
0x12: {  	[sflag:s10] =	ssyncadd.s32 $0xFFFFE700  }
0x13: {  	[tilespmem:s11], [sflag:$0x1] =	stream.indirect.gather [hbm4b:s3+s12], $0x80, s2, s12, $0xb8;
	[tilespmem:$0x9C00] =	vst v63  }
0x14: {  	_ = 	snop  }
0x15: {  	[tilespmem:s13], [sflag:$0x2] =	stream.indirect.gather [hbm4b:s3+s12], $0x80, s12, s12, $0xb8;
	[tilespmem:$0x9C00] =	vst v63  }
0x16: {  	_ =	swait.ge [sflag:s14], $0x4000  }
0x17: {  	[sflag:s14] =	ssyncset.done $0x0  }
0x18: {  	s18 =	sadd.s32 $0x0, s8;
	[sflag:s14] =	ssyncadd.s32 $0xFFFFC000  }
0x19: {  	[hbm4b:s18+s2] =	stream.linear.scatter [tilespmem:s11], [sflag:$0x3], $0x4000, $0x38;
	[tilespmem:$0x9C00] =	vst v63  }
0x1a: {  	_ =	swait.ge [sflag:s10], $0x4000  }
0x1b: {  	[sflag:s10] =	ssyncset.done $0x0  }
0x1c: {  	s30 =	simm.s32 $0x100;
	[sflag:s10] =	ssyncadd.s32 $0xFFFFC000  }
0x1d: {  	[tilespmem:s11], [sflag:$0x1] =	stream.indirect.gather [hbm4b:s3+s12], $0x80, s30, s12, $0xb8;
	[tilespmem:$0x9C00] =	vst v63  }
0x1e: {  	_ =	swait.ge [sflag:s15], $0x4000  }
0x1f: {  	[sflag:s15] =	ssyncset.done $0x0  }
0x20: {  	s31 =	sadd.s32 $0x0, s9;
	[sflag:s15] =	ssyncadd.s32 $0xFFFFC000  }
0x21: {  	[hbm4b:s31+s2] =	stream.linear.scatter [tilespmem:s13], [sflag:$0x3], $0x4000, $0x38;
	[tilespmem:$0x9C00] =	vst v63  }
0x22: {  	_ =	swait.ge [sflag:s10], $0x4000  }
0x23: {  	s19 =	simm.s32 $0x80;
	s18 =	simm.s32 $0x1000;
	[sflag:s10] =	ssyncset.done $0x0  }
.LBB2_2:
0x24: {  	p0 =	sne.s32 s18, $0x17000;
	[sflag:s10] =	ssyncadd.s32 $0xFFFFC000;
	s19 =	sadd.s32 $0x100, s19  }
0x25: {  	[tilespmem:s13], [sflag:$0x2] =	stream.indirect.gather [hbm4b:s3+s12], $0x80, s19, s12, $0xb8;
	[tilespmem:$0x9C00] =	vst v63  }
0x26: {  	s20 =	smov.u32 s18;
	s18 =	sadd.s32 $0x1000, s18;
	_ =	swait.ge [sflag:s14], $0x4000  }
0x27: {  	[sflag:s14] =	ssyncset.done $0x0  }
0x28: {  	s21 =	sadd.s32 s20, s8;
	[sflag:s14] =	ssyncadd.s32 $0xFFFFC000  }
0x29: {  	[hbm4b:s21+s2] =	stream.linear.scatter [tilespmem:s11], [sflag:$0x3], $0x4000, $0x38;
	[tilespmem:$0x9C00] =	vst v63  }
0x2a: {  	_ =	swait.ge [sflag:s10], $0x4000  }
0x2b: {  	[sflag:s10] =	ssyncset.done $0x0  }
0x2c: {  	s21 =	sadd.s32 $0x80, s19;
	[sflag:s10] =	ssyncadd.s32 $0xFFFFC000  }
0x2d: {  	[tilespmem:s11], [sflag:$0x1] =	stream.indirect.gather [hbm4b:s3+s12], $0x80, s21, s12, $0xb8;
	[tilespmem:$0x9C00] =	vst v63  }
0x2e: {  	_ =	swait.ge [sflag:s15], $0x4000  }
.Ltmp0:
0x2f: {  	[sflag:s15] =	ssyncset.done $0x0;
	(pc) =	sbr.rel @p0 .LBB2_2-.Ltmp0, $4  }
0x30: {  	s20 =	sadd.s32 s20, s9;
	[sflag:s15] =	ssyncadd.s32 $0xFFFFC000  }
0x31: {  	[hbm4b:s20+s2] =	stream.linear.scatter [tilespmem:s13], [sflag:$0x3], $0x4000, $0x38;
	[tilespmem:$0x9C00] =	vst v63  }
0x32: {  	_ =	swait.ge [sflag:s10], $0x4000  }
0x33: {  	[sflag:s10] =	ssyncset.done $0x0  }
0x34: {  	[sflag:s10] =	ssyncadd.s32 $0xFFFFC000  }
0x35: {  	[tilespmem:s13], [sflag:$0x2] =	stream.indirect.gather [hbm4b:s3+s12], $0x80, s16, s12, $0xb8;
	[tilespmem:$0x9C00] =	vst v63  }
0x36: {  	_ =	swait.ge [sflag:s14], $0x4000  }
0x37: {  	[sflag:s14] =	ssyncset.done $0x0  }
0x38: {  	[sflag:s14] =	ssyncadd.s32 $0xFFFFC000  }
0x39: {  	[hbm4b:s6+s2] =	stream.linear.scatter [tilespmem:s11], [sflag:$0x3], $0x4000, $0x38;
	[tilespmem:$0x9C00] =	vst v63  }
0x3a: {  	_ =	swait.ge [sflag:s10], $0x4000  }
0x3b: {  	[sflag:s10] =	ssyncset.done $0x0  }
0x3c: {  	[sflag:s10] =	ssyncadd.s32 $0xFFFFC000  }
0x3d: {  	s17 =	sadd.s32 $0x1, s17;
	_ =	swait.ge [sflag:s15], $0x4000  }
0x3e: {  	p0 =	sne.s32 s17, s5;
	[sflag:s15] =	ssyncset.done $0x0  }
.Ltmp1:
0x3f: {  	[sflag:s15] =	ssyncadd.s32 $0xFFFFC000;
	(pc) =	sbr.rel @p0 .LBB2_1-.Ltmp1, $4  }
0x40: {  	[hbm4b:s7+s2] =	stream.linear.scatter [tilespmem:s13], [sflag:$0x3], $0x4000, $0x38;
	[tilespmem:$0x9C00] =	vst v63  }
0x41: {  	_ =	swait.ge [sflag:s10], $0x4000  }
0x42: {  	[sflag:s10] =	ssyncset.done $0x0  }
0x43: {  	[sflag:s10] =	ssyncadd.s32 $0xFFFFC000  }
0x44: {  	_ =	sfence.sel $0x180000  }
0x45: {  	[bflag:$0x0] =	sbarrier.arrive $0xFFFF  }
0x46: {  	p0 =	sne.s32 s0, $0x0;
	_ =	strace $0x9000004A  }
0x47: {  	s0 =	sadd.s32 @!p0 $0x100000, s1;
	[bflag:$0x2] =	sbarrier.arrive $0xFFFF  }
0x48: {  	[sflag:s0] =	ssyncadd.tile.s32 @!p0 $0x1;
	_ =	shalt  }
.Lfunc_end2:
_tile_overlayer_lowered:
.L_overlay_start_2:
0x49: {  	(tag) =	ssettag $0x2  }
0x4a: {  	s0 =	rddreg [dreg:$0x0];
	s2 =	stileid.u32  }
0x4b: {  	s1 =	rddreg [dreg:$0x1];
	p0 =	sne.s32 s2, $0x0  }
0x4c: {  	s3 =	rddreg [dreg:$0x2];
	[bflag:$0x3] =	sbarrier.arrive $0xFFFF;
	s2 =	simm.s32 @!p0 $0x1C03  }
0x4d: {  	[timem:s3], [sflag:s2] =	dma.local @!p0 [hbm:s0], s1  }
0x4e: {  	s0 =	simm.s32 @!p0 $0x3  }
0x4f: {  	_ =	swait.ge @!p0 [sflag:s0], s1  }
0x50: {  	s1 =	ssub.s32 @!p0 $0x0, s1;
	[sflag:s0] =	ssyncset.done @!p0 $0x0  }
0x51: {  	[sflag:s0] =	ssyncadd.s32 @!p0 s1  }
0x52: {  	[bflag:$0x3] =	sbarrier.arrive $0xFFFF  }
0x53: {  	_ =	shalt  }

// kernel: sparse-core-data-format-call.cloned.1.call-start
scs
called_computation_lowered:
.L_overlay_start_0:
0x0: {  	s2 =	sld [smem:$0x3FD9]  }
0x1: {  	s3 =	sld [smem:$0x3FFE];
	_ =	sdelay $0x1  }
0x2: {  	s1 =	srdreg.scid  }
0x3: {  	s0 =	sand.u32 $0x1, s1  }
0x4: {  	s18 =	sshll.u32 s0, $0xA;
	s2 =	sadd.s32 s3, s2  }
0x5: {  	s2 =	sadd.s32 s2, s18  }
0x6: {  	[smem:$0x3FC6] =	sst s2  }
0x7: {  	_ = 	snop  }
0x8: {  	s2 =	sld [smem:$0x3FD0];
	(tm) =	ssettm $0x1  }
0x9: {  	s19 =	sld [smem:$0x3FFB];
	_ =	sdelay $0x3  }
0xa: {  	_ =	strace s19  }
0xb: {  	s3 =	sld [smem:$0x3FFC];
	_ =	sdelay $0x3  }
0xc: {  	_ =	strace s3  }
0xd: {  	s3 =	sld [smem:$0x3FFD];
	_ =	sdelay $0x3  }
0xe: {  	_ =	strace s3  }
0xf: {  	_ =	strace $0x8FFFFFFF  }
0x10: {  	s20 =	sld [smem:$0x3FDB];
	_ =	sdelay $0x1  }
0x11: {  	s4 =	simm.s32 $_scs_section_size  }
0x12: {  	s5 =	simm.s32 $_size__tile_overlayer_lowered;
	s6 =	simm.s32 $_tile_overlayer_lowered  }
0x13: {  	s23 =	simm.s32 $0x1BFF;
	s22 =	sshll.u32 s6, $0x1;
	s3 =	sadd.s32 s4, s20  }
0x14: {  	s7 =	simm.s32 $0x0;
	s21 =	sshll.u32 s5, $0x1;
	s5 =	sadd.s32 s22, s3  }
0x15: {  	[timem:s7], [sflag:s23] =	dma.local [hbm:s5], s21  }
0x16: {  	_ =	swait.ge [sflag:s23], s21  }
0x17: {  	s4 =	ssub.s32 $0x0, s21;
	[sflag:s23] =	ssyncset.done $0x0  }
0x18: {  	[sflag:s23] =	ssyncadd.s32 s4;
	_ =	sdelay $0x1  }
0x19: {  	s24 =	simm.s32 $0x1B8B  }
0x1a: {  	_ =	swait.ge [sflag:s24], $0x1  }
0x1b: {  	[sflag:s24] =	ssyncset.done $0x0  }
0x1c: {  	s26 =	simm.s32 $0x1B8E;
	s25 =	sld [smem:$0x3FFE];
	[sflag:s24] =	ssyncadd.s32 $0xFFFFFFFF  }
0x1d: {  	s27 =	simm.s32 $execute0_lowered;
	[smem:$0x3FD2] =	sst s26  }
0x1e: {  	s5 =	sshll.u32 s27, $0x1;
	_ =	strace $0x8000004C;
	[dreg:$0x1] =	wrdreg $0xFFFFFFFF  }
0x1f: {  	s28 =	simm.s32 $_size_execute0_lowered;
	s3 =	sadd.s32 s3, s5;
	[dreg:$0x0] =	wrdreg $0x0  }
0x20: {  	s5 =	sshll.u32 s28, $0x1;
	[dreg:$0x2] =	wrdreg s3  }
0x21: {  	[dreg:$0x3] =	wrdreg s5  }
0x22: {  	[dreg:$0x4] =	wrdreg $0xC0  }
0x23: {  	_ =	task [dreg:s7], $0x5FFFF  }
0x24: {  	[dreg:$0x1] =	wrdreg $0xFFFFFFFF  }
0x25: {  	[dreg:$0x0] =	wrdreg $0x60  }
0x26: {  	[dreg:$0x2] =	wrdreg s25  }
0x27: {  	[dreg:$0x3] =	wrdreg s2  }
0x28: {  	[dreg:$0x4] =	wrdreg $0x9  }
0x29: {  	_ =	task.clear_ibuf [dreg:s7], $0x5FFFF;
	_ =	strace $0x9000004C  }
0x2a: {  	s29 =	simm.s32 $0x9;
	_ =	strace $0x8000004E  }
0x2b: {  	_ =	swait.ge [sflag:s29], $0x1  }
0x2c: {  	[sflag:s29] =	ssyncadd.s32 $0xFFFFFFFF  }
0x2d: {  	_ =	strace $0x9000004E  }
0x2e: {  	_ =	sfence  }
0x2f: {  	s30 =	sld [smem:$0x0];
	_ =	sdelay $0x2  }
0x30: {  	s31 =	sshll.u32 s1, $0xD;
	s1 =	sshrl.u32 s1, $0x2  }
0x31: {  	s3 =	sand.u32 $0x4000, s31;
	s1 =	sadd.s32 s1, s30  }
0x32: {  	s0 =	sor.u32 s3, s0;
	s1 =	sshll.u32 s1, $0x11  }
0x33: {  	s0 =	sor.u32 s1, s0  }
0x34: {  	s0 =	sadd.s32 $0x8F2B, s0  }
0x35: {  	[sflag:s0] =	ssyncadd.remote.s32 $0x1  }
0x36: {  	_ =	sfence.sel $0xFFFF  }
0x37: {  	[dreg:$0x0] =	wrdreg $0xFFFFFFFF;
	(pc) =	sbr.abs _section_cstart, $3  }
0x38: {  	[dreg:$0x1] =	wrdreg $0xFFFFFFFF  }
0x39: {  	_ =	task.clear_ibuf [dreg:s7], $0x2FFFF;
	_ =	strace $0x9FFFFFFF  }
0x3a: {  	(tm) =	ssettm $0x7FFFFFFF  }
0x3b: {  	_ =	shalt  }
tec
execute0_lowered:
.L_overlay_start_1:
0x0: {  	(tag) =	ssettag $0x1  }
0x1: {  	s0 =	srdreg.scid  }
0x2: {  	s1 =	sshll.u32 s0, $0x4  }
0x3: {  	s6 =	rddreg [dreg:$0x0];
	s0 =	stileid.u32;
	s1 =	sand.u32 $0x10, s1  }
0x4: {  	s3 =	rddreg [dreg:$0x1];
	s1 =	sor.u32 s0, s1  }
0x5: {  	s5 =	simm.s32 $0x1;
	s31 =	simm.s32 $0x2;
	s2 =	sshll.u32 s1, $0x7  }
0x6: {  	s15 =	simm.s32 $0x0;
	s8 =	simm.s32 $0x8000;
	s4 =	ssub.s32 $0x1000, s2  }
0x7: {  	s14 =	simm.s32 $0x0;
	s9 =	simm.s32 $0x0;
	s30 =	sand.u32 $0xF80, s4  }
0x8: {  	s10 =	simm.s32 $0x0;
	s11 =	simm.s32 $0x0;
	p0 =	sne.s32 s30, $0x0  }
.Ltmp0:
0x9: {  	s7 =	sshrl.u32 s4, $0xC;
	s5 =	simm.s32 @!p0 $0x0;
	(pc) =	sbr.rel .LBB1_1-.Ltmp0, $4  }
0xa: {  	s13 =	simm.s32 $0x0;
	s1 =	rddreg [dreg:$0x2];
	s5 =	sadd.s32 s5, s7  }
0xb: {  	_ =	strace $0x8000004D;
	s4 =	simm.s32 $0x1;
	s5 =	smul.u32 $0x32, s5  }
0xc: {  	s6 =	sadd.s32 $0xE00, s6;
	s12 =	smov.u32 s2;
	[sflag:s4] =	ssyncpa.u1 $0x0  }
0xd: {  	[sflag:s31] =	ssyncpa.u1 $0x0;
	p0 =	por $0x0, $0x0;
	s7 =	sor.u32 $0x1, s5  }
.LBB1_4:
0xe: {  	s20 =	sshra.s32 s20, $0x2;
	s28 =	sshll.u32 s10, $0x3;
	p1 =	sgt.s32 s9, $0x31  }
0xf: {  	s21 =	smov.u32 s9;
	s23 =	sshra.s32 s9, $0x1F;
	s24 =	smov.u32 s10  }
0x10: {  	v5 =	vld [tilespmem:s17+$0xFFFFFFD0];
	[tilespmem:s18+$0x2040 ss:$0x81] =	vst.msk $0xffff, v4;
	s25 =	sshra.s32 s10, $0x1F;
	s26 =	sand.u32 $0x78, s10;
	s19 =	sadd.s32 s20, s19  }
0x11: {  	v58 =	vld [tilespmem:s17+$0xFFFFFFE0];
	[tilespmem:s18+$0x2850 ss:$0x81] =	vst.msk $0xffff, v3;
	s22 =	sshrl.u32 s28, $0xC;
	s21 =	simm.s32 @!p1 $0x31;
	s23 =	sand.u32 s23, s9  }
0x12: {  	v59 =	vld [tilespmem:s17+$0xFFFFFFF0];
	[tilespmem:s18+$0x3060 ss:$0x81] =	vst.msk $0xffff, v2;
	p1 =	sgt.s32 s10, $0xF80;
	s29 =	sand.u32 s25, s10;
	s20 =	sand.u32 $0xC00, s28  }
0x13: {  	v60 =	vld [tilespmem:s17+$0x0];
	[tilespmem:s18+$0x0 ss:$0x81] =	vst.msk $0xffff, v0;
	s28 =	smul.u32 $0xD000, s9;
	s21 =	ssub.s32 s21, s23;
	s24 =	simm.s32 @!p1 $0xF80  }
0x14: {  	v61 =	vld [tilespmem:s17+$0x10];
	s30 =	smulhi.u32 $0x2762763, s22;
	[tilespmem:s19+$0x3870 ss:$0x81] =	vst.msk $0xffff, v1;
	s20 =	sor.u32 s26, s20;
	s31 =	ssub.s32 $0x32, s21  }
0x15: {  	v62 =	vld [tilespmem:s17+$0x20];
	s23 =	ssub.s32 s24, s29;
	s21 =	sadd.s32 $0xFFFFFFCF, s21;
	s25 =	smul.u32 $0x68, s31;
	[tilespmem:s19+$0x810 ss:$0x81] =	vst.msk $0xffff, v5  }
0x16: {  	v63 =	vld [tilespmem:s17+$0xFFFFFFC0];
	s18 =	smul.u32 $0x68, s30;
	p1 =	sgt.s32 s21, $0x0;
	s27 =	sadd.s32 $0xFFFFF080, s23;
	[tilespmem:s19+$0x1020 ss:$0x81] =	vst.msk $0xffff, v58  }
0x17: {  	s17 =	ssub.s32 $0x1000, s23;
	[tilespmem:s19+$0x1830 ss:$0x81] =	vst.msk $0xffff, v59;
	s25 =	simm.s32 @p1 $0x0;
	p1 =	sgt.s32 s27, $0x7F  }
0x18: {  	s29 =	sand.u32 $0x7, s10;
	[tilespmem:s19+$0x2040 ss:$0x81] =	vst.msk $0xffff, v60;
	s18 =	ssub.s32 s22, s18;
	s17 =	simm.s32 @p1 $0x0  }
0x19: {  	s21 =	sadd.s32 s3, s28;
	[tilespmem:s19+$0x2850 ss:$0x81] =	vst.msk $0xffff, v61;
	s18 =	sshll.u32 s18, $0x9;
	s17 =	smul.u32 s17, s25  }
0x1a: {  	s20 =	sshrl.u32 s20, $0x3;
	s30 =	sshll.u32 s29, $0x12;
	[tilespmem:s19+$0x3060 ss:$0x81] =	vst.msk $0xffff, v62;
	s18 =	sadd.s32 s18, s21  }
0x1b: {  	[tilespmem:s19+$0x0 ss:$0x81] =	vst.msk $0xffff, v63;
	s31 =	sor.u32 $0x400, s30;
	s18 =	sadd.s32 s20, s18;
	s17 =	sand.u32 $0x3FFFFFF8, s17  }
0x1c: {  	[hbm4b:s18+s31] =	stream.strided.scatter [tilespmem:s16], [sflag:$0x2], s17, s8, s31, $0x20;
	[tilespmem:$0x10100] =	vst v63  }
.LBB1_5:
0x1d: {  	p1 =	slt.u32 s13, $0x2  }
0x1e: {  	s17 =	smov.u32 s15;
	p2 =	sgt.s32 @!p1 s15, $0x31;
	s16 =	sshra.s32 @!p1 s15, $0x1F  }
0x1f: {  	p3 =	sgt.s32 @!p1 s14, $0xF80;
	s18 =	sshra.s32 @!p1 s14, $0x1F;
	p2 =	por !p2, p1  }
0x20: {  	s15 =	sand.u32 @!p1 s16, s15;
	p3 =	por !p3, p1;
	s16 =	smov.u32 s14  }
0x21: {  	s14 =	sand.u32 @!p1 s18, s14;
	s17 =	simm.s32 @p2 $0x31;
	s16 =	simm.s32 @p3 $0xF80  }
0x22: {  	s18 =	smov.u32 s12;
	s15 =	ssub.s32 @!p1 s17, s15;
	s14 =	ssub.s32 @!p1 s16, s14  }
0x23: {  	s16 =	sadd.s32 @!p1 $0xFFFFFFCF, s15;
	s15 =	ssub.s32 @!p1 $0x32, s15;
	s17 =	sadd.s32 @!p1 $0xFFFFF080, s14  }
0x24: {  	p2 =	sgt.s32 @!p1 s16, $0x0;
	s15 =	smul.u32 @!p1 $0x68, s15;
	p3 =	sgt.s32 @!p1 s17, $0x7F  }
0x25: {  	s14 =	ssub.s32 @!p1 $0x1000, s14;
	p2 =	por !p2, p1;
	p3 =	por !p3, p1  }
0x26: {  	s16 =	sadd.s32 $0x1, s11;
	s15 =	simm.s32 @!p2 $0x0;
	s14 =	simm.s32 @!p3 $0x0  }
0x27: {  	p2 =	sgt.s32 s16, $0x31;
	s14 =	smul.u32 @!p1 s14, s15;
	s15 =	sadd.s32 $0x1000, s12  }
0x28: {  	s18 =	smov.u32 @p2 s15  }
0x29: {  	s16 =	simm.s32 @p2 $0x0;
	p2 =	sgt.s32 s18, $0xFFF  }
0x2a: {  	s18 =	smov.u32 @p2 s2;
	p2 =	sne.s32 s13, s7  }
.Ltmp1:
0x2b: {  	p0 =	por !p0, !p0;
	s17 =	simm.s32 @!p1 $0x2;
	(pc) =	sbr.rel @!p2 .LBB1_6-.Ltmp1, $4  }
0x2c: {  	s15 =	smov.u32 s9;
	s9 =	smov.u32 s11;
	s14 =	sand.u32 @!p1 $0x3FFFFFF8, s14  }
0x2d: {  	s11 =	smov.u32 s16;
	_ =	swait.ge @!p1 [sflag:s17], s14;
	s19 =	ssub.s32 @!p1 $0x0, s14  }
0x2e: {  	s14 =	smov.u32 s10;
	s13 =	sadd.s32 $0x1, s13;
	[sflag:s17] =	ssyncset.done @!p1 $0x0  }
0x2f: {  	s10 =	smov.u32 s12;
	s12 =	smov.u32 s18;
	[sflag:s17] =	ssyncadd.s32 @!p1 s19  }
.LBB1_1:
0x30: {  	p1 =	sge.u32 s13, s5  }
0x31: {  	s16 =	sand.u32 @!p1 $0x1FFFFFF, s11  }
0x32: {  	s17 =	smulhi.u32 @!p1 $0x4924925, s16;
	_ =	sdelay $0x1  }
0x33: {  	s17 =	smul.u32 @!p1 $0x38, s17  }
0x34: {  	s18 =	sxor.u32 @!p1 $0xFFFFFFFF, s13;
	s19 =	smul.u32 @!p1 $0x380, s12  }
0x35: {  	s31 =	sadd.s32 $0xFFFFFFFF, s13;
	s18 =	sshll.u32 @!p1 s18, $0xE;
	s16 =	ssub.s32 @!p1 s16, s17  }
0x36: {  	s17 =	sand.u32 @!p1 $0x4000, s18;
	s18 =	sadd.s32 @!p1 s6, s19;
	s16 =	sshll.u32 @!p1 s16, $0x4  }
0x37: {  	s19 =	simm.s32 @!p1 $0x1C00;
	s16 =	sadd.s32 @!p1 s16, s18;
	s18 =	simm.s32 @!p1 $0x80  }
0x38: {  	[tilespmem:s17], [sflag:$0x1] =	stream.strided.gather @!p1 [hbm4b:s16+s18], $0x4000, s19, s18, $0x38;
	[tilespmem:$0x10100] =	vst v63  }
0x39: {  	p1 =	sge.u32 s31, s5  }
.Ltmp2:
0x3a: {  	_ = 	snop;
	(pc) =	sbr.rel @p1 .LBB1_5-.Ltmp2, $1  }
0x3b: {  	_ =	sdelay $0x3  }
0x3c: {  	s16 =	simm.s32 $0x1  }
0x3d: {  	_ =	swait.ge [sflag:s4], $0x4000;
	s16 =	simm.s32 @!p0 $0x0  }
0x3e: {  	[sflag:s4] =	ssyncset.done $0x0;
	s17 =	sshll.u32 s16, $0xE  }
0x3f: {  	[sflag:s4] =	ssyncadd.s32 $0xFFFFC000;
	s17 =	sor.u32 $0x40, s17  }
0x40: {  	s16 =	smul.u32 $0x10200, s16;
	v0 =	vld [tilespmem:s17+$0x30]  }
0x41: {  	v1 =	vld [tilespmem:s17+$0xFFFFFFD0]  }
0x42: {  	s16 =	sshrl.u32 s16, $0x2;
	v5 =	vld [tilespmem:s17+$0xFFFFFFE0]  }
0x43: {  	v6 =	vld [tilespmem:s17+$0xFFFFFFF0];
	s19 =	sor.u32 $0x8000, s16  }
0x44: {  	s31 =	sand.u32 $0x1, s13;
	v4 =	vld [tilespmem:s17+$0x0];
	s18 =	sadd.s32 $0x0, s19  }
0x45: {  	v3 =	vld [tilespmem:s17+$0x10];
	s16 =	smul.u32 $0x10200, s31;
	[tilespmem:s18+$0x3870 ss:$0x81] =	vst.msk $0xffff, v0  }
0x46: {  	v2 =	vld [tilespmem:s17+$0x20];
	[tilespmem:s18+$0x810 ss:$0x81] =	vst.msk $0xffff, v1  }
0x47: {  	s16 =	sshrl.u32 s16, $0x2;
	v0 =	vld [tilespmem:s17+$0xFFFFFFC0];
	[tilespmem:s18+$0x1020 ss:$0x81] =	vst.msk $0xffff, v5;
	s17 =	sadd.s32 $0x80, s17  }
0x48: {  	s20 =	simm.s32 $0x4;
	s21 =	simm.s32 $0x8;
	s16 =	sor.u32 $0x8000, s16;
	[tilespmem:s18+$0x1830 ss:$0x81] =	vst.msk $0xffff, v6;
	v1 =	vld [tilespmem:s17+$0x30]  }
.LBB1_3:
0x49: {  	p1 =	sne.s32 s21, $0x1FC;
	v5 =	vld [tilespmem:s17+$0xFFFFFFD0];
	[tilespmem:s18+$0x2040 ss:$0x81] =	vst.msk $0xffff, v4  }
0x4a: {  	v6 =	vld [tilespmem:s17+$0xFFFFFFE0];
	[tilespmem:s18+$0x2850 ss:$0x81] =	vst.msk $0xffff, v3  }
0x4b: {  	s22 =	sshra.s32 s20, $0x2;
	s20 =	smov.u32 s21;
	v7 =	vld [tilespmem:s17+$0xFFFFFFF0];
	[tilespmem:s18+$0x3060 ss:$0x81] =	vst.msk $0xffff, v2  }
.Ltmp3:
0x4c: {  	v4 =	vld [tilespmem:s17+$0x0];
	[tilespmem:s18+$0x0 ss:$0x81] =	vst.msk $0xffff, v0;
	s18 =	sadd.s32 s22, s19;
	(pc) =	sbr.rel @p1 .LBB1_3-.Ltmp3, $4  }
0x4d: {  	v3 =	vld [tilespmem:s17+$0x10];
	[tilespmem:s18+$0x3870 ss:$0x81] =	vst.msk $0xffff, v1  }
0x4e: {  	[tilespmem:s18+$0x810 ss:$0x81] =	vst.msk $0xffff, v5;
	v2 =	vld [tilespmem:s17+$0x20]  }
0x4f: {  	v0 =	vld [tilespmem:s17+$0xFFFFFFC0];
	[tilespmem:s18+$0x1020 ss:$0x81] =	vst.msk $0xffff, v6;
	s17 =	sadd.s32 $0x80, s17  }
0x50: {  	s21 =	sadd.s32 $0x4, s21;
	v1 =	vld [tilespmem:s17+$0x30];
	[tilespmem:s18+$0x1830 ss:$0x81] =	vst.msk $0xffff, v7  }
.Ltmp4:
0x51: {  	_ = 	snop;
	(pc) =	sbr.rel .LBB1_4-.Ltmp4, $1  }
0x52: {  	_ =	sdelay $0x3  }
.LBB1_6:
0x53: {  	_ =	sfence.sel $0x180000  }
0x54: {  	s2 =	simm.s32 $0x1;
	[bflag:$0x0] =	sbarrier.arrive $0xFFFF  }
0x55: {  	s31 =	simm.s32 $0x2;
	[sflag:s2] =	ssyncpa.u1 $0x1  }
0x56: {  	[sflag:s31] =	ssyncpa.u1 $0x1  }
0x57: {  	p0 =	sne.s32 s0, $0x0;
	_ =	strace $0x9000004D  }
0x58: {  	s0 =	sadd.s32 @!p0 $0x100000, s1;
	[bflag:$0x2] =	sbarrier.arrive $0xFFFF  }
0x59: {  	[sflag:s0] =	ssyncadd.tile.s32 @!p0 $0x1;
	_ =	shalt  }
.Lfunc_end1:
_tile_overlayer_lowered:
.L_overlay_start_2:
0x5a: {  	(tag) =	ssettag $0x2  }
0x5b: {  	s0 =	rddreg [dreg:$0x0];
	s2 =	stileid.u32  }
0x5c: {  	s1 =	rddreg [dreg:$0x1];
	p0 =	sne.s32 s2, $0x0  }
0x5d: {  	s3 =	rddreg [dreg:$0x2];
	[bflag:$0x3] =	sbarrier.arrive $0xFFFF;
	s2 =	simm.s32 @!p0 $0x1C01  }
0x5e: {  	[timem:s3], [sflag:s2] =	dma.local @!p0 [hbm:s0], s1  }
0x5f: {  	s0 =	simm.s32 @!p0 $0x1  }
0x60: {  	_ =	swait.ge @!p0 [sflag:s0], s1  }
0x61: {  	s1 =	ssub.s32 @!p0 $0x0, s1;
	[sflag:s0] =	ssyncset.done @!p0 $0x0  }
0x62: {  	[sflag:s0] =	ssyncadd.s32 @!p0 s1  }
0x63: {  	[bflag:$0x3] =	sbarrier.arrive $0xFFFF  }
0x64: {  	_ =	shalt  }

</sc_bundles>
